<compile_context>
chip_gen: v7x
topology: tpu7x:2x2x1
jax: 0.10.2.dev20260603
libtpu: 0.0.44.dev20260713+nightly
codegen_flags: <defaults>
</compile_context>

<pallas_src>
import functools

import jax
import jax.numpy as jnp
from jax import lax
from jax.experimental import pallas as pl
from jax.experimental.pallas import tpu as pltpu
from jax.experimental.pallas import tpu_sc as plsc

_CHUNK = 128
_NC = 2
_NS = 16
_NW = _NC * _NS


def _sc_aggregate(x, src, dst, ew):
    n, d = x.shape
    _, ch, ck = src.shape
    rows_per_sub = n // _NS
    mesh = plsc.VectorSubcoreMesh(core_axis_name="c", subcore_axis_name="s")

    @functools.partial(
        pl.kernel,
        out_type=jax.ShapeDtypeStruct((_NC, n, d), jnp.float32),
        mesh=mesh,
        scratch_types=[
            pltpu.VMEM((ch, ck), jnp.int32),
            pltpu.VMEM((ch, ck), jnp.int32),
            pltpu.VMEM((ch, ck), jnp.float32),
            pltpu.VMEM((ck, d), jnp.float32),
            pltpu.VMEM_SHARED((n, d), jnp.float32),
        ],
    )
    def agg(x_hbm, src_hbm, dst_hbm, ew_hbm, out_hbm,
            src_v, dst_v, ew_v, rows_v, acc):
        cid = lax.axis_index("c")
        sid = lax.axis_index("s")
        wid = cid * _NS + sid

        @pl.loop(0, ck)
        def _(r):
            for k in range(d // 16):
                rows_v.at[r, pl.ds(k * 16, 16)][...] = jnp.zeros((16,), jnp.float32)

        @pl.loop(0, rows_per_sub // ck)
        def _(i):
            pltpu.sync_copy(
                rows_v, acc.at[pl.ds(sid * rows_per_sub + i * ck, ck)])

        pltpu.sync_copy(src_hbm.at[wid], src_v)
        pltpu.sync_copy(dst_hbm.at[wid], dst_v)
        pltpu.sync_copy(ew_hbm.at[wid], ew_v)

        plsc.subcore_barrier()

        @pl.loop(0, ch)
        def _(j):
            pltpu.sync_copy(x_hbm.at[src_v.at[j]], rows_v)

            @pl.loop(0, ck // 16)
            def _(g):
                ew_vec = ew_v[j, pl.ds(g * 16, 16)]
                for t in range(16):
                    sv = jnp.full((16,), ew_vec[t], jnp.float32)
                    for k in range(d // 16):
                        sl = pl.ds(k * 16, 16)
                        rows_v.at[g * 16 + t, sl][...] = (
                            rows_v.at[g * 16 + t, sl][...] * sv)

            pltpu.sync_copy(rows_v, acc.at[dst_v.at[j]], add=True)

        plsc.subcore_barrier()

        pltpu.sync_copy(
            acc.at[pl.ds(sid * rows_per_sub, rows_per_sub)],
            out_hbm.at[cid, pl.ds(sid * rows_per_sub, rows_per_sub)])

    return agg(x, src, dst, ew)


def _mm_bias(partials, w, b):
    _, n, d = partials.shape
    dout = w.shape[1]
    bm = n // 5

    def body(p_ref, w_ref, b_ref, o_ref):
        acc = p_ref[0] + p_ref[1]
        o_ref[...] = (
            jnp.dot(acc, w_ref[...], preferred_element_type=jnp.float32)
            + b_ref[...])

    return pl.pallas_call(
        body,
        grid=(n // bm,),
        in_specs=[
            pl.BlockSpec((2, bm, d), lambda i: (0, i, 0)),
            pl.BlockSpec((d, dout), lambda i: (0, 0)),
            pl.BlockSpec((1, dout), lambda i: (0, 0)),
        ],
        out_specs=pl.BlockSpec((bm, dout), lambda i: (i, 0)),
        out_shape=jax.ShapeDtypeStruct((n, dout), jnp.float32),
    )(partials, w, b.reshape(1, dout))


def kernel(input_feature, edge_weight, weight, bias, edge_index):
    x = input_feature.astype(jnp.float32)
    src = edge_index[0].astype(jnp.int32)
    dst = edge_index[1].astype(jnp.int32)
    ew = edge_weight.astype(jnp.float32)

    e = src.shape[0]
    ch = -(-e // (_NW * _CHUNK))
    pad = _NW * ch * _CHUNK - e
    src_p = jnp.pad(src, (0, pad)).reshape(_NW, ch, _CHUNK)
    dst_p = jnp.pad(dst, (0, pad)).reshape(_NW, ch, _CHUNK)
    ew_p = jnp.pad(ew, (0, pad)).reshape(_NW, ch, _CHUNK)

    n = x.shape[0]
    n_pad = -(-n // (_NS * 8 * 5)) * (_NS * 8 * 5)
    x_p = jnp.pad(x, ((0, n_pad - n), (0, 0)))

    partials = _sc_aggregate(x_p, src_p, dst_p, ew_p)
    return _mm_bias(partials, weight, bias)[:n]

# --- scband reference (transcript-rebuilt; emitter-appended) ---
"""Pipeline reference for scband-graph-convolution-26448408608813 (READ-ONLY COPY).

The authoritative reference and input builder live on the scoring server;
editing this copy changes nothing except your own understanding.
"""

import jax, jax.numpy as jnp
import numpy as np

N_NODES = 10000
N_EDGES = 320000
D_IN = 128
D_OUT = 128


def setup_inputs(seed: int = 0) -> dict:
    key = jax.random.key(seed)
    k1, k2, k3, k4 = jax.random.split(key, 4)
    input_feature = jax.random.normal(k1, (N_NODES, D_IN), dtype=jnp.float32)
    edge_weight = jax.random.uniform(k2, (N_EDGES,), dtype=jnp.float32)
    edge_index = jax.random.randint(k3, (2, N_EDGES), 0, N_NODES, dtype=jnp.int64)
    # kaiming_uniform init for weight (fan_in = D_IN, gain for a=sqrt(5))
    bound = float(np.sqrt(6.0 / D_IN)) * float(np.sqrt(2.0 / (1.0 + 5.0)))
    weight = jax.random.uniform(k4, (D_IN, D_OUT), dtype=jnp.float32, minval=-bound, maxval=bound)
    bias = jnp.zeros((D_OUT,), dtype=jnp.float32)
    return {"input_feature": input_feature, "edge_weight": edge_weight,
            "weight": weight, "bias": bias, "edge_index": edge_index}


def reference(input_feature, edge_weight, weight, bias, edge_index):
    # support = X @ Theta
    support = input_feature @ weight
    # output = A_sparse @ support, where A is given in COO form (edge_index, edge_weight)
    src = edge_index[0]
    dst = edge_index[1]
    msgs = support[src] * edge_weight[:, None]
    output = jnp.zeros((input_feature.shape[0], weight.shape[1]), dtype=support.dtype).at[dst].add(msgs)
    output = output + bias
    return output

if __name__ == "__main__":
    import jax
    _d = setup_inputs()
    print(jax.jit(kernel)(*tuple(_d.values())))

</pallas_src>

<mosaic_0001>
#map = affine_map<(d0, d1) -> (0, 0)>
#map1 = affine_map<(d0, d1) -> (0, 0, 0)>
module attributes {stable_mosaic.version = 14 : i64} {
  func.func @agg(%arg0: i32, %arg1: i32, %arg2: memref<10240x128xf32, #tpu.memory_space<hbm>>, %arg3: memref<32x79x128xi32, #tpu.memory_space<hbm>>, %arg4: memref<32x79x128xi32, #tpu.memory_space<hbm>>, %arg5: memref<32x79x128xf32, #tpu.memory_space<hbm>>, %arg6: memref<2x10240x128xf32, #tpu.memory_space<hbm>>, %arg7: memref<79x128xi32, #tpu.memory_space<vmem>>, %arg8: memref<79x128xi32, #tpu.memory_space<vmem>>, %arg9: memref<79x128xf32, #tpu.memory_space<vmem>>, %arg10: memref<128x128xf32, #tpu.memory_space<vmem>>, %arg11: memref<10240x128xf32, #tpu.memory_space<vmem_shared>>) attributes {dimension_semantics = [#tpu.dimension_semantics<core_parallel>, #tpu.dimension_semantics<subcore_parallel>], iteration_bounds = array<i64: 2, 16>, scalar_prefetch = 0 : i64, scratch_operands = 5 : i64, tpu.core_type = #tpu.core_type<sc_vector_subcore>, window_params = [{transform_indices = #map}, {transform_indices = #map1}, {transform_indices = #map1}, {transform_indices = #map1}, {transform_indices = #map1}]} {
    %mul3A = arith.constant 16 : i32
    %mul3A_0 = arith.muli %arg0, %mul3A : i32
    %add3A = arith.addi %mul3A_0, %arg1 : i32
    %scan3A = arith.constant 0 : i32
    %scan3A_1 = arith.constant 128 : i32
    %scan3A_2 = arith.addi %scan3A, %scan3A_1 : i32
    %scan3A_3 = arith.constant 1 : i32
    scf.for %scan3A_20 = %scan3A to %scan3A_2 step %scan3A_3  : i32 {
      %mul3A_21 = arith.constant 1 : i32
      %mul3A_22 = arith.muli %scan3A_20, %mul3A_21 : i32
      %add3A_23 = arith.constant 0 : i32
      %add3A_24 = arith.addi %add3A_23, %mul3A_22 : i32
      %broadcast_in_dim3A = arith.constant 0.000000e+00 : f32
      %broadcast_in_dim3A_25 = vector.broadcast %broadcast_in_dim3A : f32 to vector<16xf32>
      %swap3A = arith.index_cast %add3A_24 : i32 to index
      %swap3A_26 = arith.constant 0 : index
      %swap3A_27 = tpu.vector_load %arg10[%swap3A, %swap3A_26] {strides = array<i32>} : memref<128x128xf32, #tpu.memory_space<vmem>>, vector<1x16xf32>,
      %swap3A_28 = vector.shape_cast %swap3A_27 : vector<1x16xf32> to vector<16xf32>
      %swap3A_29 = vector.shape_cast %broadcast_in_dim3A_25 : vector<16xf32> to vector<1x16xf32>
      tpu.vector_store %arg10[%swap3A, %swap3A_26], %swap3A_29 {strides = array<i32>} : memref<128x128xf32, #tpu.memory_space<vmem>>, vector<1x16xf32>,
      %broadcast_in_dim3A_30 = arith.constant 0.000000e+00 : f32
      %broadcast_in_dim3A_31 = vector.broadcast %broadcast_in_dim3A_30 : f32 to vector<16xf32>
      %swap3A_32 = arith.index_cast %add3A_24 : i32 to index
      %swap3A_33 = arith.constant 16 : index
      %swap3A_34 = tpu.vector_load %arg10[%swap3A_32, %swap3A_33] {strides = array<i32>} : memref<128x128xf32, #tpu.memory_space<vmem>>, vector<1x16xf32>,
      %swap3A_35 = vector.shape_cast %swap3A_34 : vector<1x16xf32> to vector<16xf32>
      %swap3A_36 = vector.shape_cast %broadcast_in_dim3A_31 : vector<16xf32> to vector<1x16xf32>
      tpu.vector_store %arg10[%swap3A_32, %swap3A_33], %swap3A_36 {strides = array<i32>} : memref<128x128xf32, #tpu.memory_space<vmem>>, vector<1x16xf32>,
      %broadcast_in_dim3A_37 = arith.constant 0.000000e+00 : f32
      %broadcast_in_dim3A_38 = vector.broadcast %broadcast_in_dim3A_37 : f32 to vector<16xf32>
      %swap3A_39 = arith.index_cast %add3A_24 : i32 to index
      %swap3A_40 = arith.constant 32 : index
      %swap3A_41 = tpu.vector_load %arg10[%swap3A_39, %swap3A_40] {strides = array<i32>} : memref<128x128xf32, #tpu.memory_space<vmem>>, vector<1x16xf32>,
      %swap3A_42 = vector.shape_cast %swap3A_41 : vector<1x16xf32> to vector<16xf32>
      %swap3A_43 = vector.shape_cast %broadcast_in_dim3A_38 : vector<16xf32> to vector<1x16xf32>
      tpu.vector_store %arg10[%swap3A_39, %swap3A_40], %swap3A_43 {strides = array<i32>} : memref<128x128xf32, #tpu.memory_space<vmem>>, vector<1x16xf32>,
      %broadcast_in_dim3A_44 = arith.constant 0.000000e+00 : f32
      %broadcast_in_dim3A_45 = vector.broadcast %broadcast_in_dim3A_44 : f32 to vector<16xf32>
      %swap3A_46 = arith.index_cast %add3A_24 : i32 to index
      %swap3A_47 = arith.constant 48 : index
      %swap3A_48 = tpu.vector_load %arg10[%swap3A_46, %swap3A_47] {strides = array<i32>} : memref<128x128xf32, #tpu.memory_space<vmem>>, vector<1x16xf32>,
      %swap3A_49 = vector.shape_cast %swap3A_48 : vector<1x16xf32> to vector<16xf32>
      %swap3A_50 = vector.shape_cast %broadcast_in_dim3A_45 : vector<16xf32> to vector<1x16xf32>
      tpu.vector_store %arg10[%swap3A_46, %swap3A_47], %swap3A_50 {strides = array<i32>} : memref<128x128xf32, #tpu.memory_space<vmem>>, vector<1x16xf32>,
      %broadcast_in_dim3A_51 = arith.constant 0.000000e+00 : f32
      %broadcast_in_dim3A_52 = vector.broadcast %broadcast_in_dim3A_51 : f32 to vector<16xf32>
      %swap3A_53 = arith.index_cast %add3A_24 : i32 to index
      %swap3A_54 = arith.constant 64 : index
      %swap3A_55 = tpu.vector_load %arg10[%swap3A_53, %swap3A_54] {strides = array<i32>} : memref<128x128xf32, #tpu.memory_space<vmem>>, vector<1x16xf32>,
      %swap3A_56 = vector.shape_cast %swap3A_55 : vector<1x16xf32> to vector<16xf32>
      %swap3A_57 = vector.shape_cast %broadcast_in_dim3A_52 : vector<16xf32> to vector<1x16xf32>
      tpu.vector_store %arg10[%swap3A_53, %swap3A_54], %swap3A_57 {strides = array<i32>} : memref<128x128xf32, #tpu.memory_space<vmem>>, vector<1x16xf32>,
      %broadcast_in_dim3A_58 = arith.constant 0.000000e+00 : f32
      %broadcast_in_dim3A_59 = vector.broadcast %broadcast_in_dim3A_58 : f32 to vector<16xf32>
      %swap3A_60 = arith.index_cast %add3A_24 : i32 to index
      %swap3A_61 = arith.constant 80 : index
      %swap3A_62 = tpu.vector_load %arg10[%swap3A_60, %swap3A_61] {strides = array<i32>} : memref<128x128xf32, #tpu.memory_space<vmem>>, vector<1x16xf32>,
      %swap3A_63 = vector.shape_cast %swap3A_62 : vector<1x16xf32> to vector<16xf32>
      %swap3A_64 = vector.shape_cast %broadcast_in_dim3A_59 : vector<16xf32> to vector<1x16xf32>
      tpu.vector_store %arg10[%swap3A_60, %swap3A_61], %swap3A_64 {strides = array<i32>} : memref<128x128xf32, #tpu.memory_space<vmem>>, vector<1x16xf32>,
      %broadcast_in_dim3A_65 = arith.constant 0.000000e+00 : f32
      %broadcast_in_dim3A_66 = vector.broadcast %broadcast_in_dim3A_65 : f32 to vector<16xf32>
      %swap3A_67 = arith.index_cast %add3A_24 : i32 to index
      %swap3A_68 = arith.constant 96 : index
      %swap3A_69 = tpu.vector_load %arg10[%swap3A_67, %swap3A_68] {strides = array<i32>} : memref<128x128xf32, #tpu.memory_space<vmem>>, vector<1x16xf32>,
      %swap3A_70 = vector.shape_cast %swap3A_69 : vector<1x16xf32> to vector<16xf32>
      %swap3A_71 = vector.shape_cast %broadcast_in_dim3A_66 : vector<16xf32> to vector<1x16xf32>
      tpu.vector_store %arg10[%swap3A_67, %swap3A_68], %swap3A_71 {strides = array<i32>} : memref<128x128xf32, #tpu.memory_space<vmem>>, vector<1x16xf32>,
      %broadcast_in_dim3A_72 = arith.constant 0.000000e+00 : f32
      %broadcast_in_dim3A_73 = vector.broadcast %broadcast_in_dim3A_72 : f32 to vector<16xf32>
      %swap3A_74 = arith.index_cast %add3A_24 : i32 to index
      %swap3A_75 = arith.constant 112 : index
      %swap3A_76 = tpu.vector_load %arg10[%swap3A_74, %swap3A_75] {strides = array<i32>} : memref<128x128xf32, #tpu.memory_space<vmem>>, vector<1x16xf32>,
      %swap3A_77 = vector.shape_cast %swap3A_76 : vector<1x16xf32> to vector<16xf32>
      %swap3A_78 = vector.shape_cast %broadcast_in_dim3A_73 : vector<16xf32> to vector<1x16xf32>
      tpu.vector_store %arg10[%swap3A_74, %swap3A_75], %swap3A_78 {strides = array<i32>} : memref<128x128xf32, #tpu.memory_space<vmem>>, vector<1x16xf32>,
    }
    %scan3A_4 = arith.constant 128 : i32
    %scan3A_5 = arith.constant 0 : i32
    %scan3A_6 = arith.constant 5 : i32
    %scan3A_7 = arith.addi %scan3A_5, %scan3A_6 : i32
    %scan3A_8 = arith.constant 1 : i32
    scf.for %scan3A_20 = %scan3A_5 to %scan3A_7 step %scan3A_8  : i32 {
      %mul3A_21 = arith.constant 1 : i32
      %mul3A_22 = arith.muli %scan3A_20, %mul3A_21 : i32
      %add3A_23 = arith.constant 0 : i32
      %add3A_24 = arith.addi %add3A_23, %mul3A_22 : i32
      %mul3A_25 = arith.constant 640 : i32
      %mul3A_26 = arith.muli %arg1, %mul3A_25 : i32
      %mul3A_27 = arith.constant 128 : i32
      %mul3A_28 = arith.muli %add3A_24, %mul3A_27 : i32
      %add3A_29 = arith.addi %mul3A_26, %mul3A_28 : i32
      "tpu.region"() ({
        %run_scoped3A = tpu.sem_alloc : memref<!tpu.dma_semaphore, #tpu.memory_space<semaphore_mem>>
        %dma_start3A = arith.constant 0 : i32
        %dma_start3A_30 = tpu.memref_slice %arg11[%add3A_29, %dma_start3A] : memref<10240x128xf32, #tpu.memory_space<vmem_shared>> -> memref<128x128xf32, #tpu.memory_space<vmem_shared>>
        %dma_start3A_31 = arith.constant 0 : i32
        %dma_start3A_32 = tpu.memref_slice %arg11[%add3A_29, %dma_start3A_31] : memref<10240x128xf32, #tpu.memory_space<vmem_shared>> -> memref<128x128xf32, #tpu.memory_space<vmem_shared>>
        tpu.enqueue_dma source(%arg10 : memref<128x128xf32, #tpu.memory_space<vmem>>) target(%dma_start3A_32 : memref<128x128xf32, #tpu.memory_space<vmem_shared>>) target_semaphore(%run_scoped3A : memref<!tpu.dma_semaphore, #tpu.memory_space<semaphore_mem>>)
        %dma_wait3A = arith.constant 0 : i32
        %dma_wait3A_33 = tpu.memref_slice %arg11[%add3A_29, %dma_wait3A] : memref<10240x128xf32, #tpu.memory_space<vmem_shared>> -> memref<128x128xf32, #tpu.memory_space<vmem_shared>>
        %dma_wait3A_34 = arith.constant 0 : i32
        %dma_wait3A_35 = tpu.memref_slice %arg11[%add3A_29, %dma_wait3A_34] : memref<10240x128xf32, #tpu.memory_space<vmem_shared>> -> memref<128x128xf32, #tpu.memory_space<vmem_shared>>
        tpu.wait_dma2 semaphore(%run_scoped3A : memref<!tpu.dma_semaphore, #tpu.memory_space<semaphore_mem>>) src(%arg10 : memref<128x128xf32, #tpu.memory_space<vmem>>) dst(%dma_wait3A_35 : memref<128x128xf32, #tpu.memory_space<vmem_shared>>)
        tpu.yield
      }) : () -> ()
    }
    %scan3A_9 = arith.constant 5 : i32
    "tpu.region"() ({
      %run_scoped3A = tpu.sem_alloc : memref<!tpu.dma_semaphore, #tpu.memory_space<semaphore_mem>>
      %dma_start3A = arith.constant 0 : i32
      %dma_start3A_20 = arith.constant 0 : i32
      %dma_start3A_21 = tpu.memref_slice %arg3[%add3A, %dma_start3A, %dma_start3A_20] : memref<32x79x128xi32, #tpu.memory_space<hbm>> -> memref<1x79x128xi32, #tpu.memory_space<hbm>>
      %dma_start3A_22 = tpu.memref_squeeze %dma_start3A_21 : memref<1x79x128xi32, #tpu.memory_space<hbm>> -> memref<79x128xi32, #tpu.memory_space<hbm>>
      %dma_start3A_23 = arith.constant 0 : i32
      %dma_start3A_24 = arith.constant 0 : i32
      %dma_start3A_25 = tpu.memref_slice %arg3[%add3A, %dma_start3A_23, %dma_start3A_24] : memref<32x79x128xi32, #tpu.memory_space<hbm>> -> memref<1x79x128xi32, #tpu.memory_space<hbm>>
      %dma_start3A_26 = tpu.memref_squeeze %dma_start3A_25 : memref<1x79x128xi32, #tpu.memory_space<hbm>> -> memref<79x128xi32, #tpu.memory_space<hbm>>
      tpu.enqueue_dma source(%dma_start3A_26 : memref<79x128xi32, #tpu.memory_space<hbm>>) target(%arg7 : memref<79x128xi32, #tpu.memory_space<vmem>>) target_semaphore(%run_scoped3A : memref<!tpu.dma_semaphore, #tpu.memory_space<semaphore_mem>>)
      %dma_wait3A = arith.constant 0 : i32
      %dma_wait3A_27 = arith.constant 0 : i32
      %dma_wait3A_28 = tpu.memref_slice %arg3[%add3A, %dma_wait3A, %dma_wait3A_27] : memref<32x79x128xi32, #tpu.memory_space<hbm>> -> memref<1x79x128xi32, #tpu.memory_space<hbm>>
      %dma_wait3A_29 = tpu.memref_squeeze %dma_wait3A_28 : memref<1x79x128xi32, #tpu.memory_space<hbm>> -> memref<79x128xi32, #tpu.memory_space<hbm>>
      %dma_wait3A_30 = arith.constant 0 : i32
      %dma_wait3A_31 = arith.constant 0 : i32
      %dma_wait3A_32 = tpu.memref_slice %arg3[%add3A, %dma_wait3A_30, %dma_wait3A_31] : memref<32x79x128xi32, #tpu.memory_space<hbm>> -> memref<1x79x128xi32, #tpu.memory_space<hbm>>
      %dma_wait3A_33 = tpu.memref_squeeze %dma_wait3A_32 : memref<1x79x128xi32, #tpu.memory_space<hbm>> -> memref<79x128xi32, #tpu.memory_space<hbm>>
      tpu.wait_dma2 semaphore(%run_scoped3A : memref<!tpu.dma_semaphore, #tpu.memory_space<semaphore_mem>>) src(%dma_wait3A_33 : memref<79x128xi32, #tpu.memory_space<hbm>>) dst(%arg7 : memref<79x128xi32, #tpu.memory_space<vmem>>)
      tpu.yield
    }) : () -> ()
    "tpu.region"() ({
      %run_scoped3A = tpu.sem_alloc : memref<!tpu.dma_semaphore, #tpu.memory_space<semaphore_mem>>
      %dma_start3A = arith.constant 0 : i32
      %dma_start3A_20 = arith.constant 0 : i32
      %dma_start3A_21 = tpu.memref_slice %arg4[%add3A, %dma_start3A, %dma_start3A_20] : memref<32x79x128xi32, #tpu.memory_space<hbm>> -> memref<1x79x128xi32, #tpu.memory_space<hbm>>
      %dma_start3A_22 = tpu.memref_squeeze %dma_start3A_21 : memref<1x79x128xi32, #tpu.memory_space<hbm>> -> memref<79x128xi32, #tpu.memory_space<hbm>>
      %dma_start3A_23 = arith.constant 0 : i32
      %dma_start3A_24 = arith.constant 0 : i32
      %dma_start3A_25 = tpu.memref_slice %arg4[%add3A, %dma_start3A_23, %dma_start3A_24] : memref<32x79x128xi32, #tpu.memory_space<hbm>> -> memref<1x79x128xi32, #tpu.memory_space<hbm>>
      %dma_start3A_26 = tpu.memref_squeeze %dma_start3A_25 : memref<1x79x128xi32, #tpu.memory_space<hbm>> -> memref<79x128xi32, #tpu.memory_space<hbm>>
      tpu.enqueue_dma source(%dma_start3A_26 : memref<79x128xi32, #tpu.memory_space<hbm>>) target(%arg8 : memref<79x128xi32, #tpu.memory_space<vmem>>) target_semaphore(%run_scoped3A : memref<!tpu.dma_semaphore, #tpu.memory_space<semaphore_mem>>)
      %dma_wait3A = arith.constant 0 : i32
      %dma_wait3A_27 = arith.constant 0 : i32
      %dma_wait3A_28 = tpu.memref_slice %arg4[%add3A, %dma_wait3A, %dma_wait3A_27] : memref<32x79x128xi32, #tpu.memory_space<hbm>> -> memref<1x79x128xi32, #tpu.memory_space<hbm>>
      %dma_wait3A_29 = tpu.memref_squeeze %dma_wait3A_28 : memref<1x79x128xi32, #tpu.memory_space<hbm>> -> memref<79x128xi32, #tpu.memory_space<hbm>>
      %dma_wait3A_30 = arith.constant 0 : i32
      %dma_wait3A_31 = arith.constant 0 : i32
      %dma_wait3A_32 = tpu.memref_slice %arg4[%add3A, %dma_wait3A_30, %dma_wait3A_31] : memref<32x79x128xi32, #tpu.memory_space<hbm>> -> memref<1x79x128xi32, #tpu.memory_space<hbm>>
      %dma_wait3A_33 = tpu.memref_squeeze %dma_wait3A_32 : memref<1x79x128xi32, #tpu.memory_space<hbm>> -> memref<79x128xi32, #tpu.memory_space<hbm>>
      tpu.wait_dma2 semaphore(%run_scoped3A : memref<!tpu.dma_semaphore, #tpu.memory_space<semaphore_mem>>) src(%dma_wait3A_33 : memref<79x128xi32, #tpu.memory_space<hbm>>) dst(%arg8 : memref<79x128xi32, #tpu.memory_space<vmem>>)
      tpu.yield
    }) : () -> ()
    "tpu.region"() ({
      %run_scoped3A = tpu.sem_alloc : memref<!tpu.dma_semaphore, #tpu.memory_space<semaphore_mem>>
      %dma_start3A = arith.constant 0 : i32
      %dma_start3A_20 = arith.constant 0 : i32
      %dma_start3A_21 = tpu.memref_slice %arg5[%add3A, %dma_start3A, %dma_start3A_20] : memref<32x79x128xf32, #tpu.memory_space<hbm>> -> memref<1x79x128xf32, #tpu.memory_space<hbm>>
      %dma_start3A_22 = tpu.memref_squeeze %dma_start3A_21 : memref<1x79x128xf32, #tpu.memory_space<hbm>> -> memref<79x128xf32, #tpu.memory_space<hbm>>
      %dma_start3A_23 = arith.constant 0 : i32
      %dma_start3A_24 = arith.constant 0 : i32
      %dma_start3A_25 = tpu.memref_slice %arg5[%add3A, %dma_start3A_23, %dma_start3A_24] : memref<32x79x128xf32, #tpu.memory_space<hbm>> -> memref<1x79x128xf32, #tpu.memory_space<hbm>>
      %dma_start3A_26 = tpu.memref_squeeze %dma_start3A_25 : memref<1x79x128xf32, #tpu.memory_space<hbm>> -> memref<79x128xf32, #tpu.memory_space<hbm>>
      tpu.enqueue_dma source(%dma_start3A_26 : memref<79x128xf32, #tpu.memory_space<hbm>>) target(%arg9 : memref<79x128xf32, #tpu.memory_space<vmem>>) target_semaphore(%run_scoped3A : memref<!tpu.dma_semaphore, #tpu.memory_space<semaphore_mem>>)
      %dma_wait3A = arith.constant 0 : i32
      %dma_wait3A_27 = arith.constant 0 : i32
      %dma_wait3A_28 = tpu.memref_slice %arg5[%add3A, %dma_wait3A, %dma_wait3A_27] : memref<32x79x128xf32, #tpu.memory_space<hbm>> -> memref<1x79x128xf32, #tpu.memory_space<hbm>>
      %dma_wait3A_29 = tpu.memref_squeeze %dma_wait3A_28 : memref<1x79x128xf32, #tpu.memory_space<hbm>> -> memref<79x128xf32, #tpu.memory_space<hbm>>
      %dma_wait3A_30 = arith.constant 0 : i32
      %dma_wait3A_31 = arith.constant 0 : i32
      %dma_wait3A_32 = tpu.memref_slice %arg5[%add3A, %dma_wait3A_30, %dma_wait3A_31] : memref<32x79x128xf32, #tpu.memory_space<hbm>> -> memref<1x79x128xf32, #tpu.memory_space<hbm>>
      %dma_wait3A_33 = tpu.memref_squeeze %dma_wait3A_32 : memref<1x79x128xf32, #tpu.memory_space<hbm>> -> memref<79x128xf32, #tpu.memory_space<hbm>>
      tpu.wait_dma2 semaphore(%run_scoped3A : memref<!tpu.dma_semaphore, #tpu.memory_space<semaphore_mem>>) src(%dma_wait3A_33 : memref<79x128xf32, #tpu.memory_space<hbm>>) dst(%arg9 : memref<79x128xf32, #tpu.memory_space<vmem>>)
      tpu.yield
    }) : () -> ()
    %barrier3A = arith.constant 0 : index
    tpu.barrier barrier_id(%barrier3A)
    %scan3A_10 = arith.constant 0 : i32
    %scan3A_11 = arith.constant 79 : i32
    %scan3A_12 = arith.addi %scan3A_10, %scan3A_11 : i32
    %scan3A_13 = arith.constant 1 : i32
    scf.for %scan3A_20 = %scan3A_10 to %scan3A_12 step %scan3A_13  : i32 {
      %mul3A_21 = arith.constant 1 : i32
      %mul3A_22 = arith.muli %scan3A_20, %mul3A_21 : i32
      %add3A_23 = arith.constant 0 : i32
      %add3A_24 = arith.addi %add3A_23, %mul3A_22 : i32
      "tpu.region"() ({
        %run_scoped3A = tpu.sem_alloc : memref<!tpu.dma_semaphore, #tpu.memory_space<semaphore_mem>>
        %dma_start3A = arith.constant 0 : i32
        %dma_start3A_30 = tpu.memref_slice %arg7[%add3A_24, %dma_start3A] : memref<79x128xi32, #tpu.memory_space<vmem>> -> memref<1x128xi32, #tpu.memory_space<vmem>>
        %dma_start3A_31 = tpu.memref_squeeze %dma_start3A_30 : memref<1x128xi32, #tpu.memory_space<vmem>> -> memref<128xi32, #tpu.memory_space<vmem>>
        %dma_start3A_32 = arith.constant 0 : i32
        %dma_start3A_33 = arith.constant 0 : i32
        %dma_start3A_34 = tpu.memref_slice %arg2[%dma_start3A_32, %dma_start3A_33] : memref<10240x128xf32, #tpu.memory_space<hbm>> -> memref<10240x128xf32, #tpu.memory_space<hbm>>
        tpu.enqueue_indirect_dma source(%dma_start3A_34 : memref<10240x128xf32, #tpu.memory_space<hbm>>) target(%arg10 : memref<128x128xf32, #tpu.memory_space<vmem>>) offsets(%dma_start3A_31 : memref<128xi32, #tpu.memory_space<vmem>>) semaphore(%run_scoped3A : memref<!tpu.dma_semaphore, #tpu.memory_space<semaphore_mem>>)
        %dma_wait3A = arith.constant 0 : i32
        %dma_wait3A_35 = tpu.memref_slice %arg7[%add3A_24, %dma_wait3A] : memref<79x128xi32, #tpu.memory_space<vmem>> -> memref<1x128xi32, #tpu.memory_space<vmem>>
        %dma_wait3A_36 = tpu.memref_squeeze %dma_wait3A_35 : memref<1x128xi32, #tpu.memory_space<vmem>> -> memref<128xi32, #tpu.memory_space<vmem>>
        %dma_wait3A_37 = arith.constant 0 : i32
        %dma_wait3A_38 = arith.constant 0 : i32
        %dma_wait3A_39 = tpu.memref_slice %arg2[%dma_wait3A_37, %dma_wait3A_38] : memref<10240x128xf32, #tpu.memory_space<hbm>> -> memref<10240x128xf32, #tpu.memory_space<hbm>>
        tpu.wait_indirect_dma semaphore(%run_scoped3A : memref<!tpu.dma_semaphore, #tpu.memory_space<semaphore_mem>>) src(%dma_wait3A_39 : memref<10240x128xf32, #tpu.memory_space<hbm>>) dst(%arg10 : memref<128x128xf32, #tpu.memory_space<vmem>>)
        tpu.yield
      }) : () -> ()
      %scan3A_25 = arith.constant 0 : i32
      %scan3A_26 = arith.constant 8 : i32
      %scan3A_27 = arith.addi %scan3A_25, %scan3A_26 : i32
      %scan3A_28 = arith.constant 1 : i32
      scf.for %scan3A_30 = %scan3A_25 to %scan3A_27 step %scan3A_28  : i32 {
        %mul3A_31 = arith.constant 1 : i32
        %mul3A_32 = arith.muli %scan3A_30, %mul3A_31 : i32
        %add3A_33 = arith.constant 0 : i32
        %add3A_34 = arith.addi %add3A_33, %mul3A_32 : i32
        %mul3A_35 = arith.constant 16 : i32
        %mul3A_36 = arith.muli %add3A_34, %mul3A_35 : i32
        %get3A = arith.index_cast %add3A_24 : i32 to index
        %get3A_37 = arith.index_cast %mul3A_36 : i32 to index
        %get3A_38 = tpu.vector_load %arg9[%get3A, %get3A_37] {strides = array<i32>} : memref<79x128xf32, #tpu.memory_space<vmem>>, vector<1x16xf32>,
        %get3A_39 = vector.shape_cast %get3A_38 : vector<1x16xf32> to vector<16xf32>
        %slice3A = vector.extract_strided_slice %get3A_39 {offsets = [0], sizes = [1], strides = [1]} : vector<16xf32> to vector<1xf32>
        %squeeze3A = vector.extract %slice3A[0] : f32 from vector<1xf32>
        %broadcast_in_dim3A = vector.broadcast %squeeze3A : f32 to vector<16xf32>
        %mul3A_40 = arith.constant 16 : i32
        %mul3A_41 = arith.muli %add3A_34, %mul3A_40 : i32
        %add3A_42 = arith.constant 0 : i32
        %add3A_43 = arith.addi %mul3A_41, %add3A_42 : i32
        %get3A_44 = arith.index_cast %add3A_43 : i32 to index
        %get3A_45 = arith.constant 0 : index
        %get3A_46 = tpu.vector_load %arg10[%get3A_44, %get3A_45] {strides = array<i32>} : memref<128x128xf32, #tpu.memory_space<vmem>>, vector<1x16xf32>,
        %get3A_47 = vector.shape_cast %get3A_46 : vector<1x16xf32> to vector<16xf32>
        %mul3A_48 = arith.mulf %get3A_47, %broadcast_in_dim3A : vector<16xf32>
        %mul3A_49 = arith.constant 16 : i32
        %mul3A_50 = arith.muli %add3A_34, %mul3A_49 : i32
        %add3A_51 = arith.constant 0 : i32
        %add3A_52 = arith.addi %mul3A_50, %add3A_51 : i32
        %swap3A = arith.index_cast %add3A_52 : i32 to index
        %swap3A_53 = arith.constant 0 : index
        %swap3A_54 = tpu.vector_load %arg10[%swap3A, %swap3A_53] {strides = array<i32>} : memref<128x128xf32, #tpu.memory_space<vmem>>, vector<1x16xf32>,
        %swap3A_55 = vector.shape_cast %swap3A_54 : vector<1x16xf32> to vector<16xf32>
        %swap3A_56 = vector.shape_cast %mul3A_48 : vector<16xf32> to vector<1x16xf32>
        tpu.vector_store %arg10[%swap3A, %swap3A_53], %swap3A_56 {strides = array<i32>} : memref<128x128xf32, #tpu.memory_space<vmem>>, vector<1x16xf32>,
        %mul3A_57 = arith.constant 16 : i32
        %mul3A_58 = arith.muli %add3A_34, %mul3A_57 : i32
        %add3A_59 = arith.constant 0 : i32
        %add3A_60 = arith.addi %mul3A_58, %add3A_59 : i32
        %get3A_61 = arith.index_cast %add3A_60 : i32 to index
        %get3A_62 = arith.constant 16 : index
        %get3A_63 = tpu.vector_load %arg10[%get3A_61, %get3A_62] {strides = array<i32>} : memref<128x128xf32, #tpu.memory_space<vmem>>, vector<1x16xf32>,
        %get3A_64 = vector.shape_cast %get3A_63 : vector<1x16xf32> to vector<16xf32>
        %mul3A_65 = arith.mulf %get3A_64, %broadcast_in_dim3A : vector<16xf32>
        %mul3A_66 = arith.constant 16 : i32
        %mul3A_67 = arith.muli %add3A_34, %mul3A_66 : i32
        %add3A_68 = arith.constant 0 : i32
        %add3A_69 = arith.addi %mul3A_67, %add3A_68 : i32
        %swap3A_70 = arith.index_cast %add3A_69 : i32 to index
        %swap3A_71 = arith.constant 16 : index
        %swap3A_72 = tpu.vector_load %arg10[%swap3A_70, %swap3A_71] {strides = array<i32>} : memref<128x128xf32, #tpu.memory_space<vmem>>, vector<1x16xf32>,
        %swap3A_73 = vector.shape_cast %swap3A_72 : vector<1x16xf32> to vector<16xf32>
        %swap3A_74 = vector.shape_cast %mul3A_65 : vector<16xf32> to vector<1x16xf32>
        tpu.vector_store %arg10[%swap3A_70, %swap3A_71], %swap3A_74 {strides = array<i32>} : memref<128x128xf32, #tpu.memory_space<vmem>>, vector<1x16xf32>,
        %mul3A_75 = arith.constant 16 : i32
        %mul3A_76 = arith.muli %add3A_34, %mul3A_75 : i32
        %add3A_77 = arith.constant 0 : i32
        %add3A_78 = arith.addi %mul3A_76, %add3A_77 : i32
        %get3A_79 = arith.index_cast %add3A_78 : i32 to index
        %get3A_80 = arith.constant 32 : index
        %get3A_81 = tpu.vector_load %arg10[%get3A_79, %get3A_80] {strides = array<i32>} : memref<128x128xf32, #tpu.memory_space<vmem>>, vector<1x16xf32>,
        %get3A_82 = vector.shape_cast %get3A_81 : vector<1x16xf32> to vector<16xf32>
        %mul3A_83 = arith.mulf %get3A_82, %broadcast_in_dim3A : vector<16xf32>
        %mul3A_84 = arith.constant 16 : i32
        %mul3A_85 = arith.muli %add3A_34, %mul3A_84 : i32
        %add3A_86 = arith.constant 0 : i32
        %add3A_87 = arith.addi %mul3A_85, %add3A_86 : i32
        %swap3A_88 = arith.index_cast %add3A_87 : i32 to index
        %swap3A_89 = arith.constant 32 : index
        %swap3A_90 = tpu.vector_load %arg10[%swap3A_88, %swap3A_89] {strides = array<i32>} : memref<128x128xf32, #tpu.memory_space<vmem>>, vector<1x16xf32>,
        %swap3A_91 = vector.shape_cast %swap3A_90 : vector<1x16xf32> to vector<16xf32>
        %swap3A_92 = vector.shape_cast %mul3A_83 : vector<16xf32> to vector<1x16xf32>
        tpu.vector_store %arg10[%swap3A_88, %swap3A_89], %swap3A_92 {strides = array<i32>} : memref<128x128xf32, #tpu.memory_space<vmem>>, vector<1x16xf32>,
        %mul3A_93 = arith.constant 16 : i32
        %mul3A_94 = arith.muli %add3A_34, %mul3A_93 : i32
        %add3A_95 = arith.constant 0 : i32
        %add3A_96 = arith.addi %mul3A_94, %add3A_95 : i32
        %get3A_97 = arith.index_cast %add3A_96 : i32 to index
        %get3A_98 = arith.constant 48 : index
        %get3A_99 = tpu.vector_load %arg10[%get3A_97, %get3A_98] {strides = array<i32>} : memref<128x128xf32, #tpu.memory_space<vmem>>, vector<1x16xf32>,
        %get3A_100 = vector.shape_cast %get3A_99 : vector<1x16xf32> to vector<16xf32>
        %mul3A_101 = arith.mulf %get3A_100, %broadcast_in_dim3A : vector<16xf32>
        %mul3A_102 = arith.constant 16 : i32
        %mul3A_103 = arith.muli %add3A_34, %mul3A_102 : i32
        %add3A_104 = arith.constant 0 : i32
        %add3A_105 = arith.addi %mul3A_103, %add3A_104 : i32
        %swap3A_106 = arith.index_cast %add3A_105 : i32 to index
        %swap3A_107 = arith.constant 48 : index
        %swap3A_108 = tpu.vector_load %arg10[%swap3A_106, %swap3A_107] {strides = array<i32>} : memref<128x128xf32, #tpu.memory_space<vmem>>, vector<1x16xf32>,
        %swap3A_109 = vector.shape_cast %swap3A_108 : vector<1x16xf32> to vector<16xf32>
        %swap3A_110 = vector.shape_cast %mul3A_101 : vector<16xf32> to vector<1x16xf32>
        tpu.vector_store %arg10[%swap3A_106, %swap3A_107], %swap3A_110 {strides = array<i32>} : memref<128x128xf32, #tpu.memory_space<vmem>>, vector<1x16xf32>,
        %mul3A_111 = arith.constant 16 : i32
        %mul3A_112 = arith.muli %add3A_34, %mul3A_111 : i32
        %add3A_113 = arith.constant 0 : i32
        %add3A_114 = arith.addi %mul3A_112, %add3A_113 : i32
        %get3A_115 = arith.index_cast %add3A_114 : i32 to index
        %get3A_116 = arith.constant 64 : index
        %get3A_117 = tpu.vector_load %arg10[%get3A_115, %get3A_116] {strides = array<i32>} : memref<128x128xf32, #tpu.memory_space<vmem>>, vector<1x16xf32>,
        %get3A_118 = vector.shape_cast %get3A_117 : vector<1x16xf32> to vector<16xf32>
        %mul3A_119 = arith.mulf %get3A_118, %broadcast_in_dim3A : vector<16xf32>
        %mul3A_120 = arith.constant 16 : i32
        %mul3A_121 = arith.muli %add3A_34, %mul3A_120 : i32
        %add3A_122 = arith.constant 0 : i32
        %add3A_123 = arith.addi %mul3A_121, %add3A_122 : i32
        %swap3A_124 = arith.index_cast %add3A_123 : i32 to index
        %swap3A_125 = arith.constant 64 : index
        %swap3A_126 = tpu.vector_load %arg10[%swap3A_124, %swap3A_125] {strides = array<i32>} : memref<128x128xf32, #tpu.memory_space<vmem>>, vector<1x16xf32>,
        %swap3A_127 = vector.shape_cast %swap3A_126 : vector<1x16xf32> to vector<16xf32>
        %swap3A_128 = vector.shape_cast %mul3A_119 : vector<16xf32> to vector<1x16xf32>
        tpu.vector_store %arg10[%swap3A_124, %swap3A_125], %swap3A_128 {strides = array<i32>} : memref<128x128xf32, #tpu.memory_space<vmem>>, vector<1x16xf32>,
        %mul3A_129 = arith.constant 16 : i32
        %mul3A_130 = arith.muli %add3A_34, %mul3A_129 : i32
        %add3A_131 = arith.constant 0 : i32
        %add3A_132 = arith.addi %mul3A_130, %add3A_131 : i32
        %get3A_133 = arith.index_cast %add3A_132 : i32 to index
        %get3A_134 = arith.constant 80 : index
        %get3A_135 = tpu.vector_load %arg10[%get3A_133, %get3A_134] {strides = array<i32>} : memref<128x128xf32, #tpu.memory_space<vmem>>, vector<1x16xf32>,
        %get3A_136 = vector.shape_cast %get3A_135 : vector<1x16xf32> to vector<16xf32>
        %mul3A_137 = arith.mulf %get3A_136, %broadcast_in_dim3A : vector<16xf32>
        %mul3A_138 = arith.constant 16 : i32
        %mul3A_139 = arith.muli %add3A_34, %mul3A_138 : i32
        %add3A_140 = arith.constant 0 : i32
        %add3A_141 = arith.addi %mul3A_139, %add3A_140 : i32
        %swap3A_142 = arith.index_cast %add3A_141 : i32 to index
        %swap3A_143 = arith.constant 80 : index
        %swap3A_144 = tpu.vector_load %arg10[%swap3A_142, %swap3A_143] {strides = array<i32>} : memref<128x128xf32, #tpu.memory_space<vmem>>, vector<1x16xf32>,
        %swap3A_145 = vector.shape_cast %swap3A_144 : vector<1x16xf32> to vector<16xf32>
        %swap3A_146 = vector.shape_cast %mul3A_137 : vector<16xf32> to vector<1x16xf32>
        tpu.vector_store %arg10[%swap3A_142, %swap3A_143], %swap3A_146 {strides = array<i32>} : memref<128x128xf32, #tpu.memory_space<vmem>>, vector<1x16xf32>,
        %mul3A_147 = arith.constant 16 : i32
        %mul3A_148 = arith.muli %add3A_34, %mul3A_147 : i32
        %add3A_149 = arith.constant 0 : i32
        %add3A_150 = arith.addi %mul3A_148, %add3A_149 : i32
        %get3A_151 = arith.index_cast %add3A_150 : i32 to index
        %get3A_152 = arith.constant 96 : index
        %get3A_153 = tpu.vector_load %arg10[%get3A_151, %get3A_152] {strides = array<i32>} : memref<128x128xf32, #tpu.memory_space<vmem>>, vector<1x16xf32>,
        %get3A_154 = vector.shape_cast %get3A_153 : vector<1x16xf32> to vector<16xf32>
        %mul3A_155 = arith.mulf %get3A_154, %broadcast_in_dim3A : vector<16xf32>
        %mul3A_156 = arith.constant 16 : i32
        %mul3A_157 = arith.muli %add3A_34, %mul3A_156 : i32
        %add3A_158 = arith.constant 0 : i32
        %add3A_159 = arith.addi %mul3A_157, %add3A_158 : i32
        %swap3A_160 = arith.index_cast %add3A_159 : i32 to index
        %swap3A_161 = arith.constant 96 : index
        %swap3A_162 = tpu.vector_load %arg10[%swap3A_160, %swap3A_161] {strides = array<i32>} : memref<128x128xf32, #tpu.memory_space<vmem>>, vector<1x16xf32>,
        %swap3A_163 = vector.shape_cast %swap3A_162 : vector<1x16xf32> to vector<16xf32>
        %swap3A_164 = vector.shape_cast %mul3A_155 : vector<16xf32> to vector<1x16xf32>
        tpu.vector_store %arg10[%swap3A_160, %swap3A_161], %swap3A_164 {strides = array<i32>} : memref<128x128xf32, #tpu.memory_space<vmem>>, vector<1x16xf32>,
        %mul3A_165 = arith.constant 16 : i32
        %mul3A_166 = arith.muli %add3A_34, %mul3A_165 : i32
        %add3A_167 = arith.constant 0 : i32
        %add3A_168 = arith.addi %mul3A_166, %add3A_167 : i32
        %get3A_169 = arith.index_cast %add3A_168 : i32 to index
        %get3A_170 = arith.constant 112 : index
        %get3A_171 = tpu.vector_load %arg10[%get3A_169, %get3A_170] {strides = array<i32>} : memref<128x128xf32, #tpu.memory_space<vmem>>, vector<1x16xf32>,
        %get3A_172 = vector.shape_cast %get3A_171 : vector<1x16xf32> to vector<16xf32>
        %mul3A_173 = arith.mulf %get3A_172, %broadcast_in_dim3A : vector<16xf32>
        %mul3A_174 = arith.constant 16 : i32
        %mul3A_175 = arith.muli %add3A_34, %mul3A_174 : i32
        %add3A_176 = arith.constant 0 : i32
        %add3A_177 = arith.addi %mul3A_175, %add3A_176 : i32
        %swap3A_178 = arith.index_cast %add3A_177 : i32 to index
        %swap3A_179 = arith.constant 112 : index
        %swap3A_180 = tpu.vector_load %arg10[%swap3A_178, %swap3A_179] {strides = array<i32>} : memref<128x128xf32, #tpu.memory_space<vmem>>, vector<1x16xf32>,
        %swap3A_181 = vector.shape_cast %swap3A_180 : vector<1x16xf32> to vector<16xf32>
        %swap3A_182 = vector.shape_cast %mul3A_173 : vector<16xf32> to vector<1x16xf32>
        tpu.vector_store %arg10[%swap3A_178, %swap3A_179], %swap3A_182 {strides = array<i32>} : memref<128x128xf32, #tpu.memory_space<vmem>>, vector<1x16xf32>,
        %slice3A_183 = vector.extract_strided_slice %get3A_39 {offsets = [1], sizes = [1], strides = [1]} : vector<16xf32> to vector<1xf32>
        %squeeze3A_184 = vector.extract %slice3A_183[0] : f32 from vector<1xf32>
        %broadcast_in_dim3A_185 = vector.broadcast %squeeze3A_184 : f32 to vector<16xf32>
        %mul3A_186 = arith.constant 16 : i32
        %mul3A_187 = arith.muli %add3A_34, %mul3A_186 : i32
        %add3A_188 = arith.constant 1 : i32
        %add3A_189 = arith.addi %mul3A_187, %add3A_188 : i32
        %get3A_190 = arith.index_cast %add3A_189 : i32 to index
        %get3A_191 = arith.constant 0 : index
        %get3A_192 = tpu.vector_load %arg10[%get3A_190, %get3A_191] {strides = array<i32>} : memref<128x128xf32, #tpu.memory_space<vmem>>, vector<1x16xf32>,
        %get3A_193 = vector.shape_cast %get3A_192 : vector<1x16xf32> to vector<16xf32>
        %mul3A_194 = arith.mulf %get3A_193, %broadcast_in_dim3A_185 : vector<16xf32>
        %mul3A_195 = arith.constant 16 : i32
        %mul3A_196 = arith.muli %add3A_34, %mul3A_195 : i32
        %add3A_197 = arith.constant 1 : i32
        %add3A_198 = arith.addi %mul3A_196, %add3A_197 : i32
        %swap3A_199 = arith.index_cast %add3A_198 : i32 to index
        %swap3A_200 = arith.constant 0 : index
        %swap3A_201 = tpu.vector_load %arg10[%swap3A_199, %swap3A_200] {strides = array<i32>} : memref<128x128xf32, #tpu.memory_space<vmem>>, vector<1x16xf32>,
        %swap3A_202 = vector.shape_cast %swap3A_201 : vector<1x16xf32> to vector<16xf32>
        %swap3A_203 = vector.shape_cast %mul3A_194 : vector<16xf32> to vector<1x16xf32>
        tpu.vector_store %arg10[%swap3A_199, %swap3A_200], %swap3A_203 {strides = array<i32>} : memref<128x128xf32, #tpu.memory_space<vmem>>, vector<1x16xf32>,
        %mul3A_204 = arith.constant 16 : i32
        %mul3A_205 = arith.muli %add3A_34, %mul3A_204 : i32
        %add3A_206 = arith.constant 1 : i32
        %add3A_207 = arith.addi %mul3A_205, %add3A_206 : i32
        %get3A_208 = arith.index_cast %add3A_207 : i32 to index
        %get3A_209 = arith.constant 16 : index
        %get3A_210 = tpu.vector_load %arg10[%get3A_208, %get3A_209] {strides = array<i32>} : memref<128x128xf32, #tpu.memory_space<vmem>>, vector<1x16xf32>,
        %get3A_211 = vector.shape_cast %get3A_210 : vector<1x16xf32> to vector<16xf32>
        %mul3A_212 = arith.mulf %get3A_211, %broadcast_in_dim3A_185 : vector<16xf32>
        %mul3A_213 = arith.constant 16 : i32
        %mul3A_214 = arith.muli %add3A_34, %mul3A_213 : i32
        %add3A_215 = arith.constant 1 : i32
        %add3A_216 = arith.addi %mul3A_214, %add3A_215 : i32
        %swap3A_217 = arith.index_cast %add3A_216 : i32 to index
        %swap3A_218 = arith.constant 16 : index
        %swap3A_219 = tpu.vector_load %arg10[%swap3A_217, %swap3A_218] {strides = array<i32>} : memref<128x128xf32, #tpu.memory_space<vmem>>, vector<1x16xf32>,
        %swap3A_220 = vector.shape_cast %swap3A_219 : vector<1x16xf32> to vector<16xf32>
        %swap3A_221 = vector.shape_cast %mul3A_212 : vector<16xf32> to vector<1x16xf32>
        tpu.vector_store %arg10[%swap3A_217, %swap3A_218], %swap3A_221 {strides = array<i32>} : memref<128x128xf32, #tpu.memory_space<vmem>>, vector<1x16xf32>,
        %mul3A_222 = arith.constant 16 : i32
        %mul3A_223 = arith.muli %add3A_34, %mul3A_222 : i32
        %add3A_224 = arith.constant 1 : i32
        %add3A_225 = arith.addi %mul3A_223, %add3A_224 : i32
        %get3A_226 = arith.index_cast %add3A_225 : i32 to index
        %get3A_227 = arith.constant 32 : index
        %get3A_228 = tpu.vector_load %arg10[%get3A_226, %get3A_227] {strides = array<i32>} : memref<128x128xf32, #tpu.memory_space<vmem>>, vector<1x16xf32>,
        %get3A_229 = vector.shape_cast %get3A_228 : vector<1x16xf32> to vector<16xf32>
        %mul3A_230 = arith.mulf %get3A_229, %broadcast_in_dim3A_185 : vector<16xf32>
        %mul3A_231 = arith.constant 16 : i32
        %mul3A_232 = arith.muli %add3A_34, %mul3A_231 : i32
        %add3A_233 = arith.constant 1 : i32
        %add3A_234 = arith.addi %mul3A_232, %add3A_233 : i32
        %swap3A_235 = arith.index_cast %add3A_234 : i32 to index
        %swap3A_236 = arith.constant 32 : index
        %swap3A_237 = tpu.vector_load %arg10[%swap3A_235, %swap3A_236] {strides = array<i32>} : memref<128x128xf32, #tpu.memory_space<vmem>>, vector<1x16xf32>,
        %swap3A_238 = vector.shape_cast %swap3A_237 : vector<1x16xf32> to vector<16xf32>
        %swap3A_239 = vector.shape_cast %mul3A_230 : vector<16xf32> to vector<1x16xf32>
        tpu.vector_store %arg10[%swap3A_235, %swap3A_236], %swap3A_239 {strides = array<i32>} : memref<128x128xf32, #tpu.memory_space<vmem>>, vector<1x16xf32>,
        %mul3A_240 = arith.constant 16 : i32
        %mul3A_241 = arith.muli %add3A_34, %mul3A_240 : i32
        %add3A_242 = arith.constant 1 : i32
        %add3A_243 = arith.addi %mul3A_241, %add3A_242 : i32
        %get3A_244 = arith.index_cast %add3A_243 : i32 to index
        %get3A_245 = arith.constant 48 : index
        %get3A_246 = tpu.vector_load %arg10[%get3A_244, %get3A_245] {strides = array<i32>} : memref<128x128xf32, #tpu.memory_space<vmem>>, vector<1x16xf32>,
        %get3A_247 = vector.shape_cast %get3A_246 : vector<1x16xf32> to vector<16xf32>
        %mul3A_248 = arith.mulf %get3A_247, %broadcast_in_dim3A_185 : vector<16xf32>
        %mul3A_249 = arith.constant 16 : i32
        %mul3A_250 = arith.muli %add3A_34, %mul3A_249 : i32
        %add3A_251 = arith.constant 1 : i32
        %add3A_252 = arith.addi %mul3A_250, %add3A_251 : i32
        %swap3A_253 = arith.index_cast %add3A_252 : i32 to index
        %swap3A_254 = arith.constant 48 : index
        %swap3A_255 = tpu.vector_load %arg10[%swap3A_253, %swap3A_254] {strides = array<i32>} : memref<128x128xf32, #tpu.memory_space<vmem>>, vector<1x16xf32>,
        %swap3A_256 = vector.shape_cast %swap3A_255 : vector<1x16xf32> to vector<16xf32>
        %swap3A_257 = vector.shape_cast %mul3A_248 : vector<16xf32> to vector<1x16xf32>
        tpu.vector_store %arg10[%swap3A_253, %swap3A_254], %swap3A_257 {strides = array<i32>} : memref<128x128xf32, #tpu.memory_space<vmem>>, vector<1x16xf32>,
        %mul3A_258 = arith.constant 16 : i32
        %mul3A_259 = arith.muli %add3A_34, %mul3A_258 : i32
        %add3A_260 = arith.constant 1 : i32
        %add3A_261 = arith.addi %mul3A_259, %add3A_260 : i32
        %get3A_262 = arith.index_cast %add3A_261 : i32 to index
        %get3A_263 = arith.constant 64 : index
        %get3A_264 = tpu.vector_load %arg10[%get3A_262, %get3A_263] {strides = array<i32>} : memref<128x128xf32, #tpu.memory_space<vmem>>, vector<1x16xf32>,
        %get3A_265 = vector.shape_cast %get3A_264 : vector<1x16xf32> to vector<16xf32>
        %mul3A_266 = arith.mulf %get3A_265, %broadcast_in_dim3A_185 : vector<16xf32>
        %mul3A_267 = arith.constant 16 : i32
        %mul3A_268 = arith.muli %add3A_34, %mul3A_267 : i32
        %add3A_269 = arith.constant 1 : i32
        %add3A_270 = arith.addi %mul3A_268, %add3A_269 : i32
        %swap3A_271 = arith.index_cast %add3A_270 : i32 to index
        %swap3A_272 = arith.constant 64 : index
        %swap3A_273 = tpu.vector_load %arg10[%swap3A_271, %swap3A_272] {strides = array<i32>} : memref<128x128xf32, #tpu.memory_space<vmem>>, vector<1x16xf32>,
        %swap3A_274 = vector.shape_cast %swap3A_273 : vector<1x16xf32> to vector<16xf32>
        %swap3A_275 = vector.shape_cast %mul3A_266 : vector<16xf32> to vector<1x16xf32>
        tpu.vector_store %arg10[%swap3A_271, %swap3A_272], %swap3A_275 {strides = array<i32>} : memref<128x128xf32, #tpu.memory_space<vmem>>, vector<1x16xf32>,
        %mul3A_276 = arith.constant 16 : i32
        %mul3A_277 = arith.muli %add3A_34, %mul3A_276 : i32
        %add3A_278 = arith.constant 1 : i32
        %add3A_279 = arith.addi %mul3A_277, %add3A_278 : i32
        %get3A_280 = arith.index_cast %add3A_279 : i32 to index
        %get3A_281 = arith.constant 80 : index
        %get3A_282 = tpu.vector_load %arg10[%get3A_280, %get3A_281] {strides = array<i32>} : memref<128x128xf32, #tpu.memory_space<vmem>>, vector<1x16xf32>,
        %get3A_283 = vector.shape_cast %get3A_282 : vector<1x16xf32> to vector<16xf32>
        %mul3A_284 = arith.mulf %get3A_283, %broadcast_in_dim3A_185 : vector<16xf32>
        %mul3A_285 = arith.constant 16 : i32
        %mul3A_286 = arith.muli %add3A_34, %mul3A_285 : i32
        %add3A_287 = arith.constant 1 : i32
        %add3A_288 = arith.addi %mul3A_286, %add3A_287 : i32
        %swap3A_289 = arith.index_cast %add3A_288 : i32 to index
        %swap3A_290 = arith.constant 80 : index
        %swap3A_291 = tpu.vector_load %arg10[%swap3A_289, %swap3A_290] {strides = array<i32>} : memref<128x128xf32, #tpu.memory_space<vmem>>, vector<1x16xf32>,
        %swap3A_292 = vector.shape_cast %swap3A_291 : vector<1x16xf32> to vector<16xf32>
        %swap3A_293 = vector.shape_cast %mul3A_284 : vector<16xf32> to vector<1x16xf32>
        tpu.vector_store %arg10[%swap3A_289, %swap3A_290], %swap3A_293 {strides = array<i32>} : memref<128x128xf32, #tpu.memory_space<vmem>>, vector<1x16xf32>,
        %mul3A_294 = arith.constant 16 : i32
        %mul3A_295 = arith.muli %add3A_34, %mul3A_294 : i32
        %add3A_296 = arith.constant 1 : i32
        %add3A_297 = arith.addi %mul3A_295, %add3A_296 : i32
        %get3A_298 = arith.index_cast %add3A_297 : i32 to index
        %get3A_299 = arith.constant 96 : index
        %get3A_300 = tpu.vector_load %arg10[%get3A_298, %get3A_299] {strides = array<i32>} : memref<128x128xf32, #tpu.memory_space<vmem>>, vector<1x16xf32>,
        %get3A_301 = vector.shape_cast %get3A_300 : vector<1x16xf32> to vector<16xf32>
        %mul3A_302 = arith.mulf %get3A_301, %broadcast_in_dim3A_185 : vector<16xf32>
        %mul3A_303 = arith.constant 16 : i32
        %mul3A_304 = arith.muli %add3A_34, %mul3A_303 : i32
        %add3A_305 = arith.constant 1 : i32
        %add3A_306 = arith.addi %mul3A_304, %add3A_305 : i32
        %swap3A_307 = arith.index_cast %add3A_306 : i32 to index
        %swap3A_308 = arith.constant 96 : index
        %swap3A_309 = tpu.vector_load %arg10[%swap3A_307, %swap3A_308] {strides = array<i32>} : memref<128x128xf32, #tpu.memory_space<vmem>>, vector<1x16xf32>,
        %swap3A_310 = vector.shape_cast %swap3A_309 : vector<1x16xf32> to vector<16xf32>
        %swap3A_311 = vector.shape_cast %mul3A_302 : vector<16xf32> to vector<1x16xf32>
        tpu.vector_store %arg10[%swap3A_307, %swap3A_308], %swap3A_311 {strides = array<i32>} : memref<128x128xf32, #tpu.memory_space<vmem>>, vector<1x16xf32>,
        %mul3A_312 = arith.constant 16 : i32
        %mul3A_313 = arith.muli %add3A_34, %mul3A_312 : i32
        %add3A_314 = arith.constant 1 : i32
        %add3A_315 = arith.addi %mul3A_313, %add3A_314 : i32
        %get3A_316 = arith.index_cast %add3A_315 : i32 to index
        %get3A_317 = arith.constant 112 : index
        %get3A_318 = tpu.vector_load %arg10[%get3A_316, %get3A_317] {strides = array<i32>} : memref<128x128xf32, #tpu.memory_space<vmem>>, vector<1x16xf32>,
        %get3A_319 = vector.shape_cast %get3A_318 : vector<1x16xf32> to vector<16xf32>
        %mul3A_320 = arith.mulf %get3A_319, %broadcast_in_dim3A_185 : vector<16xf32>
        %mul3A_321 = arith.constant 16 : i32
        %mul3A_322 = arith.muli %add3A_34, %mul3A_321 : i32
        %add3A_323 = arith.constant 1 : i32
        %add3A_324 = arith.addi %mul3A_322, %add3A_323 : i32
        %swap3A_325 = arith.index_cast %add3A_324 : i32 to index
        %swap3A_326 = arith.constant 112 : index
        %swap3A_327 = tpu.vector_load %arg10[%swap3A_325, %swap3A_326] {strides = array<i32>} : memref<128x128xf32, #tpu.memory_space<vmem>>, vector<1x16xf32>,
        %swap3A_328 = vector.shape_cast %swap3A_327 : vector<1x16xf32> to vector<16xf32>
        %swap3A_329 = vector.shape_cast %mul3A_320 : vector<16xf32> to vector<1x16xf32>
        tpu.vector_store %arg10[%swap3A_325, %swap3A_326], %swap3A_329 {strides = array<i32>} : memref<128x128xf32, #tpu.memory_space<vmem>>, vector<1x16xf32>,
        %slice3A_330 = vector.extract_strided_slice %get3A_39 {offsets = [2], sizes = [1], strides = [1]} : vector<16xf32> to vector<1xf32>
        %squeeze3A_331 = vector.extract %slice3A_330[0] : f32 from vector<1xf32>
        %broadcast_in_dim3A_332 = vector.broadcast %squeeze3A_331 : f32 to vector<16xf32>
        %mul3A_333 = arith.constant 16 : i32
        %mul3A_334 = arith.muli %add3A_34, %mul3A_333 : i32
        %add3A_335 = arith.constant 2 : i32
        %add3A_336 = arith.addi %mul3A_334, %add3A_335 : i32
        %get3A_337 = arith.index_cast %add3A_336 : i32 to index
        %get3A_338 = arith.constant 0 : index
        %get3A_339 = tpu.vector_load %arg10[%get3A_337, %get3A_338] {strides = array<i32>} : memref<128x128xf32, #tpu.memory_space<vmem>>, vector<1x16xf32>,
        %get3A_340 = vector.shape_cast %get3A_339 : vector<1x16xf32> to vector<16xf32>
        %mul3A_341 = arith.mulf %get3A_340, %broadcast_in_dim3A_332 : vector<16xf32>
        %mul3A_342 = arith.constant 16 : i32
        %mul3A_343 = arith.muli %add3A_34, %mul3A_342 : i32
        %add3A_344 = arith.constant 2 : i32
        %add3A_345 = arith.addi %mul3A_343, %add3A_344 : i32
        %swap3A_346 = arith.index_cast %add3A_345 : i32 to index
        %swap3A_347 = arith.constant 0 : index
        %swap3A_348 = tpu.vector_load %arg10[%swap3A_346, %swap3A_347] {strides = array<i32>} : memref<128x128xf32, #tpu.memory_space<vmem>>, vector<1x16xf32>,
        %swap3A_349 = vector.shape_cast %swap3A_348 : vector<1x16xf32> to vector<16xf32>
        %swap3A_350 = vector.shape_cast %mul3A_341 : vector<16xf32> to vector<1x16xf32>
        tpu.vector_store %arg10[%swap3A_346, %swap3A_347], %swap3A_350 {strides = array<i32>} : memref<128x128xf32, #tpu.memory_space<vmem>>, vector<1x16xf32>,
        %mul3A_351 = arith.constant 16 : i32
        %mul3A_352 = arith.muli %add3A_34, %mul3A_351 : i32
        %add3A_353 = arith.constant 2 : i32
        %add3A_354 = arith.addi %mul3A_352, %add3A_353 : i32
        %get3A_355 = arith.index_cast %add3A_354 : i32 to index
        %get3A_356 = arith.constant 16 : index
        %get3A_357 = tpu.vector_load %arg10[%get3A_355, %get3A_356] {strides = array<i32>} : memref<128x128xf32, #tpu.memory_space<vmem>>, vector<1x16xf32>,
        %get3A_358 = vector.shape_cast %get3A_357 : vector<1x16xf32> to vector<16xf32>
        %mul3A_359 = arith.mulf %get3A_358, %broadcast_in_dim3A_332 : vector<16xf32>
        %mul3A_360 = arith.constant 16 : i32
        %mul3A_361 = arith.muli %add3A_34, %mul3A_360 : i32
        %add3A_362 = arith.constant 2 : i32
        %add3A_363 = arith.addi %mul3A_361, %add3A_362 : i32
        %swap3A_364 = arith.index_cast %add3A_363 : i32 to index
        %swap3A_365 = arith.constant 16 : index
        %swap3A_366 = tpu.vector_load %arg10[%swap3A_364, %swap3A_365] {strides = array<i32>} : memref<128x128xf32, #tpu.memory_space<vmem>>, vector<1x16xf32>,
        %swap3A_367 = vector.shape_cast %swap3A_366 : vector<1x16xf32> to vector<16xf32>
        %swap3A_368 = vector.shape_cast %mul3A_359 : vector<16xf32> to vector<1x16xf32>
        tpu.vector_store %arg10[%swap3A_364, %swap3A_365], %swap3A_368 {strides = array<i32>} : memref<128x128xf32, #tpu.memory_space<vmem>>, vector<1x16xf32>,
        %mul3A_369 = arith.constant 16 : i32
        %mul3A_370 = arith.muli %add3A_34, %mul3A_369 : i32
        %add3A_371 = arith.constant 2 : i32
        %add3A_372 = arith.addi %mul3A_370, %add3A_371 : i32
        %get3A_373 = arith.index_cast %add3A_372 : i32 to index
        %get3A_374 = arith.constant 32 : index
        %get3A_375 = tpu.vector_load %arg10[%get3A_373, %get3A_374] {strides = array<i32>} : memref<128x128xf32, #tpu.memory_space<vmem>>, vector<1x16xf32>,
        %get3A_376 = vector.shape_cast %get3A_375 : vector<1x16xf32> to vector<16xf32>
        %mul3A_377 = arith.mulf %get3A_376, %broadcast_in_dim3A_332 : vector<16xf32>
        %mul3A_378 = arith.constant 16 : i32
        %mul3A_379 = arith.muli %add3A_34, %mul3A_378 : i32
        %add3A_380 = arith.constant 2 : i32
        %add3A_381 = arith.addi %mul3A_379, %add3A_380 : i32
        %swap3A_382 = arith.index_cast %add3A_381 : i32 to index
        %swap3A_383 = arith.constant 32 : index
        %swap3A_384 = tpu.vector_load %arg10[%swap3A_382, %swap3A_383] {strides = array<i32>} : memref<128x128xf32, #tpu.memory_space<vmem>>, vector<1x16xf32>,
        %swap3A_385 = vector.shape_cast %swap3A_384 : vector<1x16xf32> to vector<16xf32>
        %swap3A_386 = vector.shape_cast %mul3A_377 : vector<16xf32> to vector<1x16xf32>
        tpu.vector_store %arg10[%swap3A_382, %swap3A_383], %swap3A_386 {strides = array<i32>} : memref<128x128xf32, #tpu.memory_space<vmem>>, vector<1x16xf32>,
        %mul3A_387 = arith.constant 16 : i32
        %mul3A_388 = arith.muli %add3A_34, %mul3A_387 : i32
        %add3A_389 = arith.constant 2 : i32
        %add3A_390 = arith.addi %mul3A_388, %add3A_389 : i32
        %get3A_391 = arith.index_cast %add3A_390 : i32 to index
        %get3A_392 = arith.constant 48 : index
        %get3A_393 = tpu.vector_load %arg10[%get3A_391, %get3A_392] {strides = array<i32>} : memref<128x128xf32, #tpu.memory_space<vmem>>, vector<1x16xf32>,
        %get3A_394 = vector.shape_cast %get3A_393 : vector<1x16xf32> to vector<16xf32>
        %mul3A_395 = arith.mulf %get3A_394, %broadcast_in_dim3A_332 : vector<16xf32>
        %mul3A_396 = arith.constant 16 : i32
        %mul3A_397 = arith.muli %add3A_34, %mul3A_396 : i32
        %add3A_398 = arith.constant 2 : i32
        %add3A_399 = arith.addi %mul3A_397, %add3A_398 : i32
        %swap3A_400 = arith.index_cast %add3A_399 : i32 to index
        %swap3A_401 = arith.constant 48 : index
        %swap3A_402 = tpu.vector_load %arg10[%swap3A_400, %swap3A_401] {strides = array<i32>} : memref<128x128xf32, #tpu.memory_space<vmem>>, vector<1x16xf32>,
        %swap3A_403 = vector.shape_cast %swap3A_402 : vector<1x16xf32> to vector<16xf32>
        %swap3A_404 = vector.shape_cast %mul3A_395 : vector<16xf32> to vector<1x16xf32>
        tpu.vector_store %arg10[%swap3A_400, %swap3A_401], %swap3A_404 {strides = array<i32>} : memref<128x128xf32, #tpu.memory_space<vmem>>, vector<1x16xf32>,
        %mul3A_405 = arith.constant 16 : i32
        %mul3A_406 = arith.muli %add3A_34, %mul3A_405 : i32
        %add3A_407 = arith.constant 2 : i32
        %add3A_408 = arith.addi %mul3A_406, %add3A_407 : i32
        %get3A_409 = arith.index_cast %add3A_408 : i32 to index
        %get3A_410 = arith.constant 64 : index
        %get3A_411 = tpu.vector_load %arg10[%get3A_409, %get3A_410] {strides = array<i32>} : memref<128x128xf32, #tpu.memory_space<vmem>>, vector<1x16xf32>,
        %get3A_412 = vector.shape_cast %get3A_411 : vector<1x16xf32> to vector<16xf32>
        %mul3A_413 = arith.mulf %get3A_412, %broadcast_in_dim3A_332 : vector<16xf32>
        %mul3A_414 = arith.constant 16 : i32
        %mul3A_415 = arith.muli %add3A_34, %mul3A_414 : i32
        %add3A_416 = arith.constant 2 : i32
        %add3A_417 = arith.addi %mul3A_415, %add3A_416 : i32
        %swap3A_418 = arith.index_cast %add3A_417 : i32 to index
        %swap3A_419 = arith.constant 64 : index
        %swap3A_420 = tpu.vector_load %arg10[%swap3A_418, %swap3A_419] {strides = array<i32>} : memref<128x128xf32, #tpu.memory_space<vmem>>, vector<1x16xf32>,
        %swap3A_421 = vector.shape_cast %swap3A_420 : vector<1x16xf32> to vector<16xf32>
        %swap3A_422 = vector.shape_cast %mul3A_413 : vector<16xf32> to vector<1x16xf32>
        tpu.vector_store %arg10[%swap3A_418, %swap3A_419], %swap3A_422 {strides = array<i32>} : memref<128x128xf32, #tpu.memory_space<vmem>>, vector<1x16xf32>,
        %mul3A_423 = arith.constant 16 : i32
        %mul3A_424 = arith.muli %add3A_34, %mul3A_423 : i32
        %add3A_425 = arith.constant 2 : i32
        %add3A_426 = arith.addi %mul3A_424, %add3A_425 : i32
        %get3A_427 = arith.index_cast %add3A_426 : i32 to index
        %get3A_428 = arith.constant 80 : index
        %get3A_429 = tpu.vector_load %arg10[%get3A_427, %get3A_428] {strides = array<i32>} : memref<128x128xf32, #tpu.memory_space<vmem>>, vector<1x16xf32>,
        %get3A_430 = vector.shape_cast %get3A_429 : vector<1x16xf32> to vector<16xf32>
        %mul3A_431 = arith.mulf %get3A_430, %broadcast_in_dim3A_332 : vector<16xf32>
        %mul3A_432 = arith.constant 16 : i32
        %mul3A_433 = arith.muli %add3A_34, %mul3A_432 : i32
        %add3A_434 = arith.constant 2 : i32
        %add3A_435 = arith.addi %mul3A_433, %add3A_434 : i32
        %swap3A_436 = arith.index_cast %add3A_435 : i32 to index
        %swap3A_437 = arith.constant 80 : index
        %swap3A_438 = tpu.vector_load %arg10[%swap3A_436, %swap3A_437] {strides = array<i32>} : memref<128x128xf32, #tpu.memory_space<vmem>>, vector<1x16xf32>,
        %swap3A_439 = vector.shape_cast %swap3A_438 : vector<1x16xf32> to vector<16xf32>
        %swap3A_440 = vector.shape_cast %mul3A_431 : vector<16xf32> to vector<1x16xf32>
        tpu.vector_store %arg10[%swap3A_436, %swap3A_437], %swap3A_440 {strides = array<i32>} : memref<128x128xf32, #tpu.memory_space<vmem>>, vector<1x16xf32>,
        %mul3A_441 = arith.constant 16 : i32
        %mul3A_442 = arith.muli %add3A_34, %mul3A_441 : i32
        %add3A_443 = arith.constant 2 : i32
        %add3A_444 = arith.addi %mul3A_442, %add3A_443 : i32
        %get3A_445 = arith.index_cast %add3A_444 : i32 to index
        %get3A_446 = arith.constant 96 : index
        %get3A_447 = tpu.vector_load %arg10[%get3A_445, %get3A_446] {strides = array<i32>} : memref<128x128xf32, #tpu.memory_space<vmem>>, vector<1x16xf32>,
        %get3A_448 = vector.shape_cast %get3A_447 : vector<1x16xf32> to vector<16xf32>
        %mul3A_449 = arith.mulf %get3A_448, %broadcast_in_dim3A_332 : vector<16xf32>
        %mul3A_450 = arith.constant 16 : i32
        %mul3A_451 = arith.muli %add3A_34, %mul3A_450 : i32
        %add3A_452 = arith.constant 2 : i32
        %add3A_453 = arith.addi %mul3A_451, %add3A_452 : i32
        %swap3A_454 = arith.index_cast %add3A_453 : i32 to index
        %swap3A_455 = arith.constant 96 : index
        %swap3A_456 = tpu.vector_load %arg10[%swap3A_454, %swap3A_455] {strides = array<i32>} : memref<128x128xf32, #tpu.memory_space<vmem>>, vector<1x16xf32>,
        %swap3A_457 = vector.shape_cast %swap3A_456 : vector<1x16xf32> to vector<16xf32>
        %swap3A_458 = vector.shape_cast %mul3A_449 : vector<16xf32> to vector<1x16xf32>
        tpu.vector_store %arg10[%swap3A_454, %swap3A_455], %swap3A_458 {strides = array<i32>} : memref<128x128xf32, #tpu.memory_space<vmem>>, vector<1x16xf32>,
        %mul3A_459 = arith.constant 16 : i32
        %mul3A_460 = arith.muli %add3A_34, %mul3A_459 : i32
        %add3A_461 = arith.constant 2 : i32
        %add3A_462 = arith.addi %mul3A_460, %add3A_461 : i32
        %get3A_463 = arith.index_cast %add3A_462 : i32 to index
        %get3A_464 = arith.constant 112 : index
        %get3A_465 = tpu.vector_load %arg10[%get3A_463, %get3A_464] {strides = array<i32>} : memref<128x128xf32, #tpu.memory_space<vmem>>, vector<1x16xf32>,
        %get3A_466 = vector.shape_cast %get3A_465 : vector<1x16xf32> to vector<16xf32>
        %mul3A_467 = arith.mulf %get3A_466, %broadcast_in_dim3A_332 : vector<16xf32>
        %mul3A_468 = arith.constant 16 : i32
        %mul3A_469 = arith.muli %add3A_34, %mul3A_468 : i32
        %add3A_470 = arith.constant 2 : i32
        %add3A_471 = arith.addi %mul3A_469, %add3A_470 : i32
        %swap3A_472 = arith.index_cast %add3A_471 : i32 to index
        %swap3A_473 = arith.constant 112 : index
        %swap3A_474 = tpu.vector_load %arg10[%swap3A_472, %swap3A_473] {strides = array<i32>} : memref<128x128xf32, #tpu.memory_space<vmem>>, vector<1x16xf32>,
        %swap3A_475 = vector.shape_cast %swap3A_474 : vector<1x16xf32> to vector<16xf32>
        %swap3A_476 = vector.shape_cast %mul3A_467 : vector<16xf32> to vector<1x16xf32>
        tpu.vector_store %arg10[%swap3A_472, %swap3A_473], %swap3A_476 {strides = array<i32>} : memref<128x128xf32, #tpu.memory_space<vmem>>, vector<1x16xf32>,
        %slice3A_477 = vector.extract_strided_slice %get3A_39 {offsets = [3], sizes = [1], strides = [1]} : vector<16xf32> to vector<1xf32>
        %squeeze3A_478 = vector.extract %slice3A_477[0] : f32 from vector<1xf32>
        %broadcast_in_dim3A_479 = vector.broadcast %squeeze3A_478 : f32 to vector<16xf32>
        %mul3A_480 = arith.constant 16 : i32
        %mul3A_481 = arith.muli %add3A_34, %mul3A_480 : i32
        %add3A_482 = arith.constant 3 : i32
        %add3A_483 = arith.addi %mul3A_481, %add3A_482 : i32
        %get3A_484 = arith.index_cast %add3A_483 : i32 to index
        %get3A_485 = arith.constant 0 : index
        %get3A_486 = tpu.vector_load %arg10[%get3A_484, %get3A_485] {strides = array<i32>} : memref<128x128xf32, #tpu.memory_space<vmem>>, vector<1x16xf32>,
        %get3A_487 = vector.shape_cast %get3A_486 : vector<1x16xf32> to vector<16xf32>
        %mul3A_488 = arith.mulf %get3A_487, %broadcast_in_dim3A_479 : vector<16xf32>
        %mul3A_489 = arith.constant 16 : i32
        %mul3A_490 = arith.muli %add3A_34, %mul3A_489 : i32
        %add3A_491 = arith.constant 3 : i32
        %add3A_492 = arith.addi %mul3A_490, %add3A_491 : i32
        %swap3A_493 = arith.index_cast %add3A_492 : i32 to index
        %swap3A_494 = arith.constant 0 : index
        %swap3A_495 = tpu.vector_load %arg10[%swap3A_493, %swap3A_494] {strides = array<i32>} : memref<128x128xf32, #tpu.memory_space<vmem>>, vector<1x16xf32>,
        %swap3A_496 = vector.shape_cast %swap3A_495 : vector<1x16xf32> to vector<16xf32>
        %swap3A_497 = vector.shape_cast %mul3A_488 : vector<16xf32> to vector<1x16xf32>
        tpu.vector_store %arg10[%swap3A_493, %swap3A_494], %swap3A_497 {strides = array<i32>} : memref<128x128xf32, #tpu.memory_space<vmem>>, vector<1x16xf32>,
        %mul3A_498 = arith.constant 16 : i32
        %mul3A_499 = arith.muli %add3A_34, %mul3A_498 : i32
        %add3A_500 = arith.constant 3 : i32
        %add3A_501 = arith.addi %mul3A_499, %add3A_500 : i32
        %get3A_502 = arith.index_cast %add3A_501 : i32 to index
        %get3A_503 = arith.constant 16 : index
        %get3A_504 = tpu.vector_load %arg10[%get3A_502, %get3A_503] {strides = array<i32>} : memref<128x128xf32, #tpu.memory_space<vmem>>, vector<1x16xf32>,
        %get3A_505 = vector.shape_cast %get3A_504 : vector<1x16xf32> to vector<16xf32>
        %mul3A_506 = arith.mulf %get3A_505, %broadcast_in_dim3A_479 : vector<16xf32>
        %mul3A_507 = arith.constant 16 : i32
        %mul3A_508 = arith.muli %add3A_34, %mul3A_507 : i32
        %add3A_509 = arith.constant 3 : i32
        %add3A_510 = arith.addi %mul3A_508, %add3A_509 : i32
        %swap3A_511 = arith.index_cast %add3A_510 : i32 to index
        %swap3A_512 = arith.constant 16 : index
        %swap3A_513 = tpu.vector_load %arg10[%swap3A_511, %swap3A_512] {strides = array<i32>} : memref<128x128xf32, #tpu.memory_space<vmem>>, vector<1x16xf32>,
        %swap3A_514 = vector.shape_cast %swap3A_513 : vector<1x16xf32> to vector<16xf32>
        %swap3A_515 = vector.shape_cast %mul3A_506 : vector<16xf32> to vector<1x16xf32>
        tpu.vector_store %arg10[%swap3A_511, %swap3A_512], %swap3A_515 {strides = array<i32>} : memref<128x128xf32, #tpu.memory_space<vmem>>, vector<1x16xf32>,
        %mul3A_516 = arith.constant 16 : i32
        %mul3A_517 = arith.muli %add3A_34, %mul3A_516 : i32
        %add3A_518 = arith.constant 3 : i32
        %add3A_519 = arith.addi %mul3A_517, %add3A_518 : i32
        %get3A_520 = arith.index_cast %add3A_519 : i32 to index
        %get3A_521 = arith.constant 32 : index
        %get3A_522 = tpu.vector_load %arg10[%get3A_520, %get3A_521] {strides = array<i32>} : memref<128x128xf32, #tpu.memory_space<vmem>>, vector<1x16xf32>,
        %get3A_523 = vector.shape_cast %get3A_522 : vector<1x16xf32> to vector<16xf32>
        %mul3A_524 = arith.mulf %get3A_523, %broadcast_in_dim3A_479 : vector<16xf32>
        %mul3A_525 = arith.constant 16 : i32
        %mul3A_526 = arith.muli %add3A_34, %mul3A_525 : i32
        %add3A_527 = arith.constant 3 : i32
        %add3A_528 = arith.addi %mul3A_526, %add3A_527 : i32
        %swap3A_529 = arith.index_cast %add3A_528 : i32 to index
        %swap3A_530 = arith.constant 32 : index
        %swap3A_531 = tpu.vector_load %arg10[%swap3A_529, %swap3A_530] {strides = array<i32>} : memref<128x128xf32, #tpu.memory_space<vmem>>, vector<1x16xf32>,
        %swap3A_532 = vector.shape_cast %swap3A_531 : vector<1x16xf32> to vector<16xf32>
        %swap3A_533 = vector.shape_cast %mul3A_524 : vector<16xf32> to vector<1x16xf32>
        tpu.vector_store %arg10[%swap3A_529, %swap3A_530], %swap3A_533 {strides = array<i32>} : memref<128x128xf32, #tpu.memory_space<vmem>>, vector<1x16xf32>,
        %mul3A_534 = arith.constant 16 : i32
        %mul3A_535 = arith.muli %add3A_34, %mul3A_534 : i32
        %add3A_536 = arith.constant 3 : i32
        %add3A_537 = arith.addi %mul3A_535, %add3A_536 : i32
        %get3A_538 = arith.index_cast %add3A_537 : i32 to index
        %get3A_539 = arith.constant 48 : index
        %get3A_540 = tpu.vector_load %arg10[%get3A_538, %get3A_539] {strides = array<i32>} : memref<128x128xf32, #tpu.memory_space<vmem>>, vector<1x16xf32>,
        %get3A_541 = vector.shape_cast %get3A_540 : vector<1x16xf32> to vector<16xf32>
        %mul3A_542 = arith.mulf %get3A_541, %broadcast_in_dim3A_479 : vector<16xf32>
        %mul3A_543 = arith.constant 16 : i32
        %mul3A_544 = arith.muli %add3A_34, %mul3A_543 : i32
        %add3A_545 = arith.constant 3 : i32
        %add3A_546 = arith.addi %mul3A_544, %add3A_545 : i32
        %swap3A_547 = arith.index_cast %add3A_546 : i32 to index
        %swap3A_548 = arith.constant 48 : index
        %swap3A_549 = tpu.vector_load %arg10[%swap3A_547, %swap3A_548] {strides = array<i32>} : memref<128x128xf32, #tpu.memory_space<vmem>>, vector<1x16xf32>,
        %swap3A_550 = vector.shape_cast %swap3A_549 : vector<1x16xf32> to vector<16xf32>
        %swap3A_551 = vector.shape_cast %mul3A_542 : vector<16xf32> to vector<1x16xf32>
        tpu.vector_store %arg10[%swap3A_547, %swap3A_548], %swap3A_551 {strides = array<i32>} : memref<128x128xf32, #tpu.memory_space<vmem>>, vector<1x16xf32>,
        %mul3A_552 = arith.constant 16 : i32
        %mul3A_553 = arith.muli %add3A_34, %mul3A_552 : i32
        %add3A_554 = arith.constant 3 : i32
        %add3A_555 = arith.addi %mul3A_553, %add3A_554 : i32
        %get3A_556 = arith.index_cast %add3A_555 : i32 to index
        %get3A_557 = arith.constant 64 : index
        %get3A_558 = tpu.vector_load %arg10[%get3A_556, %get3A_557] {strides = array<i32>} : memref<128x128xf32, #tpu.memory_space<vmem>>, vector<1x16xf32>,
        %get3A_559 = vector.shape_cast %get3A_558 : vector<1x16xf32> to vector<16xf32>
        %mul3A_560 = arith.mulf %get3A_559, %broadcast_in_dim3A_479 : vector<16xf32>
        %mul3A_561 = arith.constant 16 : i32
        %mul3A_562 = arith.muli %add3A_34, %mul3A_561 : i32
        %add3A_563 = arith.constant 3 : i32
        %add3A_564 = arith.addi %mul3A_562, %add3A_563 : i32
        %swap3A_565 = arith.index_cast %add3A_564 : i32 to index
        %swap3A_566 = arith.constant 64 : index
        %swap3A_567 = tpu.vector_load %arg10[%swap3A_565, %swap3A_566] {strides = array<i32>} : memref<128x128xf32, #tpu.memory_space<vmem>>, vector<1x16xf32>,
        %swap3A_568 = vector.shape_cast %swap3A_567 : vector<1x16xf32> to vector<16xf32>
        %swap3A_569 = vector.shape_cast %mul3A_560 : vector<16xf32> to vector<1x16xf32>
        tpu.vector_store %arg10[%swap3A_565, %swap3A_566], %swap3A_569 {strides = array<i32>} : memref<128x128xf32, #tpu.memory_space<vmem>>, vector<1x16xf32>,
        %mul3A_570 = arith.constant 16 : i32
        %mul3A_571 = arith.muli %add3A_34, %mul3A_570 : i32
        %add3A_572 = arith.constant 3 : i32
        %add3A_573 = arith.addi %mul3A_571, %add3A_572 : i32
        %get3A_574 = arith.index_cast %add3A_573 : i32 to index
        %get3A_575 = arith.constant 80 : index
        %get3A_576 = tpu.vector_load %arg10[%get3A_574, %get3A_575] {strides = array<i32>} : memref<128x128xf32, #tpu.memory_space<vmem>>, vector<1x16xf32>,
        %get3A_577 = vector.shape_cast %get3A_576 : vector<1x16xf32> to vector<16xf32>
        %mul3A_578 = arith.mulf %get3A_577, %broadcast_in_dim3A_479 : vector<16xf32>
        %mul3A_579 = arith.constant 16 : i32
        %mul3A_580 = arith.muli %add3A_34, %mul3A_579 : i32
        %add3A_581 = arith.constant 3 : i32
        %add3A_582 = arith.addi %mul3A_580, %add3A_581 : i32
        %swap3A_583 = arith.index_cast %add3A_582 : i32 to index
        %swap3A_584 = arith.constant 80 : index
        %swap3A_585 = tpu.vector_load %arg10[%swap3A_583, %swap3A_584] {strides = array<i32>} : memref<128x128xf32, #tpu.memory_space<vmem>>, vector<1x16xf32>,
        %swap3A_586 = vector.shape_cast %swap3A_585 : vector<1x16xf32> to vector<16xf32>
        %swap3A_587 = vector.shape_cast %mul3A_578 : vector<16xf32> to vector<1x16xf32>
        tpu.vector_store %arg10[%swap3A_583, %swap3A_584], %swap3A_587 {strides = array<i32>} : memref<128x128xf32, #tpu.memory_space<vmem>>, vector<1x16xf32>,
        %mul3A_588 = arith.constant 16 : i32
        %mul3A_589 = arith.muli %add3A_34, %mul3A_588 : i32
        %add3A_590 = arith.constant 3 : i32
        %add3A_591 = arith.addi %mul3A_589, %add3A_590 : i32
        %get3A_592 = arith.index_cast %add3A_591 : i32 to index
        %get3A_593 = arith.constant 96 : index
        %get3A_594 = tpu.vector_load %arg10[%get3A_592, %get3A_593] {strides = array<i32>} : memref<128x128xf32, #tpu.memory_space<vmem>>, vector<1x16xf32>,
        %get3A_595 = vector.shape_cast %get3A_594 : vector<1x16xf32> to vector<16xf32>
        %mul3A_596 = arith.mulf %get3A_595, %broadcast_in_dim3A_479 : vector<16xf32>
        %mul3A_597 = arith.constant 16 : i32
        %mul3A_598 = arith.muli %add3A_34, %mul3A_597 : i32
        %add3A_599 = arith.constant 3 : i32
        %add3A_600 = arith.addi %mul3A_598, %add3A_599 : i32
        %swap3A_601 = arith.index_cast %add3A_600 : i32 to index
        %swap3A_602 = arith.constant 96 : index
        %swap3A_603 = tpu.vector_load %arg10[%swap3A_601, %swap3A_602] {strides = array<i32>} : memref<128x128xf32, #tpu.memory_space<vmem>>, vector<1x16xf32>,
        %swap3A_604 = vector.shape_cast %swap3A_603 : vector<1x16xf32> to vector<16xf32>
        %swap3A_605 = vector.shape_cast %mul3A_596 : vector<16xf32> to vector<1x16xf32>
        tpu.vector_store %arg10[%swap3A_601, %swap3A_602], %swap3A_605 {strides = array<i32>} : memref<128x128xf32, #tpu.memory_space<vmem>>, vector<1x16xf32>,
        %mul3A_606 = arith.constant 16 : i32
        %mul3A_607 = arith.muli %add3A_34, %mul3A_606 : i32
        %add3A_608 = arith.constant 3 : i32
        %add3A_609 = arith.addi %mul3A_607, %add3A_608 : i32
        %get3A_610 = arith.index_cast %add3A_609 : i32 to index
        %get3A_611 = arith.constant 112 : index
        %get3A_612 = tpu.vector_load %arg10[%get3A_610, %get3A_611] {strides = array<i32>} : memref<128x128xf32, #tpu.memory_space<vmem>>, vector<1x16xf32>,
        %get3A_613 = vector.shape_cast %get3A_612 : vector<1x16xf32> to vector<16xf32>
        %mul3A_614 = arith.mulf %get3A_613, %broadcast_in_dim3A_479 : vector<16xf32>
        %mul3A_615 = arith.constant 16 : i32
        %mul3A_616 = arith.muli %add3A_34, %mul3A_615 : i32
        %add3A_617 = arith.constant 3 : i32
        %add3A_618 = arith.addi %mul3A_616, %add3A_617 : i32
        %swap3A_619 = arith.index_cast %add3A_618 : i32 to index
        %swap3A_620 = arith.constant 112 : index
        %swap3A_621 = tpu.vector_load %arg10[%swap3A_619, %swap3A_620] {strides = array<i32>} : memref<128x128xf32, #tpu.memory_space<vmem>>, vector<1x16xf32>,
        %swap3A_622 = vector.shape_cast %swap3A_621 : vector<1x16xf32> to vector<16xf32>
        %swap3A_623 = vector.shape_cast %mul3A_614 : vector<16xf32> to vector<1x16xf32>
        tpu.vector_store %arg10[%swap3A_619, %swap3A_620], %swap3A_623 {strides = array<i32>} : memref<128x128xf32, #tpu.memory_space<vmem>>, vector<1x16xf32>,
        %slice3A_624 = vector.extract_strided_slice %get3A_39 {offsets = [4], sizes = [1], strides = [1]} : vector<16xf32> to vector<1xf32>
        %squeeze3A_625 = vector.extract %slice3A_624[0] : f32 from vector<1xf32>
        %broadcast_in_dim3A_626 = vector.broadcast %squeeze3A_625 : f32 to vector<16xf32>
        %mul3A_627 = arith.constant 16 : i32
        %mul3A_628 = arith.muli %add3A_34, %mul3A_627 : i32
        %add3A_629 = arith.constant 4 : i32
        %add3A_630 = arith.addi %mul3A_628, %add3A_629 : i32
        %get3A_631 = arith.index_cast %add3A_630 : i32 to index
        %get3A_632 = arith.constant 0 : index
        %get3A_633 = tpu.vector_load %arg10[%get3A_631, %get3A_632] {strides = array<i32>} : memref<128x128xf32, #tpu.memory_space<vmem>>, vector<1x16xf32>,
        %get3A_634 = vector.shape_cast %get3A_633 : vector<1x16xf32> to vector<16xf32>
        %mul3A_635 = arith.mulf %get3A_634, %broadcast_in_dim3A_626 : vector<16xf32>
        %mul3A_636 = arith.constant 16 : i32
        %mul3A_637 = arith.muli %add3A_34, %mul3A_636 : i32
        %add3A_638 = arith.constant 4 : i32
        %add3A_639 = arith.addi %mul3A_637, %add3A_638 : i32
        %swap3A_640 = arith.index_cast %add3A_639 : i32 to index
        %swap3A_641 = arith.constant 0 : index
        %swap3A_642 = tpu.vector_load %arg10[%swap3A_640, %swap3A_641] {strides = array<i32>} : memref<128x128xf32, #tpu.memory_space<vmem>>, vector<1x16xf32>,
        %swap3A_643 = vector.shape_cast %swap3A_642 : vector<1x16xf32> to vector<16xf32>
        %swap3A_644 = vector.shape_cast %mul3A_635 : vector<16xf32> to vector<1x16xf32>
        tpu.vector_store %arg10[%swap3A_640, %swap3A_641], %swap3A_644 {strides = array<i32>} : memref<128x128xf32, #tpu.memory_space<vmem>>, vector<1x16xf32>,
        %mul3A_645 = arith.constant 16 : i32
        %mul3A_646 = arith.muli %add3A_34, %mul3A_645 : i32
        %add3A_647 = arith.constant 4 : i32
        %add3A_648 = arith.addi %mul3A_646, %add3A_647 : i32
        %get3A_649 = arith.index_cast %add3A_648 : i32 to index
        %get3A_650 = arith.constant 16 : index
        %get3A_651 = tpu.vector_load %arg10[%get3A_649, %get3A_650] {strides = array<i32>} : memref<128x128xf32, #tpu.memory_space<vmem>>, vector<1x16xf32>,
        %get3A_652 = vector.shape_cast %get3A_651 : vector<1x16xf32> to vector<16xf32>
        %mul3A_653 = arith.mulf %get3A_652, %broadcast_in_dim3A_626 : vector<16xf32>
        %mul3A_654 = arith.constant 16 : i32
        %mul3A_655 = arith.muli %add3A_34, %mul3A_654 : i32
        %add3A_656 = arith.constant 4 : i32
        %add3A_657 = arith.addi %mul3A_655, %add3A_656 : i32
        %swap3A_658 = arith.index_cast %add3A_657 : i32 to index
        %swap3A_659 = arith.constant 16 : index
        %swap3A_660 = tpu.vector_load %arg10[%swap3A_658, %swap3A_659] {strides = array<i32>} : memref<128x128xf32, #tpu.memory_space<vmem>>, vector<1x16xf32>,
        %swap3A_661 = vector.shape_cast %swap3A_660 : vector<1x16xf32> to vector<16xf32>
        %swap3A_662 = vector.shape_cast %mul3A_653 : vector<16xf32> to vector<1x16xf32>
        tpu.vector_store %arg10[%swap3A_658, %swap3A_659], %swap3A_662 {strides = array<i32>} : memref<128x128xf32, #tpu.memory_space<vmem>>, vector<1x16xf32>,
        %mul3A_663 = arith.constant 16 : i32
        %mul3A_664 = arith.muli %add3A_34, %mul3A_663 : i32
        %add3A_665 = arith.constant 4 : i32
        %add3A_666 = arith.addi %mul3A_664, %add3A_665 : i32
        %get3A_667 = arith.index_cast %add3A_666 : i32 to index
        %get3A_668 = arith.constant 32 : index
        %get3A_669 = tpu.vector_load %arg10[%get3A_667, %get3A_668] {strides = array<i32>} : memref<128x128xf32, #tpu.memory_space<vmem>>, vector<1x16xf32>,
        %get3A_670 = vector.shape_cast %get3A_669 : vector<1x16xf32> to vector<16xf32>
        %mul3A_671 = arith.mulf %get3A_670, %broadcast_in_dim3A_626 : vector<16xf32>
        %mul3A_672 = arith.constant 16 : i32
        %mul3A_673 = arith.muli %add3A_34, %mul3A_672 : i32
        %add3A_674 = arith.constant 4 : i32
        %add3A_675 = arith.addi %mul3A_673, %add3A_674 : i32
        %swap3A_676 = arith.index_cast %add3A_675 : i32 to index
        %swap3A_677 = arith.constant 32 : index
        %swap3A_678 = tpu.vector_load %arg10[%swap3A_676, %swap3A_677] {strides = array<i32>} : memref<128x128xf32, #tpu.memory_space<vmem>>, vector<1x16xf32>,
        %swap3A_679 = vector.shape_cast %swap3A_678 : vector<1x16xf32> to vector<16xf32>
        %swap3A_680 = vector.shape_cast %mul3A_671 : vector<16xf32> to vector<1x16xf32>
        tpu.vector_store %arg10[%swap3A_676, %swap3A_677], %swap3A_680 {strides = array<i32>} : memref<128x128xf32, #tpu.memory_space<vmem>>, vector<1x16xf32>,
        %mul3A_681 = arith.constant 16 : i32
        %mul3A_682 = arith.muli %add3A_34, %mul3A_681 : i32
        %add3A_683 = arith.constant 4 : i32
        %add3A_684 = arith.addi %mul3A_682, %add3A_683 : i32
        %get3A_685 = arith.index_cast %add3A_684 : i32 to index
        %get3A_686 = arith.constant 48 : index
        %get3A_687 = tpu.vector_load %arg10[%get3A_685, %get3A_686] {strides = array<i32>} : memref<128x128xf32, #tpu.memory_space<vmem>>, vector<1x16xf32>,
        %get3A_688 = vector.shape_cast %get3A_687 : vector<1x16xf32> to vector<16xf32>
        %mul3A_689 = arith.mulf %get3A_688, %broadcast_in_dim3A_626 : vector<16xf32>
        %mul3A_690 = arith.constant 16 : i32
        %mul3A_691 = arith.muli %add3A_34, %mul3A_690 : i32
        %add3A_692 = arith.constant 4 : i32
        %add3A_693 = arith.addi %mul3A_691, %add3A_692 : i32
        %swap3A_694 = arith.index_cast %add3A_693 : i32 to index
        %swap3A_695 = arith.constant 48 : index
        %swap3A_696 = tpu.vector_load %arg10[%swap3A_694, %swap3A_695] {strides = array<i32>} : memref<128x128xf32, #tpu.memory_space<vmem>>, vector<1x16xf32>,
        %swap3A_697 = vector.shape_cast %swap3A_696 : vector<1x16xf32> to vector<16xf32>
        %swap3A_698 = vector.shape_cast %mul3A_689 : vector<16xf32> to vector<1x16xf32>
        tpu.vector_store %arg10[%swap3A_694, %swap3A_695], %swap3A_698 {strides = array<i32>} : memref<128x128xf32, #tpu.memory_space<vmem>>, vector<1x16xf32>,
        %mul3A_699 = arith.constant 16 : i32
        %mul3A_700 = arith.muli %add3A_34, %mul3A_699 : i32
        %add3A_701 = arith.constant 4 : i32
        %add3A_702 = arith.addi %mul3A_700, %add3A_701 : i32
        %get3A_703 = arith.index_cast %add3A_702 : i32 to index
        %get3A_704 = arith.constant 64 : index
        %get3A_705 = tpu.vector_load %arg10[%get3A_703, %get3A_704] {strides = array<i32>} : memref<128x128xf32, #tpu.memory_space<vmem>>, vector<1x16xf32>,
        %get3A_706 = vector.shape_cast %get3A_705 : vector<1x16xf32> to vector<16xf32>
        %mul3A_707 = arith.mulf %get3A_706, %broadcast_in_dim3A_626 : vector<16xf32>
        %mul3A_708 = arith.constant 16 : i32
        %mul3A_709 = arith.muli %add3A_34, %mul3A_708 : i32
        %add3A_710 = arith.constant 4 : i32
        %add3A_711 = arith.addi %mul3A_709, %add3A_710 : i32
        %swap3A_712 = arith.index_cast %add3A_711 : i32 to index
        %swap3A_713 = arith.constant 64 : index
        %swap3A_714 = tpu.vector_load %arg10[%swap3A_712, %swap3A_713] {strides = array<i32>} : memref<128x128xf32, #tpu.memory_space<vmem>>, vector<1x16xf32>,
        %swap3A_715 = vector.shape_cast %swap3A_714 : vector<1x16xf32> to vector<16xf32>
        %swap3A_716 = vector.shape_cast %mul3A_707 : vector<16xf32> to vector<1x16xf32>
        tpu.vector_store %arg10[%swap3A_712, %swap3A_713], %swap3A_716 {strides = array<i32>} : memref<128x128xf32, #tpu.memory_space<vmem>>, vector<1x16xf32>,
        %mul3A_717 = arith.constant 16 : i32
        %mul3A_718 = arith.muli %add3A_34, %mul3A_717 : i32
        %add3A_719 = arith.constant 4 : i32
        %add3A_720 = arith.addi %mul3A_718, %add3A_719 : i32
        %get3A_721 = arith.index_cast %add3A_720 : i32 to index
        %get3A_722 = arith.constant 80 : index
        %get3A_723 = tpu.vector_load %arg10[%get3A_721, %get3A_722] {strides = array<i32>} : memref<128x128xf32, #tpu.memory_space<vmem>>, vector<1x16xf32>,
        %get3A_724 = vector.shape_cast %get3A_723 : vector<1x16xf32> to vector<16xf32>
        %mul3A_725 = arith.mulf %get3A_724, %broadcast_in_dim3A_626 : vector<16xf32>
        %mul3A_726 = arith.constant 16 : i32
        %mul3A_727 = arith.muli %add3A_34, %mul3A_726 : i32
        %add3A_728 = arith.constant 4 : i32
        %add3A_729 = arith.addi %mul3A_727, %add3A_728 : i32
        %swap3A_730 = arith.index_cast %add3A_729 : i32 to index
        %swap3A_731 = arith.constant 80 : index
        %swap3A_732 = tpu.vector_load %arg10[%swap3A_730, %swap3A_731] {strides = array<i32>} : memref<128x128xf32, #tpu.memory_space<vmem>>, vector<1x16xf32>,
        %swap3A_733 = vector.shape_cast %swap3A_732 : vector<1x16xf32> to vector<16xf32>
        %swap3A_734 = vector.shape_cast %mul3A_725 : vector<16xf32> to vector<1x16xf32>
        tpu.vector_store %arg10[%swap3A_730, %swap3A_731], %swap3A_734 {strides = array<i32>} : memref<128x128xf32, #tpu.memory_space<vmem>>, vector<1x16xf32>,
        %mul3A_735 = arith.constant 16 : i32
        %mul3A_736 = arith.muli %add3A_34, %mul3A_735 : i32
        %add3A_737 = arith.constant 4 : i32
        %add3A_738 = arith.addi %mul3A_736, %add3A_737 : i32
        %get3A_739 = arith.index_cast %add3A_738 : i32 to index
        %get3A_740 = arith.constant 96 : index
        %get3A_741 = tpu.vector_load %arg10[%get3A_739, %get3A_740] {strides = array<i32>} : memref<128x128xf32, #tpu.memory_space<vmem>>, vector<1x16xf32>,
        %get3A_742 = vector.shape_cast %get3A_741 : vector<1x16xf32> to vector<16xf32>
        %mul3A_743 = arith.mulf %get3A_742, %broadcast_in_dim3A_626 : vector<16xf32>
        %mul3A_744 = arith.constant 16 : i32
        %mul3A_745 = arith.muli %add3A_34, %mul3A_744 : i32
        %add3A_746 = arith.constant 4 : i32
        %add3A_747 = arith.addi %mul3A_745, %add3A_746 : i32
        %swap3A_748 = arith.index_cast %add3A_747 : i32 to index
        %swap3A_749 = arith.constant 96 : index
        %swap3A_750 = tpu.vector_load %arg10[%swap3A_748, %swap3A_749] {strides = array<i32>} : memref<128x128xf32, #tpu.memory_space<vmem>>, vector<1x16xf32>,
        %swap3A_751 = vector.shape_cast %swap3A_750 : vector<1x16xf32> to vector<16xf32>
        %swap3A_752 = vector.shape_cast %mul3A_743 : vector<16xf32> to vector<1x16xf32>
        tpu.vector_store %arg10[%swap3A_748, %swap3A_749], %swap3A_752 {strides = array<i32>} : memref<128x128xf32, #tpu.memory_space<vmem>>, vector<1x16xf32>,
        %mul3A_753 = arith.constant 16 : i32
        %mul3A_754 = arith.muli %add3A_34, %mul3A_753 : i32
        %add3A_755 = arith.constant 4 : i32
        %add3A_756 = arith.addi %mul3A_754, %add3A_755 : i32
        %get3A_757 = arith.index_cast %add3A_756 : i32 to index
        %get3A_758 = arith.constant 112 : index
        %get3A_759 = tpu.vector_load %arg10[%get3A_757, %get3A_758] {strides = array<i32>} : memref<128x128xf32, #tpu.memory_space<vmem>>, vector<1x16xf32>,
        %get3A_760 = vector.shape_cast %get3A_759 : vector<1x16xf32> to vector<16xf32>
        %mul3A_761 = arith.mulf %get3A_760, %broadcast_in_dim3A_626 : vector<16xf32>
        %mul3A_762 = arith.constant 16 : i32
        %mul3A_763 = arith.muli %add3A_34, %mul3A_762 : i32
        %add3A_764 = arith.constant 4 : i32
        %add3A_765 = arith.addi %mul3A_763, %add3A_764 : i32
        %swap3A_766 = arith.index_cast %add3A_765 : i32 to index
        %swap3A_767 = arith.constant 112 : index
        %swap3A_768 = tpu.vector_load %arg10[%swap3A_766, %swap3A_767] {strides = array<i32>} : memref<128x128xf32, #tpu.memory_space<vmem>>, vector<1x16xf32>,
        %swap3A_769 = vector.shape_cast %swap3A_768 : vector<1x16xf32> to vector<16xf32>
        %swap3A_770 = vector.shape_cast %mul3A_761 : vector<16xf32> to vector<1x16xf32>
        tpu.vector_store %arg10[%swap3A_766, %swap3A_767], %swap3A_770 {strides = array<i32>} : memref<128x128xf32, #tpu.memory_space<vmem>>, vector<1x16xf32>,
        %slice3A_771 = vector.extract_strided_slice %get3A_39 {offsets = [5], sizes = [1], strides = [1]} : vector<16xf32> to vector<1xf32>
        %squeeze3A_772 = vector.extract %slice3A_771[0] : f32 from vector<1xf32>
        %broadcast_in_dim3A_773 = vector.broadcast %squeeze3A_772 : f32 to vector<16xf32>
        %mul3A_774 = arith.constant 16 : i32
        %mul3A_775 = arith.muli %add3A_34, %mul3A_774 : i32
        %add3A_776 = arith.constant 5 : i32
        %add3A_777 = arith.addi %mul3A_775, %add3A_776 : i32
        %get3A_778 = arith.index_cast %add3A_777 : i32 to index
        %get3A_779 = arith.constant 0 : index
        %get3A_780 = tpu.vector_load %arg10[%get3A_778, %get3A_779] {strides = array<i32>} : memref<128x128xf32, #tpu.memory_space<vmem>>, vector<1x16xf32>,
        %get3A_781 = vector.shape_cast %get3A_780 : vector<1x16xf32> to vector<16xf32>
        %mul3A_782 = arith.mulf %get3A_781, %broadcast_in_dim3A_773 : vector<16xf32>
        %mul3A_783 = arith.constant 16 : i32
        %mul3A_784 = arith.muli %add3A_34, %mul3A_783 : i32
        %add3A_785 = arith.constant 5 : i32
        %add3A_786 = arith.addi %mul3A_784, %add3A_785 : i32
        %swap3A_787 = arith.index_cast %add3A_786 : i32 to index
        %swap3A_788 = arith.constant 0 : index
        %swap3A_789 = tpu.vector_load %arg10[%swap3A_787, %swap3A_788] {strides = array<i32>} : memref<128x128xf32, #tpu.memory_space<vmem>>, vector<1x16xf32>,
        %swap3A_790 = vector.shape_cast %swap3A_789 : vector<1x16xf32> to vector<16xf32>
        %swap3A_791 = vector.shape_cast %mul3A_782 : vector<16xf32> to vector<1x16xf32>
        tpu.vector_store %arg10[%swap3A_787, %swap3A_788], %swap3A_791 {strides = array<i32>} : memref<128x128xf32, #tpu.memory_space<vmem>>, vector<1x16xf32>,
        %mul3A_792 = arith.constant 16 : i32
        %mul3A_793 = arith.muli %add3A_34, %mul3A_792 : i32
        %add3A_794 = arith.constant 5 : i32
        %add3A_795 = arith.addi %mul3A_793, %add3A_794 : i32
        %get3A_796 = arith.index_cast %add3A_795 : i32 to index
        %get3A_797 = arith.constant 16 : index
        %get3A_798 = tpu.vector_load %arg10[%get3A_796, %get3A_797] {strides = array<i32>} : memref<128x128xf32, #tpu.memory_space<vmem>>, vector<1x16xf32>,
        %get3A_799 = vector.shape_cast %get3A_798 : vector<1x16xf32> to vector<16xf32>
        %mul3A_800 = arith.mulf %get3A_799, %broadcast_in_dim3A_773 : vector<16xf32>
        %mul3A_801 = arith.constant 16 : i32
        %mul3A_802 = arith.muli %add3A_34, %mul3A_801 : i32
        %add3A_803 = arith.constant 5 : i32
        %add3A_804 = arith.addi %mul3A_802, %add3A_803 : i32
        %swap3A_805 = arith.index_cast %add3A_804 : i32 to index
        %swap3A_806 = arith.constant 16 : index
        %swap3A_807 = tpu.vector_load %arg10[%swap3A_805, %swap3A_806] {strides = array<i32>} : memref<128x128xf32, #tpu.memory_space<vmem>>, vector<1x16xf32>,
        %swap3A_808 = vector.shape_cast %swap3A_807 : vector<1x16xf32> to vector<16xf32>
        %swap3A_809 = vector.shape_cast %mul3A_800 : vector<16xf32> to vector<1x16xf32>
        tpu.vector_store %arg10[%swap3A_805, %swap3A_806], %swap3A_809 {strides = array<i32>} : memref<128x128xf32, #tpu.memory_space<vmem>>, vector<1x16xf32>,
        %mul3A_810 = arith.constant 16 : i32
        %mul3A_811 = arith.muli %add3A_34, %mul3A_810 : i32
        %add3A_812 = arith.constant 5 : i32
        %add3A_813 = arith.addi %mul3A_811, %add3A_812 : i32
        %get3A_814 = arith.index_cast %add3A_813 : i32 to index
        %get3A_815 = arith.constant 32 : index
        %get3A_816 = tpu.vector_load %arg10[%get3A_814, %get3A_815] {strides = array<i32>} : memref<128x128xf32, #tpu.memory_space<vmem>>, vector<1x16xf32>,
        %get3A_817 = vector.shape_cast %get3A_816 : vector<1x16xf32> to vector<16xf32>
        %mul3A_818 = arith.mulf %get3A_817, %broadcast_in_dim3A_773 : vector<16xf32>
        %mul3A_819 = arith.constant 16 : i32
        %mul3A_820 = arith.muli %add3A_34, %mul3A_819 : i32
        %add3A_821 = arith.constant 5 : i32
        %add3A_822 = arith.addi %mul3A_820, %add3A_821 : i32
        %swap3A_823 = arith.index_cast %add3A_822 : i32 to index
        %swap3A_824 = arith.constant 32 : index
        %swap3A_825 = tpu.vector_load %arg10[%swap3A_823, %swap3A_824] {strides = array<i32>} : memref<128x128xf32, #tpu.memory_space<vmem>>, vector<1x16xf32>,
        %swap3A_826 = vector.shape_cast %swap3A_825 : vector<1x16xf32> to vector<16xf32>
        %swap3A_827 = vector.shape_cast %mul3A_818 : vector<16xf32> to vector<1x16xf32>
        tpu.vector_store %arg10[%swap3A_823, %swap3A_824], %swap3A_827 {strides = array<i32>} : memref<128x128xf32, #tpu.memory_space<vmem>>, vector<1x16xf32>,
        %mul3A_828 = arith.constant 16 : i32
        %mul3A_829 = arith.muli %add3A_34, %mul3A_828 : i32
        %add3A_830 = arith.constant 5 : i32
        %add3A_831 = arith.addi %mul3A_829, %add3A_830 : i32
        %get3A_832 = arith.index_cast %add3A_831 : i32 to index
        %get3A_833 = arith.constant 48 : index
        %get3A_834 = tpu.vector_load %arg10[%get3A_832, %get3A_833] {strides = array<i32>} : memref<128x128xf32, #tpu.memory_space<vmem>>, vector<1x16xf32>,
        %get3A_835 = vector.shape_cast %get3A_834 : vector<1x16xf32> to vector<16xf32>
        %mul3A_836 = arith.mulf %get3A_835, %broadcast_in_dim3A_773 : vector<16xf32>
        %mul3A_837 = arith.constant 16 : i32
        %mul3A_838 = arith.muli %add3A_34, %mul3A_837 : i32
        %add3A_839 = arith.constant 5 : i32
        %add3A_840 = arith.addi %mul3A_838, %add3A_839 : i32
        %swap3A_841 = arith.index_cast %add3A_840 : i32 to index
        %swap3A_842 = arith.constant 48 : index
        %swap3A_843 = tpu.vector_load %arg10[%swap3A_841, %swap3A_842] {strides = array<i32>} : memref<128x128xf32, #tpu.memory_space<vmem>>, vector<1x16xf32>,
        %swap3A_844 = vector.shape_cast %swap3A_843 : vector<1x16xf32> to vector<16xf32>
        %swap3A_845 = vector.shape_cast %mul3A_836 : vector<16xf32> to vector<1x16xf32>
        tpu.vector_store %arg10[%swap3A_841, %swap3A_842], %swap3A_845 {strides = array<i32>} : memref<128x128xf32, #tpu.memory_space<vmem>>, vector<1x16xf32>,
        %mul3A_846 = arith.constant 16 : i32
        %mul3A_847 = arith.muli %add3A_34, %mul3A_846 : i32
        %add3A_848 = arith.constant 5 : i32
        %add3A_849 = arith.addi %mul3A_847, %add3A_848 : i32
        %get3A_850 = arith.index_cast %add3A_849 : i32 to index
        %get3A_851 = arith.constant 64 : index
        %get3A_852 = tpu.vector_load %arg10[%get3A_850, %get3A_851] {strides = array<i32>} : memref<128x128xf32, #tpu.memory_space<vmem>>, vector<1x16xf32>,
        %get3A_853 = vector.shape_cast %get3A_852 : vector<1x16xf32> to vector<16xf32>
        %mul3A_854 = arith.mulf %get3A_853, %broadcast_in_dim3A_773 : vector<16xf32>
        %mul3A_855 = arith.constant 16 : i32
        %mul3A_856 = arith.muli %add3A_34, %mul3A_855 : i32
        %add3A_857 = arith.constant 5 : i32
        %add3A_858 = arith.addi %mul3A_856, %add3A_857 : i32
        %swap3A_859 = arith.index_cast %add3A_858 : i32 to index
        %swap3A_860 = arith.constant 64 : index
        %swap3A_861 = tpu.vector_load %arg10[%swap3A_859, %swap3A_860] {strides = array<i32>} : memref<128x128xf32, #tpu.memory_space<vmem>>, vector<1x16xf32>,
        %swap3A_862 = vector.shape_cast %swap3A_861 : vector<1x16xf32> to vector<16xf32>
        %swap3A_863 = vector.shape_cast %mul3A_854 : vector<16xf32> to vector<1x16xf32>
        tpu.vector_store %arg10[%swap3A_859, %swap3A_860], %swap3A_863 {strides = array<i32>} : memref<128x128xf32, #tpu.memory_space<vmem>>, vector<1x16xf32>,
        %mul3A_864 = arith.constant 16 : i32
        %mul3A_865 = arith.muli %add3A_34, %mul3A_864 : i32
        %add3A_866 = arith.constant 5 : i32
        %add3A_867 = arith.addi %mul3A_865, %add3A_866 : i32
        %get3A_868 = arith.index_cast %add3A_867 : i32 to index
        %get3A_869 = arith.constant 80 : index
        %get3A_870 = tpu.vector_load %arg10[%get3A_868, %get3A_869] {strides = array<i32>} : memref<128x128xf32, #tpu.memory_space<vmem>>, vector<1x16xf32>,
        %get3A_871 = vector.shape_cast %get3A_870 : vector<1x16xf32> to vector<16xf32>
        %mul3A_872 = arith.mulf %get3A_871, %broadcast_in_dim3A_773 : vector<16xf32>
        %mul3A_873 = arith.constant 16 : i32
        %mul3A_874 = arith.muli %add3A_34, %mul3A_873 : i32
        %add3A_875 = arith.constant 5 : i32
        %add3A_876 = arith.addi %mul3A_874, %add3A_875 : i32
        %swap3A_877 = arith.index_cast %add3A_876 : i32 to index
        %swap3A_878 = arith.constant 80 : index
        %swap3A_879 = tpu.vector_load %arg10[%swap3A_877, %swap3A_878] {strides = array<i32>} : memref<128x128xf32, #tpu.memory_space<vmem>>, vector<1x16xf32>,
        %swap3A_880 = vector.shape_cast %swap3A_879 : vector<1x16xf32> to vector<16xf32>
        %swap3A_881 = vector.shape_cast %mul3A_872 : vector<16xf32> to vector<1x16xf32>
        tpu.vector_store %arg10[%swap3A_877, %swap3A_878], %swap3A_881 {strides = array<i32>} : memref<128x128xf32, #tpu.memory_space<vmem>>, vector<1x16xf32>,
        %mul3A_882 = arith.constant 16 : i32
        %mul3A_883 = arith.muli %add3A_34, %mul3A_882 : i32
        %add3A_884 = arith.constant 5 : i32
        %add3A_885 = arith.addi %mul3A_883, %add3A_884 : i32
        %get3A_886 = arith.index_cast %add3A_885 : i32 to index
        %get3A_887 = arith.constant 96 : index
        %get3A_888 = tpu.vector_load %arg10[%get3A_886, %get3A_887] {strides = array<i32>} : memref<128x128xf32, #tpu.memory_space<vmem>>, vector<1x16xf32>,
        %get3A_889 = vector.shape_cast %get3A_888 : vector<1x16xf32> to vector<16xf32>
        %mul3A_890 = arith.mulf %get3A_889, %broadcast_in_dim3A_773 : vector<16xf32>
        %mul3A_891 = arith.constant 16 : i32
        %mul3A_892 = arith.muli %add3A_34, %mul3A_891 : i32
        %add3A_893 = arith.constant 5 : i32
        %add3A_894 = arith.addi %mul3A_892, %add3A_893 : i32
        %swap3A_895 = arith.index_cast %add3A_894 : i32 to index
        %swap3A_896 = arith.constant 96 : index
        %swap3A_897 = tpu.vector_load %arg10[%swap3A_895, %swap3A_896] {strides = array<i32>} : memref<128x128xf32, #tpu.memory_space<vmem>>, vector<1x16xf32>,
        %swap3A_898 = vector.shape_cast %swap3A_897 : vector<1x16xf32> to vector<16xf32>
        %swap3A_899 = vector.shape_cast %mul3A_890 : vector<16xf32> to vector<1x16xf32>
        tpu.vector_store %arg10[%swap3A_895, %swap3A_896], %swap3A_899 {strides = array<i32>} : memref<128x128xf32, #tpu.memory_space<vmem>>, vector<1x16xf32>,
        %mul3A_900 = arith.constant 16 : i32
        %mul3A_901 = arith.muli %add3A_34, %mul3A_900 : i32
        %add3A_902 = arith.constant 5 : i32
        %add3A_903 = arith.addi %mul3A_901, %add3A_902 : i32
        %get3A_904 = arith.index_cast %add3A_903 : i32 to index
        %get3A_905 = arith.constant 112 : index
        %get3A_906 = tpu.vector_load %arg10[%get3A_904, %get3A_905] {strides = array<i32>} : memref<128x128xf32, #tpu.memory_space<vmem>>, vector<1x16xf32>,
        %get3A_907 = vector.shape_cast %get3A_906 : vector<1x16xf32> to vector<16xf32>
        %mul3A_908 = arith.mulf %get3A_907, %broadcast_in_dim3A_773 : vector<16xf32>
        %mul3A_909 = arith.constant 16 : i32
        %mul3A_910 = arith.muli %add3A_34, %mul3A_909 : i32
        %add3A_911 = arith.constant 5 : i32
        %add3A_912 = arith.addi %mul3A_910, %add3A_911 : i32
        %swap3A_913 = arith.index_cast %add3A_912 : i32 to index
        %swap3A_914 = arith.constant 112 : index
        %swap3A_915 = tpu.vector_load %arg10[%swap3A_913, %swap3A_914] {strides = array<i32>} : memref<128x128xf32, #tpu.memory_space<vmem>>, vector<1x16xf32>,
        %swap3A_916 = vector.shape_cast %swap3A_915 : vector<1x16xf32> to vector<16xf32>
        %swap3A_917 = vector.shape_cast %mul3A_908 : vector<16xf32> to vector<1x16xf32>
        tpu.vector_store %arg10[%swap3A_913, %swap3A_914], %swap3A_917 {strides = array<i32>} : memref<128x128xf32, #tpu.memory_space<vmem>>, vector<1x16xf32>,
        %slice3A_918 = vector.extract_strided_slice %get3A_39 {offsets = [6], sizes = [1], strides = [1]} : vector<16xf32> to vector<1xf32>
        %squeeze3A_919 = vector.extract %slice3A_918[0] : f32 from vector<1xf32>
        %broadcast_in_dim3A_920 = vector.broadcast %squeeze3A_919 : f32 to vector<16xf32>
        %mul3A_921 = arith.constant 16 : i32
        %mul3A_922 = arith.muli %add3A_34, %mul3A_921 : i32
        %add3A_923 = arith.constant 6 : i32
        %add3A_924 = arith.addi %mul3A_922, %add3A_923 : i32
        %get3A_925 = arith.index_cast %add3A_924 : i32 to index
        %get3A_926 = arith.constant 0 : index
        %get3A_927 = tpu.vector_load %arg10[%get3A_925, %get3A_926] {strides = array<i32>} : memref<128x128xf32, #tpu.memory_space<vmem>>, vector<1x16xf32>,
        %get3A_928 = vector.shape_cast %get3A_927 : vector<1x16xf32> to vector<16xf32>
        %mul3A_929 = arith.mulf %get3A_928, %broadcast_in_dim3A_920 : vector<16xf32>
        %mul3A_930 = arith.constant 16 : i32
        %mul3A_931 = arith.muli %add3A_34, %mul3A_930 : i32
        %add3A_932 = arith.constant 6 : i32
        %add3A_933 = arith.addi %mul3A_931, %add3A_932 : i32
        %swap3A_934 = arith.index_cast %add3A_933 : i32 to index
        %swap3A_935 = arith.constant 0 : index
        %swap3A_936 = tpu.vector_load %arg10[%swap3A_934, %swap3A_935] {strides = array<i32>} : memref<128x128xf32, #tpu.memory_space<vmem>>, vector<1x16xf32>,
        %swap3A_937 = vector.shape_cast %swap3A_936 : vector<1x16xf32> to vector<16xf32>
        %swap3A_938 = vector.shape_cast %mul3A_929 : vector<16xf32> to vector<1x16xf32>
        tpu.vector_store %arg10[%swap3A_934, %swap3A_935], %swap3A_938 {strides = array<i32>} : memref<128x128xf32, #tpu.memory_space<vmem>>, vector<1x16xf32>,
        %mul3A_939 = arith.constant 16 : i32
        %mul3A_940 = arith.muli %add3A_34, %mul3A_939 : i32
        %add3A_941 = arith.constant 6 : i32
        %add3A_942 = arith.addi %mul3A_940, %add3A_941 : i32
        %get3A_943 = arith.index_cast %add3A_942 : i32 to index
        %get3A_944 = arith.constant 16 : index
        %get3A_945 = tpu.vector_load %arg10[%get3A_943, %get3A_944] {strides = array<i32>} : memref<128x128xf32, #tpu.memory_space<vmem>>, vector<1x16xf32>,
        %get3A_946 = vector.shape_cast %get3A_945 : vector<1x16xf32> to vector<16xf32>
        %mul3A_947 = arith.mulf %get3A_946, %broadcast_in_dim3A_920 : vector<16xf32>
        %mul3A_948 = arith.constant 16 : i32
        %mul3A_949 = arith.muli %add3A_34, %mul3A_948 : i32
        %add3A_950 = arith.constant 6 : i32
        %add3A_951 = arith.addi %mul3A_949, %add3A_950 : i32
        %swap3A_952 = arith.index_cast %add3A_951 : i32 to index
        %swap3A_953 = arith.constant 16 : index
        %swap3A_954 = tpu.vector_load %arg10[%swap3A_952, %swap3A_953] {strides = array<i32>} : memref<128x128xf32, #tpu.memory_space<vmem>>, vector<1x16xf32>,
        %swap3A_955 = vector.shape_cast %swap3A_954 : vector<1x16xf32> to vector<16xf32>
        %swap3A_956 = vector.shape_cast %mul3A_947 : vector<16xf32> to vector<1x16xf32>
        tpu.vector_store %arg10[%swap3A_952, %swap3A_953], %swap3A_956 {strides = array<i32>} : memref<128x128xf32, #tpu.memory_space<vmem>>, vector<1x16xf32>,
        %mul3A_957 = arith.constant 16 : i32
        %mul3A_958 = arith.muli %add3A_34, %mul3A_957 : i32
        %add3A_959 = arith.constant 6 : i32
        %add3A_960 = arith.addi %mul3A_958, %add3A_959 : i32
        %get3A_961 = arith.index_cast %add3A_960 : i32 to index
        %get3A_962 = arith.constant 32 : index
        %get3A_963 = tpu.vector_load %arg10[%get3A_961, %get3A_962] {strides = array<i32>} : memref<128x128xf32, #tpu.memory_space<vmem>>, vector<1x16xf32>,
        %get3A_964 = vector.shape_cast %get3A_963 : vector<1x16xf32> to vector<16xf32>
        %mul3A_965 = arith.mulf %get3A_964, %broadcast_in_dim3A_920 : vector<16xf32>
        %mul3A_966 = arith.constant 16 : i32
        %mul3A_967 = arith.muli %add3A_34, %mul3A_966 : i32
        %add3A_968 = arith.constant 6 : i32
        %add3A_969 = arith.addi %mul3A_967, %add3A_968 : i32
        %swap3A_970 = arith.index_cast %add3A_969 : i32 to index
        %swap3A_971 = arith.constant 32 : index
        %swap3A_972 = tpu.vector_load %arg10[%swap3A_970, %swap3A_971] {strides = array<i32>} : memref<128x128xf32, #tpu.memory_space<vmem>>, vector<1x16xf32>,
        %swap3A_973 = vector.shape_cast %swap3A_972 : vector<1x16xf32> to vector<16xf32>
        %swap3A_974 = vector.shape_cast %mul3A_965 : vector<16xf32> to vector<1x16xf32>
        tpu.vector_store %arg10[%swap3A_970, %swap3A_971], %swap3A_974 {strides = array<i32>} : memref<128x128xf32, #tpu.memory_space<vmem>>, vector<1x16xf32>,
        %mul3A_975 = arith.constant 16 : i32
        %mul3A_976 = arith.muli %add3A_34, %mul3A_975 : i32
        %add3A_977 = arith.constant 6 : i32
        %add3A_978 = arith.addi %mul3A_976, %add3A_977 : i32
        %get3A_979 = arith.index_cast %add3A_978 : i32 to index
        %get3A_980 = arith.constant 48 : index
        %get3A_981 = tpu.vector_load %arg10[%get3A_979, %get3A_980] {strides = array<i32>} : memref<128x128xf32, #tpu.memory_space<vmem>>, vector<1x16xf32>,
        %get3A_982 = vector.shape_cast %get3A_981 : vector<1x16xf32> to vector<16xf32>
        %mul3A_983 = arith.mulf %get3A_982, %broadcast_in_dim3A_920 : vector<16xf32>
        %mul3A_984 = arith.constant 16 : i32
        %mul3A_985 = arith.muli %add3A_34, %mul3A_984 : i32
        %add3A_986 = arith.constant 6 : i32
        %add3A_987 = arith.addi %mul3A_985, %add3A_986 : i32
        %swap3A_988 = arith.index_cast %add3A_987 : i32 to index
        %swap3A_989 = arith.constant 48 : index
        %swap3A_990 = tpu.vector_load %arg10[%swap3A_988, %swap3A_989] {strides = array<i32>} : memref<128x128xf32, #tpu.memory_space<vmem>>, vector<1x16xf32>,
        %swap3A_991 = vector.shape_cast %swap3A_990 : vector<1x16xf32> to vector<16xf32>
        %swap3A_992 = vector.shape_cast %mul3A_983 : vector<16xf32> to vector<1x16xf32>
        tpu.vector_store %arg10[%swap3A_988, %swap3A_989], %swap3A_992 {strides = array<i32>} : memref<128x128xf32, #tpu.memory_space<vmem>>, vector<1x16xf32>,
        %mul3A_993 = arith.constant 16 : i32
        %mul3A_994 = arith.muli %add3A_34, %mul3A_993 : i32
        %add3A_995 = arith.constant 6 : i32
        %add3A_996 = arith.addi %mul3A_994, %add3A_995 : i32
        %get3A_997 = arith.index_cast %add3A_996 : i32 to index
        %get3A_998 = arith.constant 64 : index
        %get3A_999 = tpu.vector_load %arg10[%get3A_997, %get3A_998] {strides = array<i32>} : memref<128x128xf32, #tpu.memory_space<vmem>>, vector<1x16xf32>,
        %get3A_1000 = vector.shape_cast %get3A_999 : vector<1x16xf32> to vector<16xf32>
        %mul3A_1001 = arith.mulf %get3A_1000, %broadcast_in_dim3A_920 : vector<16xf32>
        %mul3A_1002 = arith.constant 16 : i32
        %mul3A_1003 = arith.muli %add3A_34, %mul3A_1002 : i32
        %add3A_1004 = arith.constant 6 : i32
        %add3A_1005 = arith.addi %mul3A_1003, %add3A_1004 : i32
        %swap3A_1006 = arith.index_cast %add3A_1005 : i32 to index
        %swap3A_1007 = arith.constant 64 : index
        %swap3A_1008 = tpu.vector_load %arg10[%swap3A_1006, %swap3A_1007] {strides = array<i32>} : memref<128x128xf32, #tpu.memory_space<vmem>>, vector<1x16xf32>,
        %swap3A_1009 = vector.shape_cast %swap3A_1008 : vector<1x16xf32> to vector<16xf32>
        %swap3A_1010 = vector.shape_cast %mul3A_1001 : vector<16xf32> to vector<1x16xf32>
        tpu.vector_store %arg10[%swap3A_1006, %swap3A_1007], %swap3A_1010 {strides = array<i32>} : memref<128x128xf32, #tpu.memory_space<vmem>>, vector<1x16xf32>,
        %mul3A_1011 = arith.constant 16 : i32
        %mul3A_1012 = arith.muli %add3A_34, %mul3A_1011 : i32
        %add3A_1013 = arith.constant 6 : i32
        %add3A_1014 = arith.addi %mul3A_1012, %add3A_1013 : i32
        %get3A_1015 = arith.index_cast %add3A_1014 : i32 to index
        %get3A_1016 = arith.constant 80 : index
        %get3A_1017 = tpu.vector_load %arg10[%get3A_1015, %get3A_1016] {strides = array<i32>} : memref<128x128xf32, #tpu.memory_space<vmem>>, vector<1x16xf32>,
        %get3A_1018 = vector.shape_cast %get3A_1017 : vector<1x16xf32> to vector<16xf32>
        %mul3A_1019 = arith.mulf %get3A_1018, %broadcast_in_dim3A_920 : vector<16xf32>
        %mul3A_1020 = arith.constant 16 : i32
        %mul3A_1021 = arith.muli %add3A_34, %mul3A_1020 : i32
        %add3A_1022 = arith.constant 6 : i32
        %add3A_1023 = arith.addi %mul3A_1021, %add3A_1022 : i32
        %swap3A_1024 = arith.index_cast %add3A_1023 : i32 to index
        %swap3A_1025 = arith.constant 80 : index
        %swap3A_1026 = tpu.vector_load %arg10[%swap3A_1024, %swap3A_1025] {strides = array<i32>} : memref<128x128xf32, #tpu.memory_space<vmem>>, vector<1x16xf32>,
        %swap3A_1027 = vector.shape_cast %swap3A_1026 : vector<1x16xf32> to vector<16xf32>
        %swap3A_1028 = vector.shape_cast %mul3A_1019 : vector<16xf32> to vector<1x16xf32>
        tpu.vector_store %arg10[%swap3A_1024, %swap3A_1025], %swap3A_1028 {strides = array<i32>} : memref<128x128xf32, #tpu.memory_space<vmem>>, vector<1x16xf32>,
        %mul3A_1029 = arith.constant 16 : i32
        %mul3A_1030 = arith.muli %add3A_34, %mul3A_1029 : i32
        %add3A_1031 = arith.constant 6 : i32
        %add3A_1032 = arith.addi %mul3A_1030, %add3A_1031 : i32
        %get3A_1033 = arith.index_cast %add3A_1032 : i32 to index
        %get3A_1034 = arith.constant 96 : index
        %get3A_1035 = tpu.vector_load %arg10[%get3A_1033, %get3A_1034] {strides = array<i32>} : memref<128x128xf32, #tpu.memory_space<vmem>>, vector<1x16xf32>,
        %get3A_1036 = vector.shape_cast %get3A_1035 : vector<1x16xf32> to vector<16xf32>
        %mul3A_1037 = arith.mulf %get3A_1036, %broadcast_in_dim3A_920 : vector<16xf32>
        %mul3A_1038 = arith.constant 16 : i32
        %mul3A_1039 = arith.muli %add3A_34, %mul3A_1038 : i32
        %add3A_1040 = arith.constant 6 : i32
        %add3A_1041 = arith.addi %mul3A_1039, %add3A_1040 : i32
        %swap3A_1042 = arith.index_cast %add3A_1041 : i32 to index
        %swap3A_1043 = arith.constant 96 : index
        %swap3A_1044 = tpu.vector_load %arg10[%swap3A_1042, %swap3A_1043] {strides = array<i32>} : memref<128x128xf32, #tpu.memory_space<vmem>>, vector<1x16xf32>,
        %swap3A_1045 = vector.shape_cast %swap3A_1044 : vector<1x16xf32> to vector<16xf32>
        %swap3A_1046 = vector.shape_cast %mul3A_1037 : vector<16xf32> to vector<1x16xf32>
        tpu.vector_store %arg10[%swap3A_1042, %swap3A_1043], %swap3A_1046 {strides = array<i32>} : memref<128x128xf32, #tpu.memory_space<vmem>>, vector<1x16xf32>,
        %mul3A_1047 = arith.constant 16 : i32
        %mul3A_1048 = arith.muli %add3A_34, %mul3A_1047 : i32
        %add3A_1049 = arith.constant 6 : i32
        %add3A_1050 = arith.addi %mul3A_1048, %add3A_1049 : i32
        %get3A_1051 = arith.index_cast %add3A_1050 : i32 to index
        %get3A_1052 = arith.constant 112 : index
        %get3A_1053 = tpu.vector_load %arg10[%get3A_1051, %get3A_1052] {strides = array<i32>} : memref<128x128xf32, #tpu.memory_space<vmem>>, vector<1x16xf32>,
        %get3A_1054 = vector.shape_cast %get3A_1053 : vector<1x16xf32> to vector<16xf32>
        %mul3A_1055 = arith.mulf %get3A_1054, %broadcast_in_dim3A_920 : vector<16xf32>
        %mul3A_1056 = arith.constant 16 : i32
        %mul3A_1057 = arith.muli %add3A_34, %mul3A_1056 : i32
        %add3A_1058 = arith.constant 6 : i32
        %add3A_1059 = arith.addi %mul3A_1057, %add3A_1058 : i32
        %swap3A_1060 = arith.index_cast %add3A_1059 : i32 to index
        %swap3A_1061 = arith.constant 112 : index
        %swap3A_1062 = tpu.vector_load %arg10[%swap3A_1060, %swap3A_1061] {strides = array<i32>} : memref<128x128xf32, #tpu.memory_space<vmem>>, vector<1x16xf32>,
        %swap3A_1063 = vector.shape_cast %swap3A_1062 : vector<1x16xf32> to vector<16xf32>
        %swap3A_1064 = vector.shape_cast %mul3A_1055 : vector<16xf32> to vector<1x16xf32>
        tpu.vector_store %arg10[%swap3A_1060, %swap3A_1061], %swap3A_1064 {strides = array<i32>} : memref<128x128xf32, #tpu.memory_space<vmem>>, vector<1x16xf32>,
        %slice3A_1065 = vector.extract_strided_slice %get3A_39 {offsets = [7], sizes = [1], strides = [1]} : vector<16xf32> to vector<1xf32>
        %squeeze3A_1066 = vector.extract %slice3A_1065[0] : f32 from vector<1xf32>
        %broadcast_in_dim3A_1067 = vector.broadcast %squeeze3A_1066 : f32 to vector<16xf32>
        %mul3A_1068 = arith.constant 16 : i32
        %mul3A_1069 = arith.muli %add3A_34, %mul3A_1068 : i32
        %add3A_1070 = arith.constant 7 : i32
        %add3A_1071 = arith.addi %mul3A_1069, %add3A_1070 : i32
        %get3A_1072 = arith.index_cast %add3A_1071 : i32 to index
        %get3A_1073 = arith.constant 0 : index
        %get3A_1074 = tpu.vector_load %arg10[%get3A_1072, %get3A_1073] {strides = array<i32>} : memref<128x128xf32, #tpu.memory_space<vmem>>, vector<1x16xf32>,
        %get3A_1075 = vector.shape_cast %get3A_1074 : vector<1x16xf32> to vector<16xf32>
        %mul3A_1076 = arith.mulf %get3A_1075, %broadcast_in_dim3A_1067 : vector<16xf32>
        %mul3A_1077 = arith.constant 16 : i32
        %mul3A_1078 = arith.muli %add3A_34, %mul3A_1077 : i32
        %add3A_1079 = arith.constant 7 : i32
        %add3A_1080 = arith.addi %mul3A_1078, %add3A_1079 : i32
        %swap3A_1081 = arith.index_cast %add3A_1080 : i32 to index
        %swap3A_1082 = arith.constant 0 : index
        %swap3A_1083 = tpu.vector_load %arg10[%swap3A_1081, %swap3A_1082] {strides = array<i32>} : memref<128x128xf32, #tpu.memory_space<vmem>>, vector<1x16xf32>,
        %swap3A_1084 = vector.shape_cast %swap3A_1083 : vector<1x16xf32> to vector<16xf32>
        %swap3A_1085 = vector.shape_cast %mul3A_1076 : vector<16xf32> to vector<1x16xf32>
        tpu.vector_store %arg10[%swap3A_1081, %swap3A_1082], %swap3A_1085 {strides = array<i32>} : memref<128x128xf32, #tpu.memory_space<vmem>>, vector<1x16xf32>,
        %mul3A_1086 = arith.constant 16 : i32
        %mul3A_1087 = arith.muli %add3A_34, %mul3A_1086 : i32
        %add3A_1088 = arith.constant 7 : i32
        %add3A_1089 = arith.addi %mul3A_1087, %add3A_1088 : i32
        %get3A_1090 = arith.index_cast %add3A_1089 : i32 to index
        %get3A_1091 = arith.constant 16 : index
        %get3A_1092 = tpu.vector_load %arg10[%get3A_1090, %get3A_1091] {strides = array<i32>} : memref<128x128xf32, #tpu.memory_space<vmem>>, vector<1x16xf32>,
        %get3A_1093 = vector.shape_cast %get3A_1092 : vector<1x16xf32> to vector<16xf32>
        %mul3A_1094 = arith.mulf %get3A_1093, %broadcast_in_dim3A_1067 : vector<16xf32>
        %mul3A_1095 = arith.constant 16 : i32
        %mul3A_1096 = arith.muli %add3A_34, %mul3A_1095 : i32
        %add3A_1097 = arith.constant 7 : i32
        %add3A_1098 = arith.addi %mul3A_1096, %add3A_1097 : i32
        %swap3A_1099 = arith.index_cast %add3A_1098 : i32 to index
        %swap3A_1100 = arith.constant 16 : index
        %swap3A_1101 = tpu.vector_load %arg10[%swap3A_1099, %swap3A_1100] {strides = array<i32>} : memref<128x128xf32, #tpu.memory_space<vmem>>, vector<1x16xf32>,
        %swap3A_1102 = vector.shape_cast %swap3A_1101 : vector<1x16xf32> to vector<16xf32>
        %swap3A_1103 = vector.shape_cast %mul3A_1094 : vector<16xf32> to vector<1x16xf32>
        tpu.vector_store %arg10[%swap3A_1099, %swap3A_1100], %swap3A_1103 {strides = array<i32>} : memref<128x128xf32, #tpu.memory_space<vmem>>, vector<1x16xf32>,
        %mul3A_1104 = arith.constant 16 : i32
        %mul3A_1105 = arith.muli %add3A_34, %mul3A_1104 : i32
        %add3A_1106 = arith.constant 7 : i32
        %add3A_1107 = arith.addi %mul3A_1105, %add3A_1106 : i32
        %get3A_1108 = arith.index_cast %add3A_1107 : i32 to index
        %get3A_1109 = arith.constant 32 : index
        %get3A_1110 = tpu.vector_load %arg10[%get3A_1108, %get3A_1109] {strides = array<i32>} : memref<128x128xf32, #tpu.memory_space<vmem>>, vector<1x16xf32>,
        %get3A_1111 = vector.shape_cast %get3A_1110 : vector<1x16xf32> to vector<16xf32>
        %mul3A_1112 = arith.mulf %get3A_1111, %broadcast_in_dim3A_1067 : vector<16xf32>
        %mul3A_1113 = arith.constant 16 : i32
        %mul3A_1114 = arith.muli %add3A_34, %mul3A_1113 : i32
        %add3A_1115 = arith.constant 7 : i32
        %add3A_1116 = arith.addi %mul3A_1114, %add3A_1115 : i32
        %swap3A_1117 = arith.index_cast %add3A_1116 : i32 to index
        %swap3A_1118 = arith.constant 32 : index
        %swap3A_1119 = tpu.vector_load %arg10[%swap3A_1117, %swap3A_1118] {strides = array<i32>} : memref<128x128xf32, #tpu.memory_space<vmem>>, vector<1x16xf32>,
        %swap3A_1120 = vector.shape_cast %swap3A_1119 : vector<1x16xf32> to vector<16xf32>
        %swap3A_1121 = vector.shape_cast %mul3A_1112 : vector<16xf32> to vector<1x16xf32>
        tpu.vector_store %arg10[%swap3A_1117, %swap3A_1118], %swap3A_1121 {strides = array<i32>} : memref<128x128xf32, #tpu.memory_space<vmem>>, vector<1x16xf32>,
        %mul3A_1122 = arith.constant 16 : i32
        %mul3A_1123 = arith.muli %add3A_34, %mul3A_1122 : i32
        %add3A_1124 = arith.constant 7 : i32
        %add3A_1125 = arith.addi %mul3A_1123, %add3A_1124 : i32
        %get3A_1126 = arith.index_cast %add3A_1125 : i32 to index
        %get3A_1127 = arith.constant 48 : index
        %get3A_1128 = tpu.vector_load %arg10[%get3A_1126, %get3A_1127] {strides = array<i32>} : memref<128x128xf32, #tpu.memory_space<vmem>>, vector<1x16xf32>,
        %get3A_1129 = vector.shape_cast %get3A_1128 : vector<1x16xf32> to vector<16xf32>
        %mul3A_1130 = arith.mulf %get3A_1129, %broadcast_in_dim3A_1067 : vector<16xf32>
        %mul3A_1131 = arith.constant 16 : i32
        %mul3A_1132 = arith.muli %add3A_34, %mul3A_1131 : i32
        %add3A_1133 = arith.constant 7 : i32
        %add3A_1134 = arith.addi %mul3A_1132, %add3A_1133 : i32
        %swap3A_1135 = arith.index_cast %add3A_1134 : i32 to index
        %swap3A_1136 = arith.constant 48 : index
        %swap3A_1137 = tpu.vector_load %arg10[%swap3A_1135, %swap3A_1136] {strides = array<i32>} : memref<128x128xf32, #tpu.memory_space<vmem>>, vector<1x16xf32>,
        %swap3A_1138 = vector.shape_cast %swap3A_1137 : vector<1x16xf32> to vector<16xf32>
        %swap3A_1139 = vector.shape_cast %mul3A_1130 : vector<16xf32> to vector<1x16xf32>
        tpu.vector_store %arg10[%swap3A_1135, %swap3A_1136], %swap3A_1139 {strides = array<i32>} : memref<128x128xf32, #tpu.memory_space<vmem>>, vector<1x16xf32>,
        %mul3A_1140 = arith.constant 16 : i32
        %mul3A_1141 = arith.muli %add3A_34, %mul3A_1140 : i32
        %add3A_1142 = arith.constant 7 : i32
        %add3A_1143 = arith.addi %mul3A_1141, %add3A_1142 : i32
        %get3A_1144 = arith.index_cast %add3A_1143 : i32 to index
        %get3A_1145 = arith.constant 64 : index
        %get3A_1146 = tpu.vector_load %arg10[%get3A_1144, %get3A_1145] {strides = array<i32>} : memref<128x128xf32, #tpu.memory_space<vmem>>, vector<1x16xf32>,
        %get3A_1147 = vector.shape_cast %get3A_1146 : vector<1x16xf32> to vector<16xf32>
        %mul3A_1148 = arith.mulf %get3A_1147, %broadcast_in_dim3A_1067 : vector<16xf32>
        %mul3A_1149 = arith.constant 16 : i32
        %mul3A_1150 = arith.muli %add3A_34, %mul3A_1149 : i32
        %add3A_1151 = arith.constant 7 : i32
        %add3A_1152 = arith.addi %mul3A_1150, %add3A_1151 : i32
        %swap3A_1153 = arith.index_cast %add3A_1152 : i32 to index
        %swap3A_1154 = arith.constant 64 : index
        %swap3A_1155 = tpu.vector_load %arg10[%swap3A_1153, %swap3A_1154] {strides = array<i32>} : memref<128x128xf32, #tpu.memory_space<vmem>>, vector<1x16xf32>,
        %swap3A_1156 = vector.shape_cast %swap3A_1155 : vector<1x16xf32> to vector<16xf32>
        %swap3A_1157 = vector.shape_cast %mul3A_1148 : vector<16xf32> to vector<1x16xf32>
        tpu.vector_store %arg10[%swap3A_1153, %swap3A_1154], %swap3A_1157 {strides = array<i32>} : memref<128x128xf32, #tpu.memory_space<vmem>>, vector<1x16xf32>,
        %mul3A_1158 = arith.constant 16 : i32
        %mul3A_1159 = arith.muli %add3A_34, %mul3A_1158 : i32
        %add3A_1160 = arith.constant 7 : i32
        %add3A_1161 = arith.addi %mul3A_1159, %add3A_1160 : i32
        %get3A_1162 = arith.index_cast %add3A_1161 : i32 to index
        %get3A_1163 = arith.constant 80 : index
        %get3A_1164 = tpu.vector_load %arg10[%get3A_1162, %get3A_1163] {strides = array<i32>} : memref<128x128xf32, #tpu.memory_space<vmem>>, vector<1x16xf32>,
        %get3A_1165 = vector.shape_cast %get3A_1164 : vector<1x16xf32> to vector<16xf32>
        %mul3A_1166 = arith.mulf %get3A_1165, %broadcast_in_dim3A_1067 : vector<16xf32>
        %mul3A_1167 = arith.constant 16 : i32
        %mul3A_1168 = arith.muli %add3A_34, %mul3A_1167 : i32
        %add3A_1169 = arith.constant 7 : i32
        %add3A_1170 = arith.addi %mul3A_1168, %add3A_1169 : i32
        %swap3A_1171 = arith.index_cast %add3A_1170 : i32 to index
        %swap3A_1172 = arith.constant 80 : index
        %swap3A_1173 = tpu.vector_load %arg10[%swap3A_1171, %swap3A_1172] {strides = array<i32>} : memref<128x128xf32, #tpu.memory_space<vmem>>, vector<1x16xf32>,
        %swap3A_1174 = vector.shape_cast %swap3A_1173 : vector<1x16xf32> to vector<16xf32>
        %swap3A_1175 = vector.shape_cast %mul3A_1166 : vector<16xf32> to vector<1x16xf32>
        tpu.vector_store %arg10[%swap3A_1171, %swap3A_1172], %swap3A_1175 {strides = array<i32>} : memref<128x128xf32, #tpu.memory_space<vmem>>, vector<1x16xf32>,
        %mul3A_1176 = arith.constant 16 : i32
        %mul3A_1177 = arith.muli %add3A_34, %mul3A_1176 : i32
        %add3A_1178 = arith.constant 7 : i32
        %add3A_1179 = arith.addi %mul3A_1177, %add3A_1178 : i32
        %get3A_1180 = arith.index_cast %add3A_1179 : i32 to index
        %get3A_1181 = arith.constant 96 : index
        %get3A_1182 = tpu.vector_load %arg10[%get3A_1180, %get3A_1181] {strides = array<i32>} : memref<128x128xf32, #tpu.memory_space<vmem>>, vector<1x16xf32>,
        %get3A_1183 = vector.shape_cast %get3A_1182 : vector<1x16xf32> to vector<16xf32>
        %mul3A_1184 = arith.mulf %get3A_1183, %broadcast_in_dim3A_1067 : vector<16xf32>
        %mul3A_1185 = arith.constant 16 : i32
        %mul3A_1186 = arith.muli %add3A_34, %mul3A_1185 : i32
        %add3A_1187 = arith.constant 7 : i32
        %add3A_1188 = arith.addi %mul3A_1186, %add3A_1187 : i32
        %swap3A_1189 = arith.index_cast %add3A_1188 : i32 to index
        %swap3A_1190 = arith.constant 96 : index
        %swap3A_1191 = tpu.vector_load %arg10[%swap3A_1189, %swap3A_1190] {strides = array<i32>} : memref<128x128xf32, #tpu.memory_space<vmem>>, vector<1x16xf32>,
        %swap3A_1192 = vector.shape_cast %swap3A_1191 : vector<1x16xf32> to vector<16xf32>
        %swap3A_1193 = vector.shape_cast %mul3A_1184 : vector<16xf32> to vector<1x16xf32>
        tpu.vector_store %arg10[%swap3A_1189, %swap3A_1190], %swap3A_1193 {strides = array<i32>} : memref<128x128xf32, #tpu.memory_space<vmem>>, vector<1x16xf32>,
        %mul3A_1194 = arith.constant 16 : i32
        %mul3A_1195 = arith.muli %add3A_34, %mul3A_1194 : i32
        %add3A_1196 = arith.constant 7 : i32
        %add3A_1197 = arith.addi %mul3A_1195, %add3A_1196 : i32
        %get3A_1198 = arith.index_cast %add3A_1197 : i32 to index
        %get3A_1199 = arith.constant 112 : index
        %get3A_1200 = tpu.vector_load %arg10[%get3A_1198, %get3A_1199] {strides = array<i32>} : memref<128x128xf32, #tpu.memory_space<vmem>>, vector<1x16xf32>,
        %get3A_1201 = vector.shape_cast %get3A_1200 : vector<1x16xf32> to vector<16xf32>
        %mul3A_1202 = arith.mulf %get3A_1201, %broadcast_in_dim3A_1067 : vector<16xf32>
        %mul3A_1203 = arith.constant 16 : i32
        %mul3A_1204 = arith.muli %add3A_34, %mul3A_1203 : i32
        %add3A_1205 = arith.constant 7 : i32
        %add3A_1206 = arith.addi %mul3A_1204, %add3A_1205 : i32
        %swap3A_1207 = arith.index_cast %add3A_1206 : i32 to index
        %swap3A_1208 = arith.constant 112 : index
        %swap3A_1209 = tpu.vector_load %arg10[%swap3A_1207, %swap3A_1208] {strides = array<i32>} : memref<128x128xf32, #tpu.memory_space<vmem>>, vector<1x16xf32>,
        %swap3A_1210 = vector.shape_cast %swap3A_1209 : vector<1x16xf32> to vector<16xf32>
        %swap3A_1211 = vector.shape_cast %mul3A_1202 : vector<16xf32> to vector<1x16xf32>
        tpu.vector_store %arg10[%swap3A_1207, %swap3A_1208], %swap3A_1211 {strides = array<i32>} : memref<128x128xf32, #tpu.memory_space<vmem>>, vector<1x16xf32>,
        %slice3A_1212 = vector.extract_strided_slice %get3A_39 {offsets = [8], sizes = [1], strides = [1]} : vector<16xf32> to vector<1xf32>
        %squeeze3A_1213 = vector.extract %slice3A_1212[0] : f32 from vector<1xf32>
        %broadcast_in_dim3A_1214 = vector.broadcast %squeeze3A_1213 : f32 to vector<16xf32>
        %mul3A_1215 = arith.constant 16 : i32
        %mul3A_1216 = arith.muli %add3A_34, %mul3A_1215 : i32
        %add3A_1217 = arith.constant 8 : i32
        %add3A_1218 = arith.addi %mul3A_1216, %add3A_1217 : i32
        %get3A_1219 = arith.index_cast %add3A_1218 : i32 to index
        %get3A_1220 = arith.constant 0 : index
        %get3A_1221 = tpu.vector_load %arg10[%get3A_1219, %get3A_1220] {strides = array<i32>} : memref<128x128xf32, #tpu.memory_space<vmem>>, vector<1x16xf32>,
        %get3A_1222 = vector.shape_cast %get3A_1221 : vector<1x16xf32> to vector<16xf32>
        %mul3A_1223 = arith.mulf %get3A_1222, %broadcast_in_dim3A_1214 : vector<16xf32>
        %mul3A_1224 = arith.constant 16 : i32
        %mul3A_1225 = arith.muli %add3A_34, %mul3A_1224 : i32
        %add3A_1226 = arith.constant 8 : i32
        %add3A_1227 = arith.addi %mul3A_1225, %add3A_1226 : i32
        %swap3A_1228 = arith.index_cast %add3A_1227 : i32 to index
        %swap3A_1229 = arith.constant 0 : index
        %swap3A_1230 = tpu.vector_load %arg10[%swap3A_1228, %swap3A_1229] {strides = array<i32>} : memref<128x128xf32, #tpu.memory_space<vmem>>, vector<1x16xf32>,
        %swap3A_1231 = vector.shape_cast %swap3A_1230 : vector<1x16xf32> to vector<16xf32>
        %swap3A_1232 = vector.shape_cast %mul3A_1223 : vector<16xf32> to vector<1x16xf32>
        tpu.vector_store %arg10[%swap3A_1228, %swap3A_1229], %swap3A_1232 {strides = array<i32>} : memref<128x128xf32, #tpu.memory_space<vmem>>, vector<1x16xf32>,
        %mul3A_1233 = arith.constant 16 : i32
        %mul3A_1234 = arith.muli %add3A_34, %mul3A_1233 : i32
        %add3A_1235 = arith.constant 8 : i32
        %add3A_1236 = arith.addi %mul3A_1234, %add3A_1235 : i32
        %get3A_1237 = arith.index_cast %add3A_1236 : i32 to index
        %get3A_1238 = arith.constant 16 : index
        %get3A_1239 = tpu.vector_load %arg10[%get3A_1237, %get3A_1238] {strides = array<i32>} : memref<128x128xf32, #tpu.memory_space<vmem>>, vector<1x16xf32>,
        %get3A_1240 = vector.shape_cast %get3A_1239 : vector<1x16xf32> to vector<16xf32>
        %mul3A_1241 = arith.mulf %get3A_1240, %broadcast_in_dim3A_1214 : vector<16xf32>
        %mul3A_1242 = arith.constant 16 : i32
        %mul3A_1243 = arith.muli %add3A_34, %mul3A_1242 : i32
        %add3A_1244 = arith.constant 8 : i32
        %add3A_1245 = arith.addi %mul3A_1243, %add3A_1244 : i32
        %swap3A_1246 = arith.index_cast %add3A_1245 : i32 to index
        %swap3A_1247 = arith.constant 16 : index
        %swap3A_1248 = tpu.vector_load %arg10[%swap3A_1246, %swap3A_1247] {strides = array<i32>} : memref<128x128xf32, #tpu.memory_space<vmem>>, vector<1x16xf32>,
        %swap3A_1249 = vector.shape_cast %swap3A_1248 : vector<1x16xf32> to vector<16xf32>
        %swap3A_1250 = vector.shape_cast %mul3A_1241 : vector<16xf32> to vector<1x16xf32>
        tpu.vector_store %arg10[%swap3A_1246, %swap3A_1247], %swap3A_1250 {strides = array<i32>} : memref<128x128xf32, #tpu.memory_space<vmem>>, vector<1x16xf32>,
        %mul3A_1251 = arith.constant 16 : i32
        %mul3A_1252 = arith.muli %add3A_34, %mul3A_1251 : i32
        %add3A_1253 = arith.constant 8 : i32
        %add3A_1254 = arith.addi %mul3A_1252, %add3A_1253 : i32
        %get3A_1255 = arith.index_cast %add3A_1254 : i32 to index
        %get3A_1256 = arith.constant 32 : index
        %get3A_1257 = tpu.vector_load %arg10[%get3A_1255, %get3A_1256] {strides = array<i32>} : memref<128x128xf32, #tpu.memory_space<vmem>>, vector<1x16xf32>,
        %get3A_1258 = vector.shape_cast %get3A_1257 : vector<1x16xf32> to vector<16xf32>
        %mul3A_1259 = arith.mulf %get3A_1258, %broadcast_in_dim3A_1214 : vector<16xf32>
        %mul3A_1260 = arith.constant 16 : i32
        %mul3A_1261 = arith.muli %add3A_34, %mul3A_1260 : i32
        %add3A_1262 = arith.constant 8 : i32
        %add3A_1263 = arith.addi %mul3A_1261, %add3A_1262 : i32
        %swap3A_1264 = arith.index_cast %add3A_1263 : i32 to index
        %swap3A_1265 = arith.constant 32 : index
        %swap3A_1266 = tpu.vector_load %arg10[%swap3A_1264, %swap3A_1265] {strides = array<i32>} : memref<128x128xf32, #tpu.memory_space<vmem>>, vector<1x16xf32>,
        %swap3A_1267 = vector.shape_cast %swap3A_1266 : vector<1x16xf32> to vector<16xf32>
        %swap3A_1268 = vector.shape_cast %mul3A_1259 : vector<16xf32> to vector<1x16xf32>
        tpu.vector_store %arg10[%swap3A_1264, %swap3A_1265], %swap3A_1268 {strides = array<i32>} : memref<128x128xf32, #tpu.memory_space<vmem>>, vector<1x16xf32>,
        %mul3A_1269 = arith.constant 16 : i32
        %mul3A_1270 = arith.muli %add3A_34, %mul3A_1269 : i32
        %add3A_1271 = arith.constant 8 : i32
        %add3A_1272 = arith.addi %mul3A_1270, %add3A_1271 : i32
        %get3A_1273 = arith.index_cast %add3A_1272 : i32 to index
        %get3A_1274 = arith.constant 48 : index
        %get3A_1275 = tpu.vector_load %arg10[%get3A_1273, %get3A_1274] {strides = array<i32>} : memref<128x128xf32, #tpu.memory_space<vmem>>, vector<1x16xf32>,
        %get3A_1276 = vector.shape_cast %get3A_1275 : vector<1x16xf32> to vector<16xf32>
        %mul3A_1277 = arith.mulf %get3A_1276, %broadcast_in_dim3A_1214 : vector<16xf32>
        %mul3A_1278 = arith.constant 16 : i32
        %mul3A_1279 = arith.muli %add3A_34, %mul3A_1278 : i32
        %add3A_1280 = arith.constant 8 : i32
        %add3A_1281 = arith.addi %mul3A_1279, %add3A_1280 : i32
        %swap3A_1282 = arith.index_cast %add3A_1281 : i32 to index
        %swap3A_1283 = arith.constant 48 : index
        %swap3A_1284 = tpu.vector_load %arg10[%swap3A_1282, %swap3A_1283] {strides = array<i32>} : memref<128x128xf32, #tpu.memory_space<vmem>>, vector<1x16xf32>,
        %swap3A_1285 = vector.shape_cast %swap3A_1284 : vector<1x16xf32> to vector<16xf32>
        %swap3A_1286 = vector.shape_cast %mul3A_1277 : vector<16xf32> to vector<1x16xf32>
        tpu.vector_store %arg10[%swap3A_1282, %swap3A_1283], %swap3A_1286 {strides = array<i32>} : memref<128x128xf32, #tpu.memory_space<vmem>>, vector<1x16xf32>,
        %mul3A_1287 = arith.constant 16 : i32
        %mul3A_1288 = arith.muli %add3A_34, %mul3A_1287 : i32
        %add3A_1289 = arith.constant 8 : i32
        %add3A_1290 = arith.addi %mul3A_1288, %add3A_1289 : i32
        %get3A_1291 = arith.index_cast %add3A_1290 : i32 to index
        %get3A_1292 = arith.constant 64 : index
        %get3A_1293 = tpu.vector_load %arg10[%get3A_1291, %get3A_1292] {strides = array<i32>} : memref<128x128xf32, #tpu.memory_space<vmem>>, vector<1x16xf32>,
        %get3A_1294 = vector.shape_cast %get3A_1293 : vector<1x16xf32> to vector<16xf32>
        %mul3A_1295 = arith.mulf %get3A_1294, %broadcast_in_dim3A_1214 : vector<16xf32>
        %mul3A_1296 = arith.constant 16 : i32
        %mul3A_1297 = arith.muli %add3A_34, %mul3A_1296 : i32
        %add3A_1298 = arith.constant 8 : i32
        %add3A_1299 = arith.addi %mul3A_1297, %add3A_1298 : i32
        %swap3A_1300 = arith.index_cast %add3A_1299 : i32 to index
        %swap3A_1301 = arith.constant 64 : index
        %swap3A_1302 = tpu.vector_load %arg10[%swap3A_1300, %swap3A_1301] {strides = array<i32>} : memref<128x128xf32, #tpu.memory_space<vmem>>, vector<1x16xf32>,
        %swap3A_1303 = vector.shape_cast %swap3A_1302 : vector<1x16xf32> to vector<16xf32>
        %swap3A_1304 = vector.shape_cast %mul3A_1295 : vector<16xf32> to vector<1x16xf32>
        tpu.vector_store %arg10[%swap3A_1300, %swap3A_1301], %swap3A_1304 {strides = array<i32>} : memref<128x128xf32, #tpu.memory_space<vmem>>, vector<1x16xf32>,
        %mul3A_1305 = arith.constant 16 : i32
        %mul3A_1306 = arith.muli %add3A_34, %mul3A_1305 : i32
        %add3A_1307 = arith.constant 8 : i32
        %add3A_1308 = arith.addi %mul3A_1306, %add3A_1307 : i32
        %get3A_1309 = arith.index_cast %add3A_1308 : i32 to index
        %get3A_1310 = arith.constant 80 : index
        %get3A_1311 = tpu.vector_load %arg10[%get3A_1309, %get3A_1310] {strides = array<i32>} : memref<128x128xf32, #tpu.memory_space<vmem>>, vector<1x16xf32>,
        %get3A_1312 = vector.shape_cast %get3A_1311 : vector<1x16xf32> to vector<16xf32>
        %mul3A_1313 = arith.mulf %get3A_1312, %broadcast_in_dim3A_1214 : vector<16xf32>
        %mul3A_1314 = arith.constant 16 : i32
        %mul3A_1315 = arith.muli %add3A_34, %mul3A_1314 : i32
        %add3A_1316 = arith.constant 8 : i32
        %add3A_1317 = arith.addi %mul3A_1315, %add3A_1316 : i32
        %swap3A_1318 = arith.index_cast %add3A_1317 : i32 to index
        %swap3A_1319 = arith.constant 80 : index
        %swap3A_1320 = tpu.vector_load %arg10[%swap3A_1318, %swap3A_1319] {strides = array<i32>} : memref<128x128xf32, #tpu.memory_space<vmem>>, vector<1x16xf32>,
        %swap3A_1321 = vector.shape_cast %swap3A_1320 : vector<1x16xf32> to vector<16xf32>
        %swap3A_1322 = vector.shape_cast %mul3A_1313 : vector<16xf32> to vector<1x16xf32>
        tpu.vector_store %arg10[%swap3A_1318, %swap3A_1319], %swap3A_1322 {strides = array<i32>} : memref<128x128xf32, #tpu.memory_space<vmem>>, vector<1x16xf32>,
        %mul3A_1323 = arith.constant 16 : i32
        %mul3A_1324 = arith.muli %add3A_34, %mul3A_1323 : i32
        %add3A_1325 = arith.constant 8 : i32
        %add3A_1326 = arith.addi %mul3A_1324, %add3A_1325 : i32
        %get3A_1327 = arith.index_cast %add3A_1326 : i32 to index
        %get3A_1328 = arith.constant 96 : index
        %get3A_1329 = tpu.vector_load %arg10[%get3A_1327, %get3A_1328] {strides = array<i32>} : memref<128x128xf32, #tpu.memory_space<vmem>>, vector<1x16xf32>,
        %get3A_1330 = vector.shape_cast %get3A_1329 : vector<1x16xf32> to vector<16xf32>
        %mul3A_1331 = arith.mulf %get3A_1330, %broadcast_in_dim3A_1214 : vector<16xf32>
        %mul3A_1332 = arith.constant 16 : i32
        %mul3A_1333 = arith.muli %add3A_34, %mul3A_1332 : i32
        %add3A_1334 = arith.constant 8 : i32
        %add3A_1335 = arith.addi %mul3A_1333, %add3A_1334 : i32
        %swap3A_1336 = arith.index_cast %add3A_1335 : i32 to index
        %swap3A_1337 = arith.constant 96 : index
        %swap3A_1338 = tpu.vector_load %arg10[%swap3A_1336, %swap3A_1337] {strides = array<i32>} : memref<128x128xf32, #tpu.memory_space<vmem>>, vector<1x16xf32>,
        %swap3A_1339 = vector.shape_cast %swap3A_1338 : vector<1x16xf32> to vector<16xf32>
        %swap3A_1340 = vector.shape_cast %mul3A_1331 : vector<16xf32> to vector<1x16xf32>
        tpu.vector_store %arg10[%swap3A_1336, %swap3A_1337], %swap3A_1340 {strides = array<i32>} : memref<128x128xf32, #tpu.memory_space<vmem>>, vector<1x16xf32>,
        %mul3A_1341 = arith.constant 16 : i32
        %mul3A_1342 = arith.muli %add3A_34, %mul3A_1341 : i32
        %add3A_1343 = arith.constant 8 : i32
        %add3A_1344 = arith.addi %mul3A_1342, %add3A_1343 : i32
        %get3A_1345 = arith.index_cast %add3A_1344 : i32 to index
        %get3A_1346 = arith.constant 112 : index
        %get3A_1347 = tpu.vector_load %arg10[%get3A_1345, %get3A_1346] {strides = array<i32>} : memref<128x128xf32, #tpu.memory_space<vmem>>, vector<1x16xf32>,
        %get3A_1348 = vector.shape_cast %get3A_1347 : vector<1x16xf32> to vector<16xf32>
        %mul3A_1349 = arith.mulf %get3A_1348, %broadcast_in_dim3A_1214 : vector<16xf32>
        %mul3A_1350 = arith.constant 16 : i32
        %mul3A_1351 = arith.muli %add3A_34, %mul3A_1350 : i32
        %add3A_1352 = arith.constant 8 : i32
        %add3A_1353 = arith.addi %mul3A_1351, %add3A_1352 : i32
        %swap3A_1354 = arith.index_cast %add3A_1353 : i32 to index
        %swap3A_1355 = arith.constant 112 : index
        %swap3A_1356 = tpu.vector_load %arg10[%swap3A_1354, %swap3A_1355] {strides = array<i32>} : memref<128x128xf32, #tpu.memory_space<vmem>>, vector<1x16xf32>,
        %swap3A_1357 = vector.shape_cast %swap3A_1356 : vector<1x16xf32> to vector<16xf32>
        %swap3A_1358 = vector.shape_cast %mul3A_1349 : vector<16xf32> to vector<1x16xf32>
        tpu.vector_store %arg10[%swap3A_1354, %swap3A_1355], %swap3A_1358 {strides = array<i32>} : memref<128x128xf32, #tpu.memory_space<vmem>>, vector<1x16xf32>,
        %slice3A_1359 = vector.extract_strided_slice %get3A_39 {offsets = [9], sizes = [1], strides = [1]} : vector<16xf32> to vector<1xf32>
        %squeeze3A_1360 = vector.extract %slice3A_1359[0] : f32 from vector<1xf32>
        %broadcast_in_dim3A_1361 = vector.broadcast %squeeze3A_1360 : f32 to vector<16xf32>
        %mul3A_1362 = arith.constant 16 : i32
        %mul3A_1363 = arith.muli %add3A_34, %mul3A_1362 : i32
        %add3A_1364 = arith.constant 9 : i32
        %add3A_1365 = arith.addi %mul3A_1363, %add3A_1364 : i32
        %get3A_1366 = arith.index_cast %add3A_1365 : i32 to index
        %get3A_1367 = arith.constant 0 : index
        %get3A_1368 = tpu.vector_load %arg10[%get3A_1366, %get3A_1367] {strides = array<i32>} : memref<128x128xf32, #tpu.memory_space<vmem>>, vector<1x16xf32>,
        %get3A_1369 = vector.shape_cast %get3A_1368 : vector<1x16xf32> to vector<16xf32>
        %mul3A_1370 = arith.mulf %get3A_1369, %broadcast_in_dim3A_1361 : vector<16xf32>
        %mul3A_1371 = arith.constant 16 : i32
        %mul3A_1372 = arith.muli %add3A_34, %mul3A_1371 : i32
        %add3A_1373 = arith.constant 9 : i32
        %add3A_1374 = arith.addi %mul3A_1372, %add3A_1373 : i32
        %swap3A_1375 = arith.index_cast %add3A_1374 : i32 to index
        %swap3A_1376 = arith.constant 0 : index
        %swap3A_1377 = tpu.vector_load %arg10[%swap3A_1375, %swap3A_1376] {strides = array<i32>} : memref<128x128xf32, #tpu.memory_space<vmem>>, vector<1x16xf32>,
        %swap3A_1378 = vector.shape_cast %swap3A_1377 : vector<1x16xf32> to vector<16xf32>
        %swap3A_1379 = vector.shape_cast %mul3A_1370 : vector<16xf32> to vector<1x16xf32>
        tpu.vector_store %arg10[%swap3A_1375, %swap3A_1376], %swap3A_1379 {strides = array<i32>} : memref<128x128xf32, #tpu.memory_space<vmem>>, vector<1x16xf32>,
        %mul3A_1380 = arith.constant 16 : i32
        %mul3A_1381 = arith.muli %add3A_34, %mul3A_1380 : i32
        %add3A_1382 = arith.constant 9 : i32
        %add3A_1383 = arith.addi %mul3A_1381, %add3A_1382 : i32
        %get3A_1384 = arith.index_cast %add3A_1383 : i32 to index
        %get3A_1385 = arith.constant 16 : index
        %get3A_1386 = tpu.vector_load %arg10[%get3A_1384, %get3A_1385] {strides = array<i32>} : memref<128x128xf32, #tpu.memory_space<vmem>>, vector<1x16xf32>,
        %get3A_1387 = vector.shape_cast %get3A_1386 : vector<1x16xf32> to vector<16xf32>
        %mul3A_1388 = arith.mulf %get3A_1387, %broadcast_in_dim3A_1361 : vector<16xf32>
        %mul3A_1389 = arith.constant 16 : i32
        %mul3A_1390 = arith.muli %add3A_34, %mul3A_1389 : i32
        %add3A_1391 = arith.constant 9 : i32
        %add3A_1392 = arith.addi %mul3A_1390, %add3A_1391 : i32
        %swap3A_1393 = arith.index_cast %add3A_1392 : i32 to index
        %swap3A_1394 = arith.constant 16 : index
        %swap3A_1395 = tpu.vector_load %arg10[%swap3A_1393, %swap3A_1394] {strides = array<i32>} : memref<128x128xf32, #tpu.memory_space<vmem>>, vector<1x16xf32>,
        %swap3A_1396 = vector.shape_cast %swap3A_1395 : vector<1x16xf32> to vector<16xf32>
        %swap3A_1397 = vector.shape_cast %mul3A_1388 : vector<16xf32> to vector<1x16xf32>
        tpu.vector_store %arg10[%swap3A_1393, %swap3A_1394], %swap3A_1397 {strides = array<i32>} : memref<128x128xf32, #tpu.memory_space<vmem>>, vector<1x16xf32>,
        %mul3A_1398 = arith.constant 16 : i32
        %mul3A_1399 = arith.muli %add3A_34, %mul3A_1398 : i32
        %add3A_1400 = arith.constant 9 : i32
        %add3A_1401 = arith.addi %mul3A_1399, %add3A_1400 : i32
        %get3A_1402 = arith.index_cast %add3A_1401 : i32 to index
        %get3A_1403 = arith.constant 32 : index
        %get3A_1404 = tpu.vector_load %arg10[%get3A_1402, %get3A_1403] {strides = array<i32>} : memref<128x128xf32, #tpu.memory_space<vmem>>, vector<1x16xf32>,
        %get3A_1405 = vector.shape_cast %get3A_1404 : vector<1x16xf32> to vector<16xf32>
        %mul3A_1406 = arith.mulf %get3A_1405, %broadcast_in_dim3A_1361 : vector<16xf32>
        %mul3A_1407 = arith.constant 16 : i32
        %mul3A_1408 = arith.muli %add3A_34, %mul3A_1407 : i32
        %add3A_1409 = arith.constant 9 : i32
        %add3A_1410 = arith.addi %mul3A_1408, %add3A_1409 : i32
        %swap3A_1411 = arith.index_cast %add3A_1410 : i32 to index
        %swap3A_1412 = arith.constant 32 : index
        %swap3A_1413 = tpu.vector_load %arg10[%swap3A_1411, %swap3A_1412] {strides = array<i32>} : memref<128x128xf32, #tpu.memory_space<vmem>>, vector<1x16xf32>,
        %swap3A_1414 = vector.shape_cast %swap3A_1413 : vector<1x16xf32> to vector<16xf32>
        %swap3A_1415 = vector.shape_cast %mul3A_1406 : vector<16xf32> to vector<1x16xf32>
        tpu.vector_store %arg10[%swap3A_1411, %swap3A_1412], %swap3A_1415 {strides = array<i32>} : memref<128x128xf32, #tpu.memory_space<vmem>>, vector<1x16xf32>,
        %mul3A_1416 = arith.constant 16 : i32
        %mul3A_1417 = arith.muli %add3A_34, %mul3A_1416 : i32
        %add3A_1418 = arith.constant 9 : i32
        %add3A_1419 = arith.addi %mul3A_1417, %add3A_1418 : i32
        %get3A_1420 = arith.index_cast %add3A_1419 : i32 to index
        %get3A_1421 = arith.constant 48 : index
        %get3A_1422 = tpu.vector_load %arg10[%get3A_1420, %get3A_1421] {strides = array<i32>} : memref<128x128xf32, #tpu.memory_space<vmem>>, vector<1x16xf32>,
        %get3A_1423 = vector.shape_cast %get3A_1422 : vector<1x16xf32> to vector<16xf32>
        %mul3A_1424 = arith.mulf %get3A_1423, %broadcast_in_dim3A_1361 : vector<16xf32>
        %mul3A_1425 = arith.constant 16 : i32
        %mul3A_1426 = arith.muli %add3A_34, %mul3A_1425 : i32
        %add3A_1427 = arith.constant 9 : i32
        %add3A_1428 = arith.addi %mul3A_1426, %add3A_1427 : i32
        %swap3A_1429 = arith.index_cast %add3A_1428 : i32 to index
        %swap3A_1430 = arith.constant 48 : index
        %swap3A_1431 = tpu.vector_load %arg10[%swap3A_1429, %swap3A_1430] {strides = array<i32>} : memref<128x128xf32, #tpu.memory_space<vmem>>, vector<1x16xf32>,
        %swap3A_1432 = vector.shape_cast %swap3A_1431 : vector<1x16xf32> to vector<16xf32>
        %swap3A_1433 = vector.shape_cast %mul3A_1424 : vector<16xf32> to vector<1x16xf32>
        tpu.vector_store %arg10[%swap3A_1429, %swap3A_1430], %swap3A_1433 {strides = array<i32>} : memref<128x128xf32, #tpu.memory_space<vmem>>, vector<1x16xf32>,
        %mul3A_1434 = arith.constant 16 : i32
        %mul3A_1435 = arith.muli %add3A_34, %mul3A_1434 : i32
        %add3A_1436 = arith.constant 9 : i32
        %add3A_1437 = arith.addi %mul3A_1435, %add3A_1436 : i32
        %get3A_1438 = arith.index_cast %add3A_1437 : i32 to index
        %get3A_1439 = arith.constant 64 : index
        %get3A_1440 = tpu.vector_load %arg10[%get3A_1438, %get3A_1439] {strides = array<i32>} : memref<128x128xf32, #tpu.memory_space<vmem>>, vector<1x16xf32>,
        %get3A_1441 = vector.shape_cast %get3A_1440 : vector<1x16xf32> to vector<16xf32>
        %mul3A_1442 = arith.mulf %get3A_1441, %broadcast_in_dim3A_1361 : vector<16xf32>
        %mul3A_1443 = arith.constant 16 : i32
        %mul3A_1444 = arith.muli %add3A_34, %mul3A_1443 : i32
        %add3A_1445 = arith.constant 9 : i32
        %add3A_1446 = arith.addi %mul3A_1444, %add3A_1445 : i32
        %swap3A_1447 = arith.index_cast %add3A_1446 : i32 to index
        %swap3A_1448 = arith.constant 64 : index
        %swap3A_1449 = tpu.vector_load %arg10[%swap3A_1447, %swap3A_1448] {strides = array<i32>} : memref<128x128xf32, #tpu.memory_space<vmem>>, vector<1x16xf32>,
        %swap3A_1450 = vector.shape_cast %swap3A_1449 : vector<1x16xf32> to vector<16xf32>
        %swap3A_1451 = vector.shape_cast %mul3A_1442 : vector<16xf32> to vector<1x16xf32>
        tpu.vector_store %arg10[%swap3A_1447, %swap3A_1448], %swap3A_1451 {strides = array<i32>} : memref<128x128xf32, #tpu.memory_space<vmem>>, vector<1x16xf32>,
        %mul3A_1452 = arith.constant 16 : i32
        %mul3A_1453 = arith.muli %add3A_34, %mul3A_1452 : i32
        %add3A_1454 = arith.constant 9 : i32
        %add3A_1455 = arith.addi %mul3A_1453, %add3A_1454 : i32
        %get3A_1456 = arith.index_cast %add3A_1455 : i32 to index
        %get3A_1457 = arith.constant 80 : index
        %get3A_1458 = tpu.vector_load %arg10[%get3A_1456, %get3A_1457] {strides = array<i32>} : memref<128x128xf32, #tpu.memory_space<vmem>>, vector<1x16xf32>,
        %get3A_1459 = vector.shape_cast %get3A_1458 : vector<1x16xf32> to vector<16xf32>
        %mul3A_1460 = arith.mulf %get3A_1459, %broadcast_in_dim3A_1361 : vector<16xf32>
        %mul3A_1461 = arith.constant 16 : i32
        %mul3A_1462 = arith.muli %add3A_34, %mul3A_1461 : i32
        %add3A_1463 = arith.constant 9 : i32
        %add3A_1464 = arith.addi %mul3A_1462, %add3A_1463 : i32
        %swap3A_1465 = arith.index_cast %add3A_1464 : i32 to index
        %swap3A_1466 = arith.constant 80 : index
        %swap3A_1467 = tpu.vector_load %arg10[%swap3A_1465, %swap3A_1466] {strides = array<i32>} : memref<128x128xf32, #tpu.memory_space<vmem>>, vector<1x16xf32>,
        %swap3A_1468 = vector.shape_cast %swap3A_1467 : vector<1x16xf32> to vector<16xf32>
        %swap3A_1469 = vector.shape_cast %mul3A_1460 : vector<16xf32> to vector<1x16xf32>
        tpu.vector_store %arg10[%swap3A_1465, %swap3A_1466], %swap3A_1469 {strides = array<i32>} : memref<128x128xf32, #tpu.memory_space<vmem>>, vector<1x16xf32>,
        %mul3A_1470 = arith.constant 16 : i32
        %mul3A_1471 = arith.muli %add3A_34, %mul3A_1470 : i32
        %add3A_1472 = arith.constant 9 : i32
        %add3A_1473 = arith.addi %mul3A_1471, %add3A_1472 : i32
        %get3A_1474 = arith.index_cast %add3A_1473 : i32 to index
        %get3A_1475 = arith.constant 96 : index
        %get3A_1476 = tpu.vector_load %arg10[%get3A_1474, %get3A_1475] {strides = array<i32>} : memref<128x128xf32, #tpu.memory_space<vmem>>, vector<1x16xf32>,
        %get3A_1477 = vector.shape_cast %get3A_1476 : vector<1x16xf32> to vector<16xf32>
        %mul3A_1478 = arith.mulf %get3A_1477, %broadcast_in_dim3A_1361 : vector<16xf32>
        %mul3A_1479 = arith.constant 16 : i32
        %mul3A_1480 = arith.muli %add3A_34, %mul3A_1479 : i32
        %add3A_1481 = arith.constant 9 : i32
        %add3A_1482 = arith.addi %mul3A_1480, %add3A_1481 : i32
        %swap3A_1483 = arith.index_cast %add3A_1482 : i32 to index
        %swap3A_1484 = arith.constant 96 : index
        %swap3A_1485 = tpu.vector_load %arg10[%swap3A_1483, %swap3A_1484] {strides = array<i32>} : memref<128x128xf32, #tpu.memory_space<vmem>>, vector<1x16xf32>,
        %swap3A_1486 = vector.shape_cast %swap3A_1485 : vector<1x16xf32> to vector<16xf32>
        %swap3A_1487 = vector.shape_cast %mul3A_1478 : vector<16xf32> to vector<1x16xf32>
        tpu.vector_store %arg10[%swap3A_1483, %swap3A_1484], %swap3A_1487 {strides = array<i32>} : memref<128x128xf32, #tpu.memory_space<vmem>>, vector<1x16xf32>,
        %mul3A_1488 = arith.constant 16 : i32
        %mul3A_1489 = arith.muli %add3A_34, %mul3A_1488 : i32
        %add3A_1490 = arith.constant 9 : i32
        %add3A_1491 = arith.addi %mul3A_1489, %add3A_1490 : i32
        %get3A_1492 = arith.index_cast %add3A_1491 : i32 to index
        %get3A_1493 = arith.constant 112 : index
        %get3A_1494 = tpu.vector_load %arg10[%get3A_1492, %get3A_1493] {strides = array<i32>} : memref<128x128xf32, #tpu.memory_space<vmem>>, vector<1x16xf32>,
        %get3A_1495 = vector.shape_cast %get3A_1494 : vector<1x16xf32> to vector<16xf32>
        %mul3A_1496 = arith.mulf %get3A_1495, %broadcast_in_dim3A_1361 : vector<16xf32>
        %mul3A_1497 = arith.constant 16 : i32
        %mul3A_1498 = arith.muli %add3A_34, %mul3A_1497 : i32
        %add3A_1499 = arith.constant 9 : i32
        %add3A_1500 = arith.addi %mul3A_1498, %add3A_1499 : i32
        %swap3A_1501 = arith.index_cast %add3A_1500 : i32 to index
        %swap3A_1502 = arith.constant 112 : index
        %swap3A_1503 = tpu.vector_load %arg10[%swap3A_1501, %swap3A_1502] {strides = array<i32>} : memref<128x128xf32, #tpu.memory_space<vmem>>, vector<1x16xf32>,
        %swap3A_1504 = vector.shape_cast %swap3A_1503 : vector<1x16xf32> to vector<16xf32>
        %swap3A_1505 = vector.shape_cast %mul3A_1496 : vector<16xf32> to vector<1x16xf32>
        tpu.vector_store %arg10[%swap3A_1501, %swap3A_1502], %swap3A_1505 {strides = array<i32>} : memref<128x128xf32, #tpu.memory_space<vmem>>, vector<1x16xf32>,
        %slice3A_1506 = vector.extract_strided_slice %get3A_39 {offsets = [10], sizes = [1], strides = [1]} : vector<16xf32> to vector<1xf32>
        %squeeze3A_1507 = vector.extract %slice3A_1506[0] : f32 from vector<1xf32>
        %broadcast_in_dim3A_1508 = vector.broadcast %squeeze3A_1507 : f32 to vector<16xf32>
        %mul3A_1509 = arith.constant 16 : i32
        %mul3A_1510 = arith.muli %add3A_34, %mul3A_1509 : i32
        %add3A_1511 = arith.constant 10 : i32
        %add3A_1512 = arith.addi %mul3A_1510, %add3A_1511 : i32
        %get3A_1513 = arith.index_cast %add3A_1512 : i32 to index
        %get3A_1514 = arith.constant 0 : index
        %get3A_1515 = tpu.vector_load %arg10[%get3A_1513, %get3A_1514] {strides = array<i32>} : memref<128x128xf32, #tpu.memory_space<vmem>>, vector<1x16xf32>,
        %get3A_1516 = vector.shape_cast %get3A_1515 : vector<1x16xf32> to vector<16xf32>
        %mul3A_1517 = arith.mulf %get3A_1516, %broadcast_in_dim3A_1508 : vector<16xf32>
        %mul3A_1518 = arith.constant 16 : i32
        %mul3A_1519 = arith.muli %add3A_34, %mul3A_1518 : i32
        %add3A_1520 = arith.constant 10 : i32
        %add3A_1521 = arith.addi %mul3A_1519, %add3A_1520 : i32
        %swap3A_1522 = arith.index_cast %add3A_1521 : i32 to index
        %swap3A_1523 = arith.constant 0 : index
        %swap3A_1524 = tpu.vector_load %arg10[%swap3A_1522, %swap3A_1523] {strides = array<i32>} : memref<128x128xf32, #tpu.memory_space<vmem>>, vector<1x16xf32>,
        %swap3A_1525 = vector.shape_cast %swap3A_1524 : vector<1x16xf32> to vector<16xf32>
        %swap3A_1526 = vector.shape_cast %mul3A_1517 : vector<16xf32> to vector<1x16xf32>
        tpu.vector_store %arg10[%swap3A_1522, %swap3A_1523], %swap3A_1526 {strides = array<i32>} : memref<128x128xf32, #tpu.memory_space<vmem>>, vector<1x16xf32>,
        %mul3A_1527 = arith.constant 16 : i32
        %mul3A_1528 = arith.muli %add3A_34, %mul3A_1527 : i32
        %add3A_1529 = arith.constant 10 : i32
        %add3A_1530 = arith.addi %mul3A_1528, %add3A_1529 : i32
        %get3A_1531 = arith.index_cast %add3A_1530 : i32 to index
        %get3A_1532 = arith.constant 16 : index
        %get3A_1533 = tpu.vector_load %arg10[%get3A_1531, %get3A_1532] {strides = array<i32>} : memref<128x128xf32, #tpu.memory_space<vmem>>, vector<1x16xf32>,
        %get3A_1534 = vector.shape_cast %get3A_1533 : vector<1x16xf32> to vector<16xf32>
        %mul3A_1535 = arith.mulf %get3A_1534, %broadcast_in_dim3A_1508 : vector<16xf32>
        %mul3A_1536 = arith.constant 16 : i32
        %mul3A_1537 = arith.muli %add3A_34, %mul3A_1536 : i32
        %add3A_1538 = arith.constant 10 : i32
        %add3A_1539 = arith.addi %mul3A_1537, %add3A_1538 : i32
        %swap3A_1540 = arith.index_cast %add3A_1539 : i32 to index
        %swap3A_1541 = arith.constant 16 : index
        %swap3A_1542 = tpu.vector_load %arg10[%swap3A_1540, %swap3A_1541] {strides = array<i32>} : memref<128x128xf32, #tpu.memory_space<vmem>>, vector<1x16xf32>,
        %swap3A_1543 = vector.shape_cast %swap3A_1542 : vector<1x16xf32> to vector<16xf32>
        %swap3A_1544 = vector.shape_cast %mul3A_1535 : vector<16xf32> to vector<1x16xf32>
        tpu.vector_store %arg10[%swap3A_1540, %swap3A_1541], %swap3A_1544 {strides = array<i32>} : memref<128x128xf32, #tpu.memory_space<vmem>>, vector<1x16xf32>,
        %mul3A_1545 = arith.constant 16 : i32
        %mul3A_1546 = arith.muli %add3A_34, %mul3A_1545 : i32
        %add3A_1547 = arith.constant 10 : i32
        %add3A_1548 = arith.addi %mul3A_1546, %add3A_1547 : i32
        %get3A_1549 = arith.index_cast %add3A_1548 : i32 to index
        %get3A_1550 = arith.constant 32 : index
        %get3A_1551 = tpu.vector_load %arg10[%get3A_1549, %get3A_1550] {strides = array<i32>} : memref<128x128xf32, #tpu.memory_space<vmem>>, vector<1x16xf32>,
        %get3A_1552 = vector.shape_cast %get3A_1551 : vector<1x16xf32> to vector<16xf32>
        %mul3A_1553 = arith.mulf %get3A_1552, %broadcast_in_dim3A_1508 : vector<16xf32>
        %mul3A_1554 = arith.constant 16 : i32
        %mul3A_1555 = arith.muli %add3A_34, %mul3A_1554 : i32
        %add3A_1556 = arith.constant 10 : i32
        %add3A_1557 = arith.addi %mul3A_1555, %add3A_1556 : i32
        %swap3A_1558 = arith.index_cast %add3A_1557 : i32 to index
        %swap3A_1559 = arith.constant 32 : index
        %swap3A_1560 = tpu.vector_load %arg10[%swap3A_1558, %swap3A_1559] {strides = array<i32>} : memref<128x128xf32, #tpu.memory_space<vmem>>, vector<1x16xf32>,
        %swap3A_1561 = vector.shape_cast %swap3A_1560 : vector<1x16xf32> to vector<16xf32>
        %swap3A_1562 = vector.shape_cast %mul3A_1553 : vector<16xf32> to vector<1x16xf32>
        tpu.vector_store %arg10[%swap3A_1558, %swap3A_1559], %swap3A_1562 {strides = array<i32>} : memref<128x128xf32, #tpu.memory_space<vmem>>, vector<1x16xf32>,
        %mul3A_1563 = arith.constant 16 : i32
        %mul3A_1564 = arith.muli %add3A_34, %mul3A_1563 : i32
        %add3A_1565 = arith.constant 10 : i32
        %add3A_1566 = arith.addi %mul3A_1564, %add3A_1565 : i32
        %get3A_1567 = arith.index_cast %add3A_1566 : i32 to index
        %get3A_1568 = arith.constant 48 : index
        %get3A_1569 = tpu.vector_load %arg10[%get3A_1567, %get3A_1568] {strides = array<i32>} : memref<128x128xf32, #tpu.memory_space<vmem>>, vector<1x16xf32>,
        %get3A_1570 = vector.shape_cast %get3A_1569 : vector<1x16xf32> to vector<16xf32>
        %mul3A_1571 = arith.mulf %get3A_1570, %broadcast_in_dim3A_1508 : vector<16xf32>
        %mul3A_1572 = arith.constant 16 : i32
        %mul3A_1573 = arith.muli %add3A_34, %mul3A_1572 : i32
        %add3A_1574 = arith.constant 10 : i32
        %add3A_1575 = arith.addi %mul3A_1573, %add3A_1574 : i32
        %swap3A_1576 = arith.index_cast %add3A_1575 : i32 to index
        %swap3A_1577 = arith.constant 48 : index
        %swap3A_1578 = tpu.vector_load %arg10[%swap3A_1576, %swap3A_1577] {strides = array<i32>} : memref<128x128xf32, #tpu.memory_space<vmem>>, vector<1x16xf32>,
        %swap3A_1579 = vector.shape_cast %swap3A_1578 : vector<1x16xf32> to vector<16xf32>
        %swap3A_1580 = vector.shape_cast %mul3A_1571 : vector<16xf32> to vector<1x16xf32>
        tpu.vector_store %arg10[%swap3A_1576, %swap3A_1577], %swap3A_1580 {strides = array<i32>} : memref<128x128xf32, #tpu.memory_space<vmem>>, vector<1x16xf32>,
        %mul3A_1581 = arith.constant 16 : i32
        %mul3A_1582 = arith.muli %add3A_34, %mul3A_1581 : i32
        %add3A_1583 = arith.constant 10 : i32
        %add3A_1584 = arith.addi %mul3A_1582, %add3A_1583 : i32
        %get3A_1585 = arith.index_cast %add3A_1584 : i32 to index
        %get3A_1586 = arith.constant 64 : index
        %get3A_1587 = tpu.vector_load %arg10[%get3A_1585, %get3A_1586] {strides = array<i32>} : memref<128x128xf32, #tpu.memory_space<vmem>>, vector<1x16xf32>,
        %get3A_1588 = vector.shape_cast %get3A_1587 : vector<1x16xf32> to vector<16xf32>
        %mul3A_1589 = arith.mulf %get3A_1588, %broadcast_in_dim3A_1508 : vector<16xf32>
        %mul3A_1590 = arith.constant 16 : i32
        %mul3A_1591 = arith.muli %add3A_34, %mul3A_1590 : i32
        %add3A_1592 = arith.constant 10 : i32
        %add3A_1593 = arith.addi %mul3A_1591, %add3A_1592 : i32
        %swap3A_1594 = arith.index_cast %add3A_1593 : i32 to index
        %swap3A_1595 = arith.constant 64 : index
        %swap3A_1596 = tpu.vector_load %arg10[%swap3A_1594, %swap3A_1595] {strides = array<i32>} : memref<128x128xf32, #tpu.memory_space<vmem>>, vector<1x16xf32>,
        %swap3A_1597 = vector.shape_cast %swap3A_1596 : vector<1x16xf32> to vector<16xf32>
        %swap3A_1598 = vector.shape_cast %mul3A_1589 : vector<16xf32> to vector<1x16xf32>
        tpu.vector_store %arg10[%swap3A_1594, %swap3A_1595], %swap3A_1598 {strides = array<i32>} : memref<128x128xf32, #tpu.memory_space<vmem>>, vector<1x16xf32>,
        %mul3A_1599 = arith.constant 16 : i32
        %mul3A_1600 = arith.muli %add3A_34, %mul3A_1599 : i32
        %add3A_1601 = arith.constant 10 : i32
        %add3A_1602 = arith.addi %mul3A_1600, %add3A_1601 : i32
        %get3A_1603 = arith.index_cast %add3A_1602 : i32 to index
        %get3A_1604 = arith.constant 80 : index
        %get3A_1605 = tpu.vector_load %arg10[%get3A_1603, %get3A_1604] {strides = array<i32>} : memref<128x128xf32, #tpu.memory_space<vmem>>, vector<1x16xf32>,
        %get3A_1606 = vector.shape_cast %get3A_1605 : vector<1x16xf32> to vector<16xf32>
        %mul3A_1607 = arith.mulf %get3A_1606, %broadcast_in_dim3A_1508 : vector<16xf32>
        %mul3A_1608 = arith.constant 16 : i32
        %mul3A_1609 = arith.muli %add3A_34, %mul3A_1608 : i32
        %add3A_1610 = arith.constant 10 : i32
        %add3A_1611 = arith.addi %mul3A_1609, %add3A_1610 : i32
        %swap3A_1612 = arith.index_cast %add3A_1611 : i32 to index
        %swap3A_1613 = arith.constant 80 : index
        %swap3A_1614 = tpu.vector_load %arg10[%swap3A_1612, %swap3A_1613] {strides = array<i32>} : memref<128x128xf32, #tpu.memory_space<vmem>>, vector<1x16xf32>,
        %swap3A_1615 = vector.shape_cast %swap3A_1614 : vector<1x16xf32> to vector<16xf32>
        %swap3A_1616 = vector.shape_cast %mul3A_1607 : vector<16xf32> to vector<1x16xf32>
        tpu.vector_store %arg10[%swap3A_1612, %swap3A_1613], %swap3A_1616 {strides = array<i32>} : memref<128x128xf32, #tpu.memory_space<vmem>>, vector<1x16xf32>,
        %mul3A_1617 = arith.constant 16 : i32
        %mul3A_1618 = arith.muli %add3A_34, %mul3A_1617 : i32
        %add3A_1619 = arith.constant 10 : i32
        %add3A_1620 = arith.addi %mul3A_1618, %add3A_1619 : i32
        %get3A_1621 = arith.index_cast %add3A_1620 : i32 to index
        %get3A_1622 = arith.constant 96 : index
        %get3A_1623 = tpu.vector_load %arg10[%get3A_1621, %get3A_1622] {strides = array<i32>} : memref<128x128xf32, #tpu.memory_space<vmem>>, vector<1x16xf32>,
        %get3A_1624 = vector.shape_cast %get3A_1623 : vector<1x16xf32> to vector<16xf32>
        %mul3A_1625 = arith.mulf %get3A_1624, %broadcast_in_dim3A_1508 : vector<16xf32>
        %mul3A_1626 = arith.constant 16 : i32
        %mul3A_1627 = arith.muli %add3A_34, %mul3A_1626 : i32
        %add3A_1628 = arith.constant 10 : i32
        %add3A_1629 = arith.addi %mul3A_1627, %add3A_1628 : i32
        %swap3A_1630 = arith.index_cast %add3A_1629 : i32 to index
        %swap3A_1631 = arith.constant 96 : index
        %swap3A_1632 = tpu.vector_load %arg10[%swap3A_1630, %swap3A_1631] {strides = array<i32>} : memref<128x128xf32, #tpu.memory_space<vmem>>, vector<1x16xf32>,
        %swap3A_1633 = vector.shape_cast %swap3A_1632 : vector<1x16xf32> to vector<16xf32>
        %swap3A_1634 = vector.shape_cast %mul3A_1625 : vector<16xf32> to vector<1x16xf32>
        tpu.vector_store %arg10[%swap3A_1630, %swap3A_1631], %swap3A_1634 {strides = array<i32>} : memref<128x128xf32, #tpu.memory_space<vmem>>, vector<1x16xf32>,
        %mul3A_1635 = arith.constant 16 : i32
        %mul3A_1636 = arith.muli %add3A_34, %mul3A_1635 : i32
        %add3A_1637 = arith.constant 10 : i32
        %add3A_1638 = arith.addi %mul3A_1636, %add3A_1637 : i32
        %get3A_1639 = arith.index_cast %add3A_1638 : i32 to index
        %get3A_1640 = arith.constant 112 : index
        %get3A_1641 = tpu.vector_load %arg10[%get3A_1639, %get3A_1640] {strides = array<i32>} : memref<128x128xf32, #tpu.memory_space<vmem>>, vector<1x16xf32>,
        %get3A_1642 = vector.shape_cast %get3A_1641 : vector<1x16xf32> to vector<16xf32>
        %mul3A_1643 = arith.mulf %get3A_1642, %broadcast_in_dim3A_1508 : vector<16xf32>
        %mul3A_1644 = arith.constant 16 : i32
        %mul3A_1645 = arith.muli %add3A_34, %mul3A_1644 : i32
        %add3A_1646 = arith.constant 10 : i32
        %add3A_1647 = arith.addi %mul3A_1645, %add3A_1646 : i32
        %swap3A_1648 = arith.index_cast %add3A_1647 : i32 to index
        %swap3A_1649 = arith.constant 112 : index
        %swap3A_1650 = tpu.vector_load %arg10[%swap3A_1648, %swap3A_1649] {strides = array<i32>} : memref<128x128xf32, #tpu.memory_space<vmem>>, vector<1x16xf32>,
        %swap3A_1651 = vector.shape_cast %swap3A_1650 : vector<1x16xf32> to vector<16xf32>
        %swap3A_1652 = vector.shape_cast %mul3A_1643 : vector<16xf32> to vector<1x16xf32>
        tpu.vector_store %arg10[%swap3A_1648, %swap3A_1649], %swap3A_1652 {strides = array<i32>} : memref<128x128xf32, #tpu.memory_space<vmem>>, vector<1x16xf32>,
        %slice3A_1653 = vector.extract_strided_slice %get3A_39 {offsets = [11], sizes = [1], strides = [1]} : vector<16xf32> to vector<1xf32>
        %squeeze3A_1654 = vector.extract %slice3A_1653[0] : f32 from vector<1xf32>
        %broadcast_in_dim3A_1655 = vector.broadcast %squeeze3A_1654 : f32 to vector<16xf32>
        %mul3A_1656 = arith.constant 16 : i32
        %mul3A_1657 = arith.muli %add3A_34, %mul3A_1656 : i32
        %add3A_1658 = arith.constant 11 : i32
        %add3A_1659 = arith.addi %mul3A_1657, %add3A_1658 : i32
        %get3A_1660 = arith.index_cast %add3A_1659 : i32 to index
        %get3A_1661 = arith.constant 0 : index
        %get3A_1662 = tpu.vector_load %arg10[%get3A_1660, %get3A_1661] {strides = array<i32>} : memref<128x128xf32, #tpu.memory_space<vmem>>, vector<1x16xf32>,
        %get3A_1663 = vector.shape_cast %get3A_1662 : vector<1x16xf32> to vector<16xf32>
        %mul3A_1664 = arith.mulf %get3A_1663, %broadcast_in_dim3A_1655 : vector<16xf32>
        %mul3A_1665 = arith.constant 16 : i32
        %mul3A_1666 = arith.muli %add3A_34, %mul3A_1665 : i32
        %add3A_1667 = arith.constant 11 : i32
        %add3A_1668 = arith.addi %mul3A_1666, %add3A_1667 : i32
        %swap3A_1669 = arith.index_cast %add3A_1668 : i32 to index
        %swap3A_1670 = arith.constant 0 : index
        %swap3A_1671 = tpu.vector_load %arg10[%swap3A_1669, %swap3A_1670] {strides = array<i32>} : memref<128x128xf32, #tpu.memory_space<vmem>>, vector<1x16xf32>,
        %swap3A_1672 = vector.shape_cast %swap3A_1671 : vector<1x16xf32> to vector<16xf32>
        %swap3A_1673 = vector.shape_cast %mul3A_1664 : vector<16xf32> to vector<1x16xf32>
        tpu.vector_store %arg10[%swap3A_1669, %swap3A_1670], %swap3A_1673 {strides = array<i32>} : memref<128x128xf32, #tpu.memory_space<vmem>>, vector<1x16xf32>,
        %mul3A_1674 = arith.constant 16 : i32
        %mul3A_1675 = arith.muli %add3A_34, %mul3A_1674 : i32
        %add3A_1676 = arith.constant 11 : i32
        %add3A_1677 = arith.addi %mul3A_1675, %add3A_1676 : i32
        %get3A_1678 = arith.index_cast %add3A_1677 : i32 to index
        %get3A_1679 = arith.constant 16 : index
        %get3A_1680 = tpu.vector_load %arg10[%get3A_1678, %get3A_1679] {strides = array<i32>} : memref<128x128xf32, #tpu.memory_space<vmem>>, vector<1x16xf32>,
        %get3A_1681 = vector.shape_cast %get3A_1680 : vector<1x16xf32> to vector<16xf32>
        %mul3A_1682 = arith.mulf %get3A_1681, %broadcast_in_dim3A_1655 : vector<16xf32>
        %mul3A_1683 = arith.constant 16 : i32
        %mul3A_1684 = arith.muli %add3A_34, %mul3A_1683 : i32
        %add3A_1685 = arith.constant 11 : i32
        %add3A_1686 = arith.addi %mul3A_1684, %add3A_1685 : i32
        %swap3A_1687 = arith.index_cast %add3A_1686 : i32 to index
        %swap3A_1688 = arith.constant 16 : index
        %swap3A_1689 = tpu.vector_load %arg10[%swap3A_1687, %swap3A_1688] {strides = array<i32>} : memref<128x128xf32, #tpu.memory_space<vmem>>, vector<1x16xf32>,
        %swap3A_1690 = vector.shape_cast %swap3A_1689 : vector<1x16xf32> to vector<16xf32>
        %swap3A_1691 = vector.shape_cast %mul3A_1682 : vector<16xf32> to vector<1x16xf32>
        tpu.vector_store %arg10[%swap3A_1687, %swap3A_1688], %swap3A_1691 {strides = array<i32>} : memref<128x128xf32, #tpu.memory_space<vmem>>, vector<1x16xf32>,
        %mul3A_1692 = arith.constant 16 : i32
        %mul3A_1693 = arith.muli %add3A_34, %mul3A_1692 : i32
        %add3A_1694 = arith.constant 11 : i32
        %add3A_1695 = arith.addi %mul3A_1693, %add3A_1694 : i32
        %get3A_1696 = arith.index_cast %add3A_1695 : i32 to index
        %get3A_1697 = arith.constant 32 : index
        %get3A_1698 = tpu.vector_load %arg10[%get3A_1696, %get3A_1697] {strides = array<i32>} : memref<128x128xf32, #tpu.memory_space<vmem>>, vector<1x16xf32>,
        %get3A_1699 = vector.shape_cast %get3A_1698 : vector<1x16xf32> to vector<16xf32>
        %mul3A_1700 = arith.mulf %get3A_1699, %broadcast_in_dim3A_1655 : vector<16xf32>
        %mul3A_1701 = arith.constant 16 : i32
        %mul3A_1702 = arith.muli %add3A_34, %mul3A_1701 : i32
        %add3A_1703 = arith.constant 11 : i32
        %add3A_1704 = arith.addi %mul3A_1702, %add3A_1703 : i32
        %swap3A_1705 = arith.index_cast %add3A_1704 : i32 to index
        %swap3A_1706 = arith.constant 32 : index
        %swap3A_1707 = tpu.vector_load %arg10[%swap3A_1705, %swap3A_1706] {strides = array<i32>} : memref<128x128xf32, #tpu.memory_space<vmem>>, vector<1x16xf32>,
        %swap3A_1708 = vector.shape_cast %swap3A_1707 : vector<1x16xf32> to vector<16xf32>
        %swap3A_1709 = vector.shape_cast %mul3A_1700 : vector<16xf32> to vector<1x16xf32>
        tpu.vector_store %arg10[%swap3A_1705, %swap3A_1706], %swap3A_1709 {strides = array<i32>} : memref<128x128xf32, #tpu.memory_space<vmem>>, vector<1x16xf32>,
        %mul3A_1710 = arith.constant 16 : i32
        %mul3A_1711 = arith.muli %add3A_34, %mul3A_1710 : i32
        %add3A_1712 = arith.constant 11 : i32
        %add3A_1713 = arith.addi %mul3A_1711, %add3A_1712 : i32
        %get3A_1714 = arith.index_cast %add3A_1713 : i32 to index
        %get3A_1715 = arith.constant 48 : index
        %get3A_1716 = tpu.vector_load %arg10[%get3A_1714, %get3A_1715] {strides = array<i32>} : memref<128x128xf32, #tpu.memory_space<vmem>>, vector<1x16xf32>,
        %get3A_1717 = vector.shape_cast %get3A_1716 : vector<1x16xf32> to vector<16xf32>
        %mul3A_1718 = arith.mulf %get3A_1717, %broadcast_in_dim3A_1655 : vector<16xf32>
        %mul3A_1719 = arith.constant 16 : i32
        %mul3A_1720 = arith.muli %add3A_34, %mul3A_1719 : i32
        %add3A_1721 = arith.constant 11 : i32
        %add3A_1722 = arith.addi %mul3A_1720, %add3A_1721 : i32
        %swap3A_1723 = arith.index_cast %add3A_1722 : i32 to index
        %swap3A_1724 = arith.constant 48 : index
        %swap3A_1725 = tpu.vector_load %arg10[%swap3A_1723, %swap3A_1724] {strides = array<i32>} : memref<128x128xf32, #tpu.memory_space<vmem>>, vector<1x16xf32>,
        %swap3A_1726 = vector.shape_cast %swap3A_1725 : vector<1x16xf32> to vector<16xf32>
        %swap3A_1727 = vector.shape_cast %mul3A_1718 : vector<16xf32> to vector<1x16xf32>
        tpu.vector_store %arg10[%swap3A_1723, %swap3A_1724], %swap3A_1727 {strides = array<i32>} : memref<128x128xf32, #tpu.memory_space<vmem>>, vector<1x16xf32>,
        %mul3A_1728 = arith.constant 16 : i32
        %mul3A_1729 = arith.muli %add3A_34, %mul3A_1728 : i32
        %add3A_1730 = arith.constant 11 : i32
        %add3A_1731 = arith.addi %mul3A_1729, %add3A_1730 : i32
        %get3A_1732 = arith.index_cast %add3A_1731 : i32 to index
        %get3A_1733 = arith.constant 64 : index
        %get3A_1734 = tpu.vector_load %arg10[%get3A_1732, %get3A_1733] {strides = array<i32>} : memref<128x128xf32, #tpu.memory_space<vmem>>, vector<1x16xf32>,
        %get3A_1735 = vector.shape_cast %get3A_1734 : vector<1x16xf32> to vector<16xf32>
        %mul3A_1736 = arith.mulf %get3A_1735, %broadcast_in_dim3A_1655 : vector<16xf32>
        %mul3A_1737 = arith.constant 16 : i32
        %mul3A_1738 = arith.muli %add3A_34, %mul3A_1737 : i32
        %add3A_1739 = arith.constant 11 : i32
        %add3A_1740 = arith.addi %mul3A_1738, %add3A_1739 : i32
        %swap3A_1741 = arith.index_cast %add3A_1740 : i32 to index
        %swap3A_1742 = arith.constant 64 : index
        %swap3A_1743 = tpu.vector_load %arg10[%swap3A_1741, %swap3A_1742] {strides = array<i32>} : memref<128x128xf32, #tpu.memory_space<vmem>>, vector<1x16xf32>,
        %swap3A_1744 = vector.shape_cast %swap3A_1743 : vector<1x16xf32> to vector<16xf32>
        %swap3A_1745 = vector.shape_cast %mul3A_1736 : vector<16xf32> to vector<1x16xf32>
        tpu.vector_store %arg10[%swap3A_1741, %swap3A_1742], %swap3A_1745 {strides = array<i32>} : memref<128x128xf32, #tpu.memory_space<vmem>>, vector<1x16xf32>,
        %mul3A_1746 = arith.constant 16 : i32
        %mul3A_1747 = arith.muli %add3A_34, %mul3A_1746 : i32
        %add3A_1748 = arith.constant 11 : i32
        %add3A_1749 = arith.addi %mul3A_1747, %add3A_1748 : i32
        %get3A_1750 = arith.index_cast %add3A_1749 : i32 to index
        %get3A_1751 = arith.constant 80 : index
        %get3A_1752 = tpu.vector_load %arg10[%get3A_1750, %get3A_1751] {strides = array<i32>} : memref<128x128xf32, #tpu.memory_space<vmem>>, vector<1x16xf32>,
        %get3A_1753 = vector.shape_cast %get3A_1752 : vector<1x16xf32> to vector<16xf32>
        %mul3A_1754 = arith.mulf %get3A_1753, %broadcast_in_dim3A_1655 : vector<16xf32>
        %mul3A_1755 = arith.constant 16 : i32
        %mul3A_1756 = arith.muli %add3A_34, %mul3A_1755 : i32
        %add3A_1757 = arith.constant 11 : i32
        %add3A_1758 = arith.addi %mul3A_1756, %add3A_1757 : i32
        %swap3A_1759 = arith.index_cast %add3A_1758 : i32 to index
        %swap3A_1760 = arith.constant 80 : index
        %swap3A_1761 = tpu.vector_load %arg10[%swap3A_1759, %swap3A_1760] {strides = array<i32>} : memref<128x128xf32, #tpu.memory_space<vmem>>, vector<1x16xf32>,
        %swap3A_1762 = vector.shape_cast %swap3A_1761 : vector<1x16xf32> to vector<16xf32>
        %swap3A_1763 = vector.shape_cast %mul3A_1754 : vector<16xf32> to vector<1x16xf32>
        tpu.vector_store %arg10[%swap3A_1759, %swap3A_1760], %swap3A_1763 {strides = array<i32>} : memref<128x128xf32, #tpu.memory_space<vmem>>, vector<1x16xf32>,
        %mul3A_1764 = arith.constant 16 : i32
        %mul3A_1765 = arith.muli %add3A_34, %mul3A_1764 : i32
        %add3A_1766 = arith.constant 11 : i32
        %add3A_1767 = arith.addi %mul3A_1765, %add3A_1766 : i32
        %get3A_1768 = arith.index_cast %add3A_1767 : i32 to index
        %get3A_1769 = arith.constant 96 : index
        %get3A_1770 = tpu.vector_load %arg10[%get3A_1768, %get3A_1769] {strides = array<i32>} : memref<128x128xf32, #tpu.memory_space<vmem>>, vector<1x16xf32>,
        %get3A_1771 = vector.shape_cast %get3A_1770 : vector<1x16xf32> to vector<16xf32>
        %mul3A_1772 = arith.mulf %get3A_1771, %broadcast_in_dim3A_1655 : vector<16xf32>
        %mul3A_1773 = arith.constant 16 : i32
        %mul3A_1774 = arith.muli %add3A_34, %mul3A_1773 : i32
        %add3A_1775 = arith.constant 11 : i32
        %add3A_1776 = arith.addi %mul3A_1774, %add3A_1775 : i32
        %swap3A_1777 = arith.index_cast %add3A_1776 : i32 to index
        %swap3A_1778 = arith.constant 96 : index
        %swap3A_1779 = tpu.vector_load %arg10[%swap3A_1777, %swap3A_1778] {strides = array<i32>} : memref<128x128xf32, #tpu.memory_space<vmem>>, vector<1x16xf32>,
        %swap3A_1780 = vector.shape_cast %swap3A_1779 : vector<1x16xf32> to vector<16xf32>
        %swap3A_1781 = vector.shape_cast %mul3A_1772 : vector<16xf32> to vector<1x16xf32>
        tpu.vector_store %arg10[%swap3A_1777, %swap3A_1778], %swap3A_1781 {strides = array<i32>} : memref<128x128xf32, #tpu.memory_space<vmem>>, vector<1x16xf32>,
        %mul3A_1782 = arith.constant 16 : i32
        %mul3A_1783 = arith.muli %add3A_34, %mul3A_1782 : i32
        %add3A_1784 = arith.constant 11 : i32
        %add3A_1785 = arith.addi %mul3A_1783, %add3A_1784 : i32
        %get3A_1786 = arith.index_cast %add3A_1785 : i32 to index
        %get3A_1787 = arith.constant 112 : index
        %get3A_1788 = tpu.vector_load %arg10[%get3A_1786, %get3A_1787] {strides = array<i32>} : memref<128x128xf32, #tpu.memory_space<vmem>>, vector<1x16xf32>,
        %get3A_1789 = vector.shape_cast %get3A_1788 : vector<1x16xf32> to vector<16xf32>
        %mul3A_1790 = arith.mulf %get3A_1789, %broadcast_in_dim3A_1655 : vector<16xf32>
        %mul3A_1791 = arith.constant 16 : i32
        %mul3A_1792 = arith.muli %add3A_34, %mul3A_1791 : i32
        %add3A_1793 = arith.constant 11 : i32
        %add3A_1794 = arith.addi %mul3A_1792, %add3A_1793 : i32
        %swap3A_1795 = arith.index_cast %add3A_1794 : i32 to index
        %swap3A_1796 = arith.constant 112 : index
        %swap3A_1797 = tpu.vector_load %arg10[%swap3A_1795, %swap3A_1796] {strides = array<i32>} : memref<128x128xf32, #tpu.memory_space<vmem>>, vector<1x16xf32>,
        %swap3A_1798 = vector.shape_cast %swap3A_1797 : vector<1x16xf32> to vector<16xf32>
        %swap3A_1799 = vector.shape_cast %mul3A_1790 : vector<16xf32> to vector<1x16xf32>
        tpu.vector_store %arg10[%swap3A_1795, %swap3A_1796], %swap3A_1799 {strides = array<i32>} : memref<128x128xf32, #tpu.memory_space<vmem>>, vector<1x16xf32>,
        %slice3A_1800 = vector.extract_strided_slice %get3A_39 {offsets = [12], sizes = [1], strides = [1]} : vector<16xf32> to vector<1xf32>
        %squeeze3A_1801 = vector.extract %slice3A_1800[0] : f32 from vector<1xf32>
        %broadcast_in_dim3A_1802 = vector.broadcast %squeeze3A_1801 : f32 to vector<16xf32>
        %mul3A_1803 = arith.constant 16 : i32
        %mul3A_1804 = arith.muli %add3A_34, %mul3A_1803 : i32
        %add3A_1805 = arith.constant 12 : i32
        %add3A_1806 = arith.addi %mul3A_1804, %add3A_1805 : i32
        %get3A_1807 = arith.index_cast %add3A_1806 : i32 to index
        %get3A_1808 = arith.constant 0 : index
        %get3A_1809 = tpu.vector_load %arg10[%get3A_1807, %get3A_1808] {strides = array<i32>} : memref<128x128xf32, #tpu.memory_space<vmem>>, vector<1x16xf32>,
        %get3A_1810 = vector.shape_cast %get3A_1809 : vector<1x16xf32> to vector<16xf32>
        %mul3A_1811 = arith.mulf %get3A_1810, %broadcast_in_dim3A_1802 : vector<16xf32>
        %mul3A_1812 = arith.constant 16 : i32
        %mul3A_1813 = arith.muli %add3A_34, %mul3A_1812 : i32
        %add3A_1814 = arith.constant 12 : i32
        %add3A_1815 = arith.addi %mul3A_1813, %add3A_1814 : i32
        %swap3A_1816 = arith.index_cast %add3A_1815 : i32 to index
        %swap3A_1817 = arith.constant 0 : index
        %swap3A_1818 = tpu.vector_load %arg10[%swap3A_1816, %swap3A_1817] {strides = array<i32>} : memref<128x128xf32, #tpu.memory_space<vmem>>, vector<1x16xf32>,
        %swap3A_1819 = vector.shape_cast %swap3A_1818 : vector<1x16xf32> to vector<16xf32>
        %swap3A_1820 = vector.shape_cast %mul3A_1811 : vector<16xf32> to vector<1x16xf32>
        tpu.vector_store %arg10[%swap3A_1816, %swap3A_1817], %swap3A_1820 {strides = array<i32>} : memref<128x128xf32, #tpu.memory_space<vmem>>, vector<1x16xf32>,
        %mul3A_1821 = arith.constant 16 : i32
        %mul3A_1822 = arith.muli %add3A_34, %mul3A_1821 : i32
        %add3A_1823 = arith.constant 12 : i32
        %add3A_1824 = arith.addi %mul3A_1822, %add3A_1823 : i32
        %get3A_1825 = arith.index_cast %add3A_1824 : i32 to index
        %get3A_1826 = arith.constant 16 : index
        %get3A_1827 = tpu.vector_load %arg10[%get3A_1825, %get3A_1826] {strides = array<i32>} : memref<128x128xf32, #tpu.memory_space<vmem>>, vector<1x16xf32>,
        %get3A_1828 = vector.shape_cast %get3A_1827 : vector<1x16xf32> to vector<16xf32>
        %mul3A_1829 = arith.mulf %get3A_1828, %broadcast_in_dim3A_1802 : vector<16xf32>
        %mul3A_1830 = arith.constant 16 : i32
        %mul3A_1831 = arith.muli %add3A_34, %mul3A_1830 : i32
        %add3A_1832 = arith.constant 12 : i32
        %add3A_1833 = arith.addi %mul3A_1831, %add3A_1832 : i32
        %swap3A_1834 = arith.index_cast %add3A_1833 : i32 to index
        %swap3A_1835 = arith.constant 16 : index
        %swap3A_1836 = tpu.vector_load %arg10[%swap3A_1834, %swap3A_1835] {strides = array<i32>} : memref<128x128xf32, #tpu.memory_space<vmem>>, vector<1x16xf32>,
        %swap3A_1837 = vector.shape_cast %swap3A_1836 : vector<1x16xf32> to vector<16xf32>
        %swap3A_1838 = vector.shape_cast %mul3A_1829 : vector<16xf32> to vector<1x16xf32>
        tpu.vector_store %arg10[%swap3A_1834, %swap3A_1835], %swap3A_1838 {strides = array<i32>} : memref<128x128xf32, #tpu.memory_space<vmem>>, vector<1x16xf32>,
        %mul3A_1839 = arith.constant 16 : i32
        %mul3A_1840 = arith.muli %add3A_34, %mul3A_1839 : i32
        %add3A_1841 = arith.constant 12 : i32
        %add3A_1842 = arith.addi %mul3A_1840, %add3A_1841 : i32
        %get3A_1843 = arith.index_cast %add3A_1842 : i32 to index
        %get3A_1844 = arith.constant 32 : index
        %get3A_1845 = tpu.vector_load %arg10[%get3A_1843, %get3A_1844] {strides = array<i32>} : memref<128x128xf32, #tpu.memory_space<vmem>>, vector<1x16xf32>,
        %get3A_1846 = vector.shape_cast %get3A_1845 : vector<1x16xf32> to vector<16xf32>
        %mul3A_1847 = arith.mulf %get3A_1846, %broadcast_in_dim3A_1802 : vector<16xf32>
        %mul3A_1848 = arith.constant 16 : i32
        %mul3A_1849 = arith.muli %add3A_34, %mul3A_1848 : i32
        %add3A_1850 = arith.constant 12 : i32
        %add3A_1851 = arith.addi %mul3A_1849, %add3A_1850 : i32
        %swap3A_1852 = arith.index_cast %add3A_1851 : i32 to index
        %swap3A_1853 = arith.constant 32 : index
        %swap3A_1854 = tpu.vector_load %arg10[%swap3A_1852, %swap3A_1853] {strides = array<i32>} : memref<128x128xf32, #tpu.memory_space<vmem>>, vector<1x16xf32>,
        %swap3A_1855 = vector.shape_cast %swap3A_1854 : vector<1x16xf32> to vector<16xf32>
        %swap3A_1856 = vector.shape_cast %mul3A_1847 : vector<16xf32> to vector<1x16xf32>
        tpu.vector_store %arg10[%swap3A_1852, %swap3A_1853], %swap3A_1856 {strides = array<i32>} : memref<128x128xf32, #tpu.memory_space<vmem>>, vector<1x16xf32>,
        %mul3A_1857 = arith.constant 16 : i32
        %mul3A_1858 = arith.muli %add3A_34, %mul3A_1857 : i32
        %add3A_1859 = arith.constant 12 : i32
        %add3A_1860 = arith.addi %mul3A_1858, %add3A_1859 : i32
        %get3A_1861 = arith.index_cast %add3A_1860 : i32 to index
        %get3A_1862 = arith.constant 48 : index
        %get3A_1863 = tpu.vector_load %arg10[%get3A_1861, %get3A_1862] {strides = array<i32>} : memref<128x128xf32, #tpu.memory_space<vmem>>, vector<1x16xf32>,
        %get3A_1864 = vector.shape_cast %get3A_1863 : vector<1x16xf32> to vector<16xf32>
        %mul3A_1865 = arith.mulf %get3A_1864, %broadcast_in_dim3A_1802 : vector<16xf32>
        %mul3A_1866 = arith.constant 16 : i32
        %mul3A_1867 = arith.muli %add3A_34, %mul3A_1866 : i32
        %add3A_1868 = arith.constant 12 : i32
        %add3A_1869 = arith.addi %mul3A_1867, %add3A_1868 : i32
        %swap3A_1870 = arith.index_cast %add3A_1869 : i32 to index
        %swap3A_1871 = arith.constant 48 : index
        %swap3A_1872 = tpu.vector_load %arg10[%swap3A_1870, %swap3A_1871] {strides = array<i32>} : memref<128x128xf32, #tpu.memory_space<vmem>>, vector<1x16xf32>,
        %swap3A_1873 = vector.shape_cast %swap3A_1872 : vector<1x16xf32> to vector<16xf32>
        %swap3A_1874 = vector.shape_cast %mul3A_1865 : vector<16xf32> to vector<1x16xf32>
        tpu.vector_store %arg10[%swap3A_1870, %swap3A_1871], %swap3A_1874 {strides = array<i32>} : memref<128x128xf32, #tpu.memory_space<vmem>>, vector<1x16xf32>,
        %mul3A_1875 = arith.constant 16 : i32
        %mul3A_1876 = arith.muli %add3A_34, %mul3A_1875 : i32
        %add3A_1877 = arith.constant 12 : i32
        %add3A_1878 = arith.addi %mul3A_1876, %add3A_1877 : i32
        %get3A_1879 = arith.index_cast %add3A_1878 : i32 to index
        %get3A_1880 = arith.constant 64 : index
        %get3A_1881 = tpu.vector_load %arg10[%get3A_1879, %get3A_1880] {strides = array<i32>} : memref<128x128xf32, #tpu.memory_space<vmem>>, vector<1x16xf32>,
        %get3A_1882 = vector.shape_cast %get3A_1881 : vector<1x16xf32> to vector<16xf32>
        %mul3A_1883 = arith.mulf %get3A_1882, %broadcast_in_dim3A_1802 : vector<16xf32>
        %mul3A_1884 = arith.constant 16 : i32
        %mul3A_1885 = arith.muli %add3A_34, %mul3A_1884 : i32
        %add3A_1886 = arith.constant 12 : i32
        %add3A_1887 = arith.addi %mul3A_1885, %add3A_1886 : i32
        %swap3A_1888 = arith.index_cast %add3A_1887 : i32 to index
        %swap3A_1889 = arith.constant 64 : index
        %swap3A_1890 = tpu.vector_load %arg10[%swap3A_1888, %swap3A_1889] {strides = array<i32>} : memref<128x128xf32, #tpu.memory_space<vmem>>, vector<1x16xf32>,
        %swap3A_1891 = vector.shape_cast %swap3A_1890 : vector<1x16xf32> to vector<16xf32>
        %swap3A_1892 = vector.shape_cast %mul3A_1883 : vector<16xf32> to vector<1x16xf32>
        tpu.vector_store %arg10[%swap3A_1888, %swap3A_1889], %swap3A_1892 {strides = array<i32>} : memref<128x128xf32, #tpu.memory_space<vmem>>, vector<1x16xf32>,
        %mul3A_1893 = arith.constant 16 : i32
        %mul3A_1894 = arith.muli %add3A_34, %mul3A_1893 : i32
        %add3A_1895 = arith.constant 12 : i32
        %add3A_1896 = arith.addi %mul3A_1894, %add3A_1895 : i32
        %get3A_1897 = arith.index_cast %add3A_1896 : i32 to index
        %get3A_1898 = arith.constant 80 : index
        %get3A_1899 = tpu.vector_load %arg10[%get3A_1897, %get3A_1898] {strides = array<i32>} : memref<128x128xf32, #tpu.memory_space<vmem>>, vector<1x16xf32>,
        %get3A_1900 = vector.shape_cast %get3A_1899 : vector<1x16xf32> to vector<16xf32>
        %mul3A_1901 = arith.mulf %get3A_1900, %broadcast_in_dim3A_1802 : vector<16xf32>
        %mul3A_1902 = arith.constant 16 : i32
        %mul3A_1903 = arith.muli %add3A_34, %mul3A_1902 : i32
        %add3A_1904 = arith.constant 12 : i32
        %add3A_1905 = arith.addi %mul3A_1903, %add3A_1904 : i32
        %swap3A_1906 = arith.index_cast %add3A_1905 : i32 to index
        %swap3A_1907 = arith.constant 80 : index
        %swap3A_1908 = tpu.vector_load %arg10[%swap3A_1906, %swap3A_1907] {strides = array<i32>} : memref<128x128xf32, #tpu.memory_space<vmem>>, vector<1x16xf32>,
        %swap3A_1909 = vector.shape_cast %swap3A_1908 : vector<1x16xf32> to vector<16xf32>
        %swap3A_1910 = vector.shape_cast %mul3A_1901 : vector<16xf32> to vector<1x16xf32>
        tpu.vector_store %arg10[%swap3A_1906, %swap3A_1907], %swap3A_1910 {strides = array<i32>} : memref<128x128xf32, #tpu.memory_space<vmem>>, vector<1x16xf32>,
        %mul3A_1911 = arith.constant 16 : i32
        %mul3A_1912 = arith.muli %add3A_34, %mul3A_1911 : i32
        %add3A_1913 = arith.constant 12 : i32
        %add3A_1914 = arith.addi %mul3A_1912, %add3A_1913 : i32
        %get3A_1915 = arith.index_cast %add3A_1914 : i32 to index
        %get3A_1916 = arith.constant 96 : index
        %get3A_1917 = tpu.vector_load %arg10[%get3A_1915, %get3A_1916] {strides = array<i32>} : memref<128x128xf32, #tpu.memory_space<vmem>>, vector<1x16xf32>,
        %get3A_1918 = vector.shape_cast %get3A_1917 : vector<1x16xf32> to vector<16xf32>
        %mul3A_1919 = arith.mulf %get3A_1918, %broadcast_in_dim3A_1802 : vector<16xf32>
        %mul3A_1920 = arith.constant 16 : i32
        %mul3A_1921 = arith.muli %add3A_34, %mul3A_1920 : i32
        %add3A_1922 = arith.constant 12 : i32
        %add3A_1923 = arith.addi %mul3A_1921, %add3A_1922 : i32
        %swap3A_1924 = arith.index_cast %add3A_1923 : i32 to index
        %swap3A_1925 = arith.constant 96 : index
        %swap3A_1926 = tpu.vector_load %arg10[%swap3A_1924, %swap3A_1925] {strides = array<i32>} : memref<128x128xf32, #tpu.memory_space<vmem>>, vector<1x16xf32>,
        %swap3A_1927 = vector.shape_cast %swap3A_1926 : vector<1x16xf32> to vector<16xf32>
        %swap3A_1928 = vector.shape_cast %mul3A_1919 : vector<16xf32> to vector<1x16xf32>
        tpu.vector_store %arg10[%swap3A_1924, %swap3A_1925], %swap3A_1928 {strides = array<i32>} : memref<128x128xf32, #tpu.memory_space<vmem>>, vector<1x16xf32>,
        %mul3A_1929 = arith.constant 16 : i32
        %mul3A_1930 = arith.muli %add3A_34, %mul3A_1929 : i32
        %add3A_1931 = arith.constant 12 : i32
        %add3A_1932 = arith.addi %mul3A_1930, %add3A_1931 : i32
        %get3A_1933 = arith.index_cast %add3A_1932 : i32 to index
        %get3A_1934 = arith.constant 112 : index
        %get3A_1935 = tpu.vector_load %arg10[%get3A_1933, %get3A_1934] {strides = array<i32>} : memref<128x128xf32, #tpu.memory_space<vmem>>, vector<1x16xf32>,
        %get3A_1936 = vector.shape_cast %get3A_1935 : vector<1x16xf32> to vector<16xf32>
        %mul3A_1937 = arith.mulf %get3A_1936, %broadcast_in_dim3A_1802 : vector<16xf32>
        %mul3A_1938 = arith.constant 16 : i32
        %mul3A_1939 = arith.muli %add3A_34, %mul3A_1938 : i32
        %add3A_1940 = arith.constant 12 : i32
        %add3A_1941 = arith.addi %mul3A_1939, %add3A_1940 : i32
        %swap3A_1942 = arith.index_cast %add3A_1941 : i32 to index
        %swap3A_1943 = arith.constant 112 : index
        %swap3A_1944 = tpu.vector_load %arg10[%swap3A_1942, %swap3A_1943] {strides = array<i32>} : memref<128x128xf32, #tpu.memory_space<vmem>>, vector<1x16xf32>,
        %swap3A_1945 = vector.shape_cast %swap3A_1944 : vector<1x16xf32> to vector<16xf32>
        %swap3A_1946 = vector.shape_cast %mul3A_1937 : vector<16xf32> to vector<1x16xf32>
        tpu.vector_store %arg10[%swap3A_1942, %swap3A_1943], %swap3A_1946 {strides = array<i32>} : memref<128x128xf32, #tpu.memory_space<vmem>>, vector<1x16xf32>,
        %slice3A_1947 = vector.extract_strided_slice %get3A_39 {offsets = [13], sizes = [1], strides = [1]} : vector<16xf32> to vector<1xf32>
        %squeeze3A_1948 = vector.extract %slice3A_1947[0] : f32 from vector<1xf32>
        %broadcast_in_dim3A_1949 = vector.broadcast %squeeze3A_1948 : f32 to vector<16xf32>
        %mul3A_1950 = arith.constant 16 : i32
        %mul3A_1951 = arith.muli %add3A_34, %mul3A_1950 : i32
        %add3A_1952 = arith.constant 13 : i32
        %add3A_1953 = arith.addi %mul3A_1951, %add3A_1952 : i32
        %get3A_1954 = arith.index_cast %add3A_1953 : i32 to index
        %get3A_1955 = arith.constant 0 : index
        %get3A_1956 = tpu.vector_load %arg10[%get3A_1954, %get3A_1955] {strides = array<i32>} : memref<128x128xf32, #tpu.memory_space<vmem>>, vector<1x16xf32>,
        %get3A_1957 = vector.shape_cast %get3A_1956 : vector<1x16xf32> to vector<16xf32>
        %mul3A_1958 = arith.mulf %get3A_1957, %broadcast_in_dim3A_1949 : vector<16xf32>
        %mul3A_1959 = arith.constant 16 : i32
        %mul3A_1960 = arith.muli %add3A_34, %mul3A_1959 : i32
        %add3A_1961 = arith.constant 13 : i32
        %add3A_1962 = arith.addi %mul3A_1960, %add3A_1961 : i32
        %swap3A_1963 = arith.index_cast %add3A_1962 : i32 to index
        %swap3A_1964 = arith.constant 0 : index
        %swap3A_1965 = tpu.vector_load %arg10[%swap3A_1963, %swap3A_1964] {strides = array<i32>} : memref<128x128xf32, #tpu.memory_space<vmem>>, vector<1x16xf32>,
        %swap3A_1966 = vector.shape_cast %swap3A_1965 : vector<1x16xf32> to vector<16xf32>
        %swap3A_1967 = vector.shape_cast %mul3A_1958 : vector<16xf32> to vector<1x16xf32>
        tpu.vector_store %arg10[%swap3A_1963, %swap3A_1964], %swap3A_1967 {strides = array<i32>} : memref<128x128xf32, #tpu.memory_space<vmem>>, vector<1x16xf32>,
        %mul3A_1968 = arith.constant 16 : i32
        %mul3A_1969 = arith.muli %add3A_34, %mul3A_1968 : i32
        %add3A_1970 = arith.constant 13 : i32
        %add3A_1971 = arith.addi %mul3A_1969, %add3A_1970 : i32
        %get3A_1972 = arith.index_cast %add3A_1971 : i32 to index
        %get3A_1973 = arith.constant 16 : index
        %get3A_1974 = tpu.vector_load %arg10[%get3A_1972, %get3A_1973] {strides = array<i32>} : memref<128x128xf32, #tpu.memory_space<vmem>>, vector<1x16xf32>,
        %get3A_1975 = vector.shape_cast %get3A_1974 : vector<1x16xf32> to vector<16xf32>
        %mul3A_1976 = arith.mulf %get3A_1975, %broadcast_in_dim3A_1949 : vector<16xf32>
        %mul3A_1977 = arith.constant 16 : i32
        %mul3A_1978 = arith.muli %add3A_34, %mul3A_1977 : i32
        %add3A_1979 = arith.constant 13 : i32
        %add3A_1980 = arith.addi %mul3A_1978, %add3A_1979 : i32
        %swap3A_1981 = arith.index_cast %add3A_1980 : i32 to index
        %swap3A_1982 = arith.constant 16 : index
        %swap3A_1983 = tpu.vector_load %arg10[%swap3A_1981, %swap3A_1982] {strides = array<i32>} : memref<128x128xf32, #tpu.memory_space<vmem>>, vector<1x16xf32>,
        %swap3A_1984 = vector.shape_cast %swap3A_1983 : vector<1x16xf32> to vector<16xf32>
        %swap3A_1985 = vector.shape_cast %mul3A_1976 : vector<16xf32> to vector<1x16xf32>
        tpu.vector_store %arg10[%swap3A_1981, %swap3A_1982], %swap3A_1985 {strides = array<i32>} : memref<128x128xf32, #tpu.memory_space<vmem>>, vector<1x16xf32>,
        %mul3A_1986 = arith.constant 16 : i32
        %mul3A_1987 = arith.muli %add3A_34, %mul3A_1986 : i32
        %add3A_1988 = arith.constant 13 : i32
        %add3A_1989 = arith.addi %mul3A_1987, %add3A_1988 : i32
        %get3A_1990 = arith.index_cast %add3A_1989 : i32 to index
        %get3A_1991 = arith.constant 32 : index
        %get3A_1992 = tpu.vector_load %arg10[%get3A_1990, %get3A_1991] {strides = array<i32>} : memref<128x128xf32, #tpu.memory_space<vmem>>, vector<1x16xf32>,
        %get3A_1993 = vector.shape_cast %get3A_1992 : vector<1x16xf32> to vector<16xf32>
        %mul3A_1994 = arith.mulf %get3A_1993, %broadcast_in_dim3A_1949 : vector<16xf32>
        %mul3A_1995 = arith.constant 16 : i32
        %mul3A_1996 = arith.muli %add3A_34, %mul3A_1995 : i32
        %add3A_1997 = arith.constant 13 : i32
        %add3A_1998 = arith.addi %mul3A_1996, %add3A_1997 : i32
        %swap3A_1999 = arith.index_cast %add3A_1998 : i32 to index
        %swap3A_2000 = arith.constant 32 : index
        %swap3A_2001 = tpu.vector_load %arg10[%swap3A_1999, %swap3A_2000] {strides = array<i32>} : memref<128x128xf32, #tpu.memory_space<vmem>>, vector<1x16xf32>,
        %swap3A_2002 = vector.shape_cast %swap3A_2001 : vector<1x16xf32> to vector<16xf32>
        %swap3A_2003 = vector.shape_cast %mul3A_1994 : vector<16xf32> to vector<1x16xf32>
        tpu.vector_store %arg10[%swap3A_1999, %swap3A_2000], %swap3A_2003 {strides = array<i32>} : memref<128x128xf32, #tpu.memory_space<vmem>>, vector<1x16xf32>,
        %mul3A_2004 = arith.constant 16 : i32
        %mul3A_2005 = arith.muli %add3A_34, %mul3A_2004 : i32
        %add3A_2006 = arith.constant 13 : i32
        %add3A_2007 = arith.addi %mul3A_2005, %add3A_2006 : i32
        %get3A_2008 = arith.index_cast %add3A_2007 : i32 to index
        %get3A_2009 = arith.constant 48 : index
        %get3A_2010 = tpu.vector_load %arg10[%get3A_2008, %get3A_2009] {strides = array<i32>} : memref<128x128xf32, #tpu.memory_space<vmem>>, vector<1x16xf32>,
        %get3A_2011 = vector.shape_cast %get3A_2010 : vector<1x16xf32> to vector<16xf32>
        %mul3A_2012 = arith.mulf %get3A_2011, %broadcast_in_dim3A_1949 : vector<16xf32>
        %mul3A_2013 = arith.constant 16 : i32
        %mul3A_2014 = arith.muli %add3A_34, %mul3A_2013 : i32
        %add3A_2015 = arith.constant 13 : i32
        %add3A_2016 = arith.addi %mul3A_2014, %add3A_2015 : i32
        %swap3A_2017 = arith.index_cast %add3A_2016 : i32 to index
        %swap3A_2018 = arith.constant 48 : index
        %swap3A_2019 = tpu.vector_load %arg10[%swap3A_2017, %swap3A_2018] {strides = array<i32>} : memref<128x128xf32, #tpu.memory_space<vmem>>, vector<1x16xf32>,
        %swap3A_2020 = vector.shape_cast %swap3A_2019 : vector<1x16xf32> to vector<16xf32>
        %swap3A_2021 = vector.shape_cast %mul3A_2012 : vector<16xf32> to vector<1x16xf32>
        tpu.vector_store %arg10[%swap3A_2017, %swap3A_2018], %swap3A_2021 {strides = array<i32>} : memref<128x128xf32, #tpu.memory_space<vmem>>, vector<1x16xf32>,
        %mul3A_2022 = arith.constant 16 : i32
        %mul3A_2023 = arith.muli %add3A_34, %mul3A_2022 : i32
        %add3A_2024 = arith.constant 13 : i32
        %add3A_2025 = arith.addi %mul3A_2023, %add3A_2024 : i32
        %get3A_2026 = arith.index_cast %add3A_2025 : i32 to index
        %get3A_2027 = arith.constant 64 : index
        %get3A_2028 = tpu.vector_load %arg10[%get3A_2026, %get3A_2027] {strides = array<i32>} : memref<128x128xf32, #tpu.memory_space<vmem>>, vector<1x16xf32>,
        %get3A_2029 = vector.shape_cast %get3A_2028 : vector<1x16xf32> to vector<16xf32>
        %mul3A_2030 = arith.mulf %get3A_2029, %broadcast_in_dim3A_1949 : vector<16xf32>
        %mul3A_2031 = arith.constant 16 : i32
        %mul3A_2032 = arith.muli %add3A_34, %mul3A_2031 : i32
        %add3A_2033 = arith.constant 13 : i32
        %add3A_2034 = arith.addi %mul3A_2032, %add3A_2033 : i32
        %swap3A_2035 = arith.index_cast %add3A_2034 : i32 to index
        %swap3A_2036 = arith.constant 64 : index
        %swap3A_2037 = tpu.vector_load %arg10[%swap3A_2035, %swap3A_2036] {strides = array<i32>} : memref<128x128xf32, #tpu.memory_space<vmem>>, vector<1x16xf32>,
        %swap3A_2038 = vector.shape_cast %swap3A_2037 : vector<1x16xf32> to vector<16xf32>
        %swap3A_2039 = vector.shape_cast %mul3A_2030 : vector<16xf32> to vector<1x16xf32>
        tpu.vector_store %arg10[%swap3A_2035, %swap3A_2036], %swap3A_2039 {strides = array<i32>} : memref<128x128xf32, #tpu.memory_space<vmem>>, vector<1x16xf32>,
        %mul3A_2040 = arith.constant 16 : i32
        %mul3A_2041 = arith.muli %add3A_34, %mul3A_2040 : i32
        %add3A_2042 = arith.constant 13 : i32
        %add3A_2043 = arith.addi %mul3A_2041, %add3A_2042 : i32
        %get3A_2044 = arith.index_cast %add3A_2043 : i32 to index
        %get3A_2045 = arith.constant 80 : index
        %get3A_2046 = tpu.vector_load %arg10[%get3A_2044, %get3A_2045] {strides = array<i32>} : memref<128x128xf32, #tpu.memory_space<vmem>>, vector<1x16xf32>,
        %get3A_2047 = vector.shape_cast %get3A_2046 : vector<1x16xf32> to vector<16xf32>
        %mul3A_2048 = arith.mulf %get3A_2047, %broadcast_in_dim3A_1949 : vector<16xf32>
        %mul3A_2049 = arith.constant 16 : i32
        %mul3A_2050 = arith.muli %add3A_34, %mul3A_2049 : i32
        %add3A_2051 = arith.constant 13 : i32
        %add3A_2052 = arith.addi %mul3A_2050, %add3A_2051 : i32
        %swap3A_2053 = arith.index_cast %add3A_2052 : i32 to index
        %swap3A_2054 = arith.constant 80 : index
        %swap3A_2055 = tpu.vector_load %arg10[%swap3A_2053, %swap3A_2054] {strides = array<i32>} : memref<128x128xf32, #tpu.memory_space<vmem>>, vector<1x16xf32>,
        %swap3A_2056 = vector.shape_cast %swap3A_2055 : vector<1x16xf32> to vector<16xf32>
        %swap3A_2057 = vector.shape_cast %mul3A_2048 : vector<16xf32> to vector<1x16xf32>
        tpu.vector_store %arg10[%swap3A_2053, %swap3A_2054], %swap3A_2057 {strides = array<i32>} : memref<128x128xf32, #tpu.memory_space<vmem>>, vector<1x16xf32>,
        %mul3A_2058 = arith.constant 16 : i32
        %mul3A_2059 = arith.muli %add3A_34, %mul3A_2058 : i32
        %add3A_2060 = arith.constant 13 : i32
        %add3A_2061 = arith.addi %mul3A_2059, %add3A_2060 : i32
        %get3A_2062 = arith.index_cast %add3A_2061 : i32 to index
        %get3A_2063 = arith.constant 96 : index
        %get3A_2064 = tpu.vector_load %arg10[%get3A_2062, %get3A_2063] {strides = array<i32>} : memref<128x128xf32, #tpu.memory_space<vmem>>, vector<1x16xf32>,
        %get3A_2065 = vector.shape_cast %get3A_2064 : vector<1x16xf32> to vector<16xf32>
        %mul3A_2066 = arith.mulf %get3A_2065, %broadcast_in_dim3A_1949 : vector<16xf32>
        %mul3A_2067 = arith.constant 16 : i32
        %mul3A_2068 = arith.muli %add3A_34, %mul3A_2067 : i32
        %add3A_2069 = arith.constant 13 : i32
        %add3A_2070 = arith.addi %mul3A_2068, %add3A_2069 : i32
        %swap3A_2071 = arith.index_cast %add3A_2070 : i32 to index
        %swap3A_2072 = arith.constant 96 : index
        %swap3A_2073 = tpu.vector_load %arg10[%swap3A_2071, %swap3A_2072] {strides = array<i32>} : memref<128x128xf32, #tpu.memory_space<vmem>>, vector<1x16xf32>,
        %swap3A_2074 = vector.shape_cast %swap3A_2073 : vector<1x16xf32> to vector<16xf32>
        %swap3A_2075 = vector.shape_cast %mul3A_2066 : vector<16xf32> to vector<1x16xf32>
        tpu.vector_store %arg10[%swap3A_2071, %swap3A_2072], %swap3A_2075 {strides = array<i32>} : memref<128x128xf32, #tpu.memory_space<vmem>>, vector<1x16xf32>,
        %mul3A_2076 = arith.constant 16 : i32
        %mul3A_2077 = arith.muli %add3A_34, %mul3A_2076 : i32
        %add3A_2078 = arith.constant 13 : i32
        %add3A_2079 = arith.addi %mul3A_2077, %add3A_2078 : i32
        %get3A_2080 = arith.index_cast %add3A_2079 : i32 to index
        %get3A_2081 = arith.constant 112 : index
        %get3A_2082 = tpu.vector_load %arg10[%get3A_2080, %get3A_2081] {strides = array<i32>} : memref<128x128xf32, #tpu.memory_space<vmem>>, vector<1x16xf32>,
        %get3A_2083 = vector.shape_cast %get3A_2082 : vector<1x16xf32> to vector<16xf32>
        %mul3A_2084 = arith.mulf %get3A_2083, %broadcast_in_dim3A_1949 : vector<16xf32>
        %mul3A_2085 = arith.constant 16 : i32
        %mul3A_2086 = arith.muli %add3A_34, %mul3A_2085 : i32
        %add3A_2087 = arith.constant 13 : i32
        %add3A_2088 = arith.addi %mul3A_2086, %add3A_2087 : i32
        %swap3A_2089 = arith.index_cast %add3A_2088 : i32 to index
        %swap3A_2090 = arith.constant 112 : index
        %swap3A_2091 = tpu.vector_load %arg10[%swap3A_2089, %swap3A_2090] {strides = array<i32>} : memref<128x128xf32, #tpu.memory_space<vmem>>, vector<1x16xf32>,
        %swap3A_2092 = vector.shape_cast %swap3A_2091 : vector<1x16xf32> to vector<16xf32>
        %swap3A_2093 = vector.shape_cast %mul3A_2084 : vector<16xf32> to vector<1x16xf32>
        tpu.vector_store %arg10[%swap3A_2089, %swap3A_2090], %swap3A_2093 {strides = array<i32>} : memref<128x128xf32, #tpu.memory_space<vmem>>, vector<1x16xf32>,
        %slice3A_2094 = vector.extract_strided_slice %get3A_39 {offsets = [14], sizes = [1], strides = [1]} : vector<16xf32> to vector<1xf32>
        %squeeze3A_2095 = vector.extract %slice3A_2094[0] : f32 from vector<1xf32>
        %broadcast_in_dim3A_2096 = vector.broadcast %squeeze3A_2095 : f32 to vector<16xf32>
        %mul3A_2097 = arith.constant 16 : i32
        %mul3A_2098 = arith.muli %add3A_34, %mul3A_2097 : i32
        %add3A_2099 = arith.constant 14 : i32
        %add3A_2100 = arith.addi %mul3A_2098, %add3A_2099 : i32
        %get3A_2101 = arith.index_cast %add3A_2100 : i32 to index
        %get3A_2102 = arith.constant 0 : index
        %get3A_2103 = tpu.vector_load %arg10[%get3A_2101, %get3A_2102] {strides = array<i32>} : memref<128x128xf32, #tpu.memory_space<vmem>>, vector<1x16xf32>,
        %get3A_2104 = vector.shape_cast %get3A_2103 : vector<1x16xf32> to vector<16xf32>
        %mul3A_2105 = arith.mulf %get3A_2104, %broadcast_in_dim3A_2096 : vector<16xf32>
        %mul3A_2106 = arith.constant 16 : i32
        %mul3A_2107 = arith.muli %add3A_34, %mul3A_2106 : i32
        %add3A_2108 = arith.constant 14 : i32
        %add3A_2109 = arith.addi %mul3A_2107, %add3A_2108 : i32
        %swap3A_2110 = arith.index_cast %add3A_2109 : i32 to index
        %swap3A_2111 = arith.constant 0 : index
        %swap3A_2112 = tpu.vector_load %arg10[%swap3A_2110, %swap3A_2111] {strides = array<i32>} : memref<128x128xf32, #tpu.memory_space<vmem>>, vector<1x16xf32>,
        %swap3A_2113 = vector.shape_cast %swap3A_2112 : vector<1x16xf32> to vector<16xf32>
        %swap3A_2114 = vector.shape_cast %mul3A_2105 : vector<16xf32> to vector<1x16xf32>
        tpu.vector_store %arg10[%swap3A_2110, %swap3A_2111], %swap3A_2114 {strides = array<i32>} : memref<128x128xf32, #tpu.memory_space<vmem>>, vector<1x16xf32>,
        %mul3A_2115 = arith.constant 16 : i32
        %mul3A_2116 = arith.muli %add3A_34, %mul3A_2115 : i32
        %add3A_2117 = arith.constant 14 : i32
        %add3A_2118 = arith.addi %mul3A_2116, %add3A_2117 : i32
        %get3A_2119 = arith.index_cast %add3A_2118 : i32 to index
        %get3A_2120 = arith.constant 16 : index
        %get3A_2121 = tpu.vector_load %arg10[%get3A_2119, %get3A_2120] {strides = array<i32>} : memref<128x128xf32, #tpu.memory_space<vmem>>, vector<1x16xf32>,
        %get3A_2122 = vector.shape_cast %get3A_2121 : vector<1x16xf32> to vector<16xf32>
        %mul3A_2123 = arith.mulf %get3A_2122, %broadcast_in_dim3A_2096 : vector<16xf32>
        %mul3A_2124 = arith.constant 16 : i32
        %mul3A_2125 = arith.muli %add3A_34, %mul3A_2124 : i32
        %add3A_2126 = arith.constant 14 : i32
        %add3A_2127 = arith.addi %mul3A_2125, %add3A_2126 : i32
        %swap3A_2128 = arith.index_cast %add3A_2127 : i32 to index
        %swap3A_2129 = arith.constant 16 : index
        %swap3A_2130 = tpu.vector_load %arg10[%swap3A_2128, %swap3A_2129] {strides = array<i32>} : memref<128x128xf32, #tpu.memory_space<vmem>>, vector<1x16xf32>,
        %swap3A_2131 = vector.shape_cast %swap3A_2130 : vector<1x16xf32> to vector<16xf32>
        %swap3A_2132 = vector.shape_cast %mul3A_2123 : vector<16xf32> to vector<1x16xf32>
        tpu.vector_store %arg10[%swap3A_2128, %swap3A_2129], %swap3A_2132 {strides = array<i32>} : memref<128x128xf32, #tpu.memory_space<vmem>>, vector<1x16xf32>,
        %mul3A_2133 = arith.constant 16 : i32
        %mul3A_2134 = arith.muli %add3A_34, %mul3A_2133 : i32
        %add3A_2135 = arith.constant 14 : i32
        %add3A_2136 = arith.addi %mul3A_2134, %add3A_2135 : i32
        %get3A_2137 = arith.index_cast %add3A_2136 : i32 to index
        %get3A_2138 = arith.constant 32 : index
        %get3A_2139 = tpu.vector_load %arg10[%get3A_2137, %get3A_2138] {strides = array<i32>} : memref<128x128xf32, #tpu.memory_space<vmem>>, vector<1x16xf32>,
        %get3A_2140 = vector.shape_cast %get3A_2139 : vector<1x16xf32> to vector<16xf32>
        %mul3A_2141 = arith.mulf %get3A_2140, %broadcast_in_dim3A_2096 : vector<16xf32>
        %mul3A_2142 = arith.constant 16 : i32
        %mul3A_2143 = arith.muli %add3A_34, %mul3A_2142 : i32
        %add3A_2144 = arith.constant 14 : i32
        %add3A_2145 = arith.addi %mul3A_2143, %add3A_2144 : i32
        %swap3A_2146 = arith.index_cast %add3A_2145 : i32 to index
        %swap3A_2147 = arith.constant 32 : index
        %swap3A_2148 = tpu.vector_load %arg10[%swap3A_2146, %swap3A_2147] {strides = array<i32>} : memref<128x128xf32, #tpu.memory_space<vmem>>, vector<1x16xf32>,
        %swap3A_2149 = vector.shape_cast %swap3A_2148 : vector<1x16xf32> to vector<16xf32>
        %swap3A_2150 = vector.shape_cast %mul3A_2141 : vector<16xf32> to vector<1x16xf32>
        tpu.vector_store %arg10[%swap3A_2146, %swap3A_2147], %swap3A_2150 {strides = array<i32>} : memref<128x128xf32, #tpu.memory_space<vmem>>, vector<1x16xf32>,
        %mul3A_2151 = arith.constant 16 : i32
        %mul3A_2152 = arith.muli %add3A_34, %mul3A_2151 : i32
        %add3A_2153 = arith.constant 14 : i32
        %add3A_2154 = arith.addi %mul3A_2152, %add3A_2153 : i32
        %get3A_2155 = arith.index_cast %add3A_2154 : i32 to index
        %get3A_2156 = arith.constant 48 : index
        %get3A_2157 = tpu.vector_load %arg10[%get3A_2155, %get3A_2156] {strides = array<i32>} : memref<128x128xf32, #tpu.memory_space<vmem>>, vector<1x16xf32>,
        %get3A_2158 = vector.shape_cast %get3A_2157 : vector<1x16xf32> to vector<16xf32>
        %mul3A_2159 = arith.mulf %get3A_2158, %broadcast_in_dim3A_2096 : vector<16xf32>
        %mul3A_2160 = arith.constant 16 : i32
        %mul3A_2161 = arith.muli %add3A_34, %mul3A_2160 : i32
        %add3A_2162 = arith.constant 14 : i32
        %add3A_2163 = arith.addi %mul3A_2161, %add3A_2162 : i32
        %swap3A_2164 = arith.index_cast %add3A_2163 : i32 to index
        %swap3A_2165 = arith.constant 48 : index
        %swap3A_2166 = tpu.vector_load %arg10[%swap3A_2164, %swap3A_2165] {strides = array<i32>} : memref<128x128xf32, #tpu.memory_space<vmem>>, vector<1x16xf32>,
        %swap3A_2167 = vector.shape_cast %swap3A_2166 : vector<1x16xf32> to vector<16xf32>
        %swap3A_2168 = vector.shape_cast %mul3A_2159 : vector<16xf32> to vector<1x16xf32>
        tpu.vector_store %arg10[%swap3A_2164, %swap3A_2165], %swap3A_2168 {strides = array<i32>} : memref<128x128xf32, #tpu.memory_space<vmem>>, vector<1x16xf32>,
        %mul3A_2169 = arith.constant 16 : i32
        %mul3A_2170 = arith.muli %add3A_34, %mul3A_2169 : i32
        %add3A_2171 = arith.constant 14 : i32
        %add3A_2172 = arith.addi %mul3A_2170, %add3A_2171 : i32
        %get3A_2173 = arith.index_cast %add3A_2172 : i32 to index
        %get3A_2174 = arith.constant 64 : index
        %get3A_2175 = tpu.vector_load %arg10[%get3A_2173, %get3A_2174] {strides = array<i32>} : memref<128x128xf32, #tpu.memory_space<vmem>>, vector<1x16xf32>,
        %get3A_2176 = vector.shape_cast %get3A_2175 : vector<1x16xf32> to vector<16xf32>
        %mul3A_2177 = arith.mulf %get3A_2176, %broadcast_in_dim3A_2096 : vector<16xf32>
        %mul3A_2178 = arith.constant 16 : i32
        %mul3A_2179 = arith.muli %add3A_34, %mul3A_2178 : i32
        %add3A_2180 = arith.constant 14 : i32
        %add3A_2181 = arith.addi %mul3A_2179, %add3A_2180 : i32
        %swap3A_2182 = arith.index_cast %add3A_2181 : i32 to index
        %swap3A_2183 = arith.constant 64 : index
        %swap3A_2184 = tpu.vector_load %arg10[%swap3A_2182, %swap3A_2183] {strides = array<i32>} : memref<128x128xf32, #tpu.memory_space<vmem>>, vector<1x16xf32>,
        %swap3A_2185 = vector.shape_cast %swap3A_2184 : vector<1x16xf32> to vector<16xf32>
        %swap3A_2186 = vector.shape_cast %mul3A_2177 : vector<16xf32> to vector<1x16xf32>
        tpu.vector_store %arg10[%swap3A_2182, %swap3A_2183], %swap3A_2186 {strides = array<i32>} : memref<128x128xf32, #tpu.memory_space<vmem>>, vector<1x16xf32>,
        %mul3A_2187 = arith.constant 16 : i32
        %mul3A_2188 = arith.muli %add3A_34, %mul3A_2187 : i32
        %add3A_2189 = arith.constant 14 : i32
        %add3A_2190 = arith.addi %mul3A_2188, %add3A_2189 : i32
        %get3A_2191 = arith.index_cast %add3A_2190 : i32 to index
        %get3A_2192 = arith.constant 80 : index
        %get3A_2193 = tpu.vector_load %arg10[%get3A_2191, %get3A_2192] {strides = array<i32>} : memref<128x128xf32, #tpu.memory_space<vmem>>, vector<1x16xf32>,
        %get3A_2194 = vector.shape_cast %get3A_2193 : vector<1x16xf32> to vector<16xf32>
        %mul3A_2195 = arith.mulf %get3A_2194, %broadcast_in_dim3A_2096 : vector<16xf32>
        %mul3A_2196 = arith.constant 16 : i32
        %mul3A_2197 = arith.muli %add3A_34, %mul3A_2196 : i32
        %add3A_2198 = arith.constant 14 : i32
        %add3A_2199 = arith.addi %mul3A_2197, %add3A_2198 : i32
        %swap3A_2200 = arith.index_cast %add3A_2199 : i32 to index
        %swap3A_2201 = arith.constant 80 : index
        %swap3A_2202 = tpu.vector_load %arg10[%swap3A_2200, %swap3A_2201] {strides = array<i32>} : memref<128x128xf32, #tpu.memory_space<vmem>>, vector<1x16xf32>,
        %swap3A_2203 = vector.shape_cast %swap3A_2202 : vector<1x16xf32> to vector<16xf32>
        %swap3A_2204 = vector.shape_cast %mul3A_2195 : vector<16xf32> to vector<1x16xf32>
        tpu.vector_store %arg10[%swap3A_2200, %swap3A_2201], %swap3A_2204 {strides = array<i32>} : memref<128x128xf32, #tpu.memory_space<vmem>>, vector<1x16xf32>,
        %mul3A_2205 = arith.constant 16 : i32
        %mul3A_2206 = arith.muli %add3A_34, %mul3A_2205 : i32
        %add3A_2207 = arith.constant 14 : i32
        %add3A_2208 = arith.addi %mul3A_2206, %add3A_2207 : i32
        %get3A_2209 = arith.index_cast %add3A_2208 : i32 to index
        %get3A_2210 = arith.constant 96 : index
        %get3A_2211 = tpu.vector_load %arg10[%get3A_2209, %get3A_2210] {strides = array<i32>} : memref<128x128xf32, #tpu.memory_space<vmem>>, vector<1x16xf32>,
        %get3A_2212 = vector.shape_cast %get3A_2211 : vector<1x16xf32> to vector<16xf32>
        %mul3A_2213 = arith.mulf %get3A_2212, %broadcast_in_dim3A_2096 : vector<16xf32>
        %mul3A_2214 = arith.constant 16 : i32
        %mul3A_2215 = arith.muli %add3A_34, %mul3A_2214 : i32
        %add3A_2216 = arith.constant 14 : i32
        %add3A_2217 = arith.addi %mul3A_2215, %add3A_2216 : i32
        %swap3A_2218 = arith.index_cast %add3A_2217 : i32 to index
        %swap3A_2219 = arith.constant 96 : index
        %swap3A_2220 = tpu.vector_load %arg10[%swap3A_2218, %swap3A_2219] {strides = array<i32>} : memref<128x128xf32, #tpu.memory_space<vmem>>, vector<1x16xf32>,
        %swap3A_2221 = vector.shape_cast %swap3A_2220 : vector<1x16xf32> to vector<16xf32>
        %swap3A_2222 = vector.shape_cast %mul3A_2213 : vector<16xf32> to vector<1x16xf32>
        tpu.vector_store %arg10[%swap3A_2218, %swap3A_2219], %swap3A_2222 {strides = array<i32>} : memref<128x128xf32, #tpu.memory_space<vmem>>, vector<1x16xf32>,
        %mul3A_2223 = arith.constant 16 : i32
        %mul3A_2224 = arith.muli %add3A_34, %mul3A_2223 : i32
        %add3A_2225 = arith.constant 14 : i32
        %add3A_2226 = arith.addi %mul3A_2224, %add3A_2225 : i32
        %get3A_2227 = arith.index_cast %add3A_2226 : i32 to index
        %get3A_2228 = arith.constant 112 : index
        %get3A_2229 = tpu.vector_load %arg10[%get3A_2227, %get3A_2228] {strides = array<i32>} : memref<128x128xf32, #tpu.memory_space<vmem>>, vector<1x16xf32>,
        %get3A_2230 = vector.shape_cast %get3A_2229 : vector<1x16xf32> to vector<16xf32>
        %mul3A_2231 = arith.mulf %get3A_2230, %broadcast_in_dim3A_2096 : vector<16xf32>
        %mul3A_2232 = arith.constant 16 : i32
        %mul3A_2233 = arith.muli %add3A_34, %mul3A_2232 : i32
        %add3A_2234 = arith.constant 14 : i32
        %add3A_2235 = arith.addi %mul3A_2233, %add3A_2234 : i32
        %swap3A_2236 = arith.index_cast %add3A_2235 : i32 to index
        %swap3A_2237 = arith.constant 112 : index
        %swap3A_2238 = tpu.vector_load %arg10[%swap3A_2236, %swap3A_2237] {strides = array<i32>} : memref<128x128xf32, #tpu.memory_space<vmem>>, vector<1x16xf32>,
        %swap3A_2239 = vector.shape_cast %swap3A_2238 : vector<1x16xf32> to vector<16xf32>
        %swap3A_2240 = vector.shape_cast %mul3A_2231 : vector<16xf32> to vector<1x16xf32>
        tpu.vector_store %arg10[%swap3A_2236, %swap3A_2237], %swap3A_2240 {strides = array<i32>} : memref<128x128xf32, #tpu.memory_space<vmem>>, vector<1x16xf32>,
        %slice3A_2241 = vector.extract_strided_slice %get3A_39 {offsets = [15], sizes = [1], strides = [1]} : vector<16xf32> to vector<1xf32>
        %squeeze3A_2242 = vector.extract %slice3A_2241[0] : f32 from vector<1xf32>
        %broadcast_in_dim3A_2243 = vector.broadcast %squeeze3A_2242 : f32 to vector<16xf32>
        %mul3A_2244 = arith.constant 16 : i32
        %mul3A_2245 = arith.muli %add3A_34, %mul3A_2244 : i32
        %add3A_2246 = arith.constant 15 : i32
        %add3A_2247 = arith.addi %mul3A_2245, %add3A_2246 : i32
        %get3A_2248 = arith.index_cast %add3A_2247 : i32 to index
        %get3A_2249 = arith.constant 0 : index
        %get3A_2250 = tpu.vector_load %arg10[%get3A_2248, %get3A_2249] {strides = array<i32>} : memref<128x128xf32, #tpu.memory_space<vmem>>, vector<1x16xf32>,
        %get3A_2251 = vector.shape_cast %get3A_2250 : vector<1x16xf32> to vector<16xf32>
        %mul3A_2252 = arith.mulf %get3A_2251, %broadcast_in_dim3A_2243 : vector<16xf32>
        %mul3A_2253 = arith.constant 16 : i32
        %mul3A_2254 = arith.muli %add3A_34, %mul3A_2253 : i32
        %add3A_2255 = arith.constant 15 : i32
        %add3A_2256 = arith.addi %mul3A_2254, %add3A_2255 : i32
        %swap3A_2257 = arith.index_cast %add3A_2256 : i32 to index
        %swap3A_2258 = arith.constant 0 : index
        %swap3A_2259 = tpu.vector_load %arg10[%swap3A_2257, %swap3A_2258] {strides = array<i32>} : memref<128x128xf32, #tpu.memory_space<vmem>>, vector<1x16xf32>,
        %swap3A_2260 = vector.shape_cast %swap3A_2259 : vector<1x16xf32> to vector<16xf32>
        %swap3A_2261 = vector.shape_cast %mul3A_2252 : vector<16xf32> to vector<1x16xf32>
        tpu.vector_store %arg10[%swap3A_2257, %swap3A_2258], %swap3A_2261 {strides = array<i32>} : memref<128x128xf32, #tpu.memory_space<vmem>>, vector<1x16xf32>,
        %mul3A_2262 = arith.constant 16 : i32
        %mul3A_2263 = arith.muli %add3A_34, %mul3A_2262 : i32
        %add3A_2264 = arith.constant 15 : i32
        %add3A_2265 = arith.addi %mul3A_2263, %add3A_2264 : i32
        %get3A_2266 = arith.index_cast %add3A_2265 : i32 to index
        %get3A_2267 = arith.constant 16 : index
        %get3A_2268 = tpu.vector_load %arg10[%get3A_2266, %get3A_2267] {strides = array<i32>} : memref<128x128xf32, #tpu.memory_space<vmem>>, vector<1x16xf32>,
        %get3A_2269 = vector.shape_cast %get3A_2268 : vector<1x16xf32> to vector<16xf32>
        %mul3A_2270 = arith.mulf %get3A_2269, %broadcast_in_dim3A_2243 : vector<16xf32>
        %mul3A_2271 = arith.constant 16 : i32
        %mul3A_2272 = arith.muli %add3A_34, %mul3A_2271 : i32
        %add3A_2273 = arith.constant 15 : i32
        %add3A_2274 = arith.addi %mul3A_2272, %add3A_2273 : i32
        %swap3A_2275 = arith.index_cast %add3A_2274 : i32 to index
        %swap3A_2276 = arith.constant 16 : index
        %swap3A_2277 = tpu.vector_load %arg10[%swap3A_2275, %swap3A_2276] {strides = array<i32>} : memref<128x128xf32, #tpu.memory_space<vmem>>, vector<1x16xf32>,
        %swap3A_2278 = vector.shape_cast %swap3A_2277 : vector<1x16xf32> to vector<16xf32>
        %swap3A_2279 = vector.shape_cast %mul3A_2270 : vector<16xf32> to vector<1x16xf32>
        tpu.vector_store %arg10[%swap3A_2275, %swap3A_2276], %swap3A_2279 {strides = array<i32>} : memref<128x128xf32, #tpu.memory_space<vmem>>, vector<1x16xf32>,
        %mul3A_2280 = arith.constant 16 : i32
        %mul3A_2281 = arith.muli %add3A_34, %mul3A_2280 : i32
        %add3A_2282 = arith.constant 15 : i32
        %add3A_2283 = arith.addi %mul3A_2281, %add3A_2282 : i32
        %get3A_2284 = arith.index_cast %add3A_2283 : i32 to index
        %get3A_2285 = arith.constant 32 : index
        %get3A_2286 = tpu.vector_load %arg10[%get3A_2284, %get3A_2285] {strides = array<i32>} : memref<128x128xf32, #tpu.memory_space<vmem>>, vector<1x16xf32>,
        %get3A_2287 = vector.shape_cast %get3A_2286 : vector<1x16xf32> to vector<16xf32>
        %mul3A_2288 = arith.mulf %get3A_2287, %broadcast_in_dim3A_2243 : vector<16xf32>
        %mul3A_2289 = arith.constant 16 : i32
        %mul3A_2290 = arith.muli %add3A_34, %mul3A_2289 : i32
        %add3A_2291 = arith.constant 15 : i32
        %add3A_2292 = arith.addi %mul3A_2290, %add3A_2291 : i32
        %swap3A_2293 = arith.index_cast %add3A_2292 : i32 to index
        %swap3A_2294 = arith.constant 32 : index
        %swap3A_2295 = tpu.vector_load %arg10[%swap3A_2293, %swap3A_2294] {strides = array<i32>} : memref<128x128xf32, #tpu.memory_space<vmem>>, vector<1x16xf32>,
        %swap3A_2296 = vector.shape_cast %swap3A_2295 : vector<1x16xf32> to vector<16xf32>
        %swap3A_2297 = vector.shape_cast %mul3A_2288 : vector<16xf32> to vector<1x16xf32>
        tpu.vector_store %arg10[%swap3A_2293, %swap3A_2294], %swap3A_2297 {strides = array<i32>} : memref<128x128xf32, #tpu.memory_space<vmem>>, vector<1x16xf32>,
        %mul3A_2298 = arith.constant 16 : i32
        %mul3A_2299 = arith.muli %add3A_34, %mul3A_2298 : i32
        %add3A_2300 = arith.constant 15 : i32
        %add3A_2301 = arith.addi %mul3A_2299, %add3A_2300 : i32
        %get3A_2302 = arith.index_cast %add3A_2301 : i32 to index
        %get3A_2303 = arith.constant 48 : index
        %get3A_2304 = tpu.vector_load %arg10[%get3A_2302, %get3A_2303] {strides = array<i32>} : memref<128x128xf32, #tpu.memory_space<vmem>>, vector<1x16xf32>,
        %get3A_2305 = vector.shape_cast %get3A_2304 : vector<1x16xf32> to vector<16xf32>
        %mul3A_2306 = arith.mulf %get3A_2305, %broadcast_in_dim3A_2243 : vector<16xf32>
        %mul3A_2307 = arith.constant 16 : i32
        %mul3A_2308 = arith.muli %add3A_34, %mul3A_2307 : i32
        %add3A_2309 = arith.constant 15 : i32
        %add3A_2310 = arith.addi %mul3A_2308, %add3A_2309 : i32
        %swap3A_2311 = arith.index_cast %add3A_2310 : i32 to index
        %swap3A_2312 = arith.constant 48 : index
        %swap3A_2313 = tpu.vector_load %arg10[%swap3A_2311, %swap3A_2312] {strides = array<i32>} : memref<128x128xf32, #tpu.memory_space<vmem>>, vector<1x16xf32>,
        %swap3A_2314 = vector.shape_cast %swap3A_2313 : vector<1x16xf32> to vector<16xf32>
        %swap3A_2315 = vector.shape_cast %mul3A_2306 : vector<16xf32> to vector<1x16xf32>
        tpu.vector_store %arg10[%swap3A_2311, %swap3A_2312], %swap3A_2315 {strides = array<i32>} : memref<128x128xf32, #tpu.memory_space<vmem>>, vector<1x16xf32>,
        %mul3A_2316 = arith.constant 16 : i32
        %mul3A_2317 = arith.muli %add3A_34, %mul3A_2316 : i32
        %add3A_2318 = arith.constant 15 : i32
        %add3A_2319 = arith.addi %mul3A_2317, %add3A_2318 : i32
        %get3A_2320 = arith.index_cast %add3A_2319 : i32 to index
        %get3A_2321 = arith.constant 64 : index
        %get3A_2322 = tpu.vector_load %arg10[%get3A_2320, %get3A_2321] {strides = array<i32>} : memref<128x128xf32, #tpu.memory_space<vmem>>, vector<1x16xf32>,
        %get3A_2323 = vector.shape_cast %get3A_2322 : vector<1x16xf32> to vector<16xf32>
        %mul3A_2324 = arith.mulf %get3A_2323, %broadcast_in_dim3A_2243 : vector<16xf32>
        %mul3A_2325 = arith.constant 16 : i32
        %mul3A_2326 = arith.muli %add3A_34, %mul3A_2325 : i32
        %add3A_2327 = arith.constant 15 : i32
        %add3A_2328 = arith.addi %mul3A_2326, %add3A_2327 : i32
        %swap3A_2329 = arith.index_cast %add3A_2328 : i32 to index
        %swap3A_2330 = arith.constant 64 : index
        %swap3A_2331 = tpu.vector_load %arg10[%swap3A_2329, %swap3A_2330] {strides = array<i32>} : memref<128x128xf32, #tpu.memory_space<vmem>>, vector<1x16xf32>,
        %swap3A_2332 = vector.shape_cast %swap3A_2331 : vector<1x16xf32> to vector<16xf32>
        %swap3A_2333 = vector.shape_cast %mul3A_2324 : vector<16xf32> to vector<1x16xf32>
        tpu.vector_store %arg10[%swap3A_2329, %swap3A_2330], %swap3A_2333 {strides = array<i32>} : memref<128x128xf32, #tpu.memory_space<vmem>>, vector<1x16xf32>,
        %mul3A_2334 = arith.constant 16 : i32
        %mul3A_2335 = arith.muli %add3A_34, %mul3A_2334 : i32
        %add3A_2336 = arith.constant 15 : i32
        %add3A_2337 = arith.addi %mul3A_2335, %add3A_2336 : i32
        %get3A_2338 = arith.index_cast %add3A_2337 : i32 to index
        %get3A_2339 = arith.constant 80 : index
        %get3A_2340 = tpu.vector_load %arg10[%get3A_2338, %get3A_2339] {strides = array<i32>} : memref<128x128xf32, #tpu.memory_space<vmem>>, vector<1x16xf32>,
        %get3A_2341 = vector.shape_cast %get3A_2340 : vector<1x16xf32> to vector<16xf32>
        %mul3A_2342 = arith.mulf %get3A_2341, %broadcast_in_dim3A_2243 : vector<16xf32>
        %mul3A_2343 = arith.constant 16 : i32
        %mul3A_2344 = arith.muli %add3A_34, %mul3A_2343 : i32
        %add3A_2345 = arith.constant 15 : i32
        %add3A_2346 = arith.addi %mul3A_2344, %add3A_2345 : i32
        %swap3A_2347 = arith.index_cast %add3A_2346 : i32 to index
        %swap3A_2348 = arith.constant 80 : index
        %swap3A_2349 = tpu.vector_load %arg10[%swap3A_2347, %swap3A_2348] {strides = array<i32>} : memref<128x128xf32, #tpu.memory_space<vmem>>, vector<1x16xf32>,
        %swap3A_2350 = vector.shape_cast %swap3A_2349 : vector<1x16xf32> to vector<16xf32>
        %swap3A_2351 = vector.shape_cast %mul3A_2342 : vector<16xf32> to vector<1x16xf32>
        tpu.vector_store %arg10[%swap3A_2347, %swap3A_2348], %swap3A_2351 {strides = array<i32>} : memref<128x128xf32, #tpu.memory_space<vmem>>, vector<1x16xf32>,
        %mul3A_2352 = arith.constant 16 : i32
        %mul3A_2353 = arith.muli %add3A_34, %mul3A_2352 : i32
        %add3A_2354 = arith.constant 15 : i32
        %add3A_2355 = arith.addi %mul3A_2353, %add3A_2354 : i32
        %get3A_2356 = arith.index_cast %add3A_2355 : i32 to index
        %get3A_2357 = arith.constant 96 : index
        %get3A_2358 = tpu.vector_load %arg10[%get3A_2356, %get3A_2357] {strides = array<i32>} : memref<128x128xf32, #tpu.memory_space<vmem>>, vector<1x16xf32>,
        %get3A_2359 = vector.shape_cast %get3A_2358 : vector<1x16xf32> to vector<16xf32>
        %mul3A_2360 = arith.mulf %get3A_2359, %broadcast_in_dim3A_2243 : vector<16xf32>
        %mul3A_2361 = arith.constant 16 : i32
        %mul3A_2362 = arith.muli %add3A_34, %mul3A_2361 : i32
        %add3A_2363 = arith.constant 15 : i32
        %add3A_2364 = arith.addi %mul3A_2362, %add3A_2363 : i32
        %swap3A_2365 = arith.index_cast %add3A_2364 : i32 to index
        %swap3A_2366 = arith.constant 96 : index
        %swap3A_2367 = tpu.vector_load %arg10[%swap3A_2365, %swap3A_2366] {strides = array<i32>} : memref<128x128xf32, #tpu.memory_space<vmem>>, vector<1x16xf32>,
        %swap3A_2368 = vector.shape_cast %swap3A_2367 : vector<1x16xf32> to vector<16xf32>
        %swap3A_2369 = vector.shape_cast %mul3A_2360 : vector<16xf32> to vector<1x16xf32>
        tpu.vector_store %arg10[%swap3A_2365, %swap3A_2366], %swap3A_2369 {strides = array<i32>} : memref<128x128xf32, #tpu.memory_space<vmem>>, vector<1x16xf32>,
        %mul3A_2370 = arith.constant 16 : i32
        %mul3A_2371 = arith.muli %add3A_34, %mul3A_2370 : i32
        %add3A_2372 = arith.constant 15 : i32
        %add3A_2373 = arith.addi %mul3A_2371, %add3A_2372 : i32
        %get3A_2374 = arith.index_cast %add3A_2373 : i32 to index
        %get3A_2375 = arith.constant 112 : index
        %get3A_2376 = tpu.vector_load %arg10[%get3A_2374, %get3A_2375] {strides = array<i32>} : memref<128x128xf32, #tpu.memory_space<vmem>>, vector<1x16xf32>,
        %get3A_2377 = vector.shape_cast %get3A_2376 : vector<1x16xf32> to vector<16xf32>
        %mul3A_2378 = arith.mulf %get3A_2377, %broadcast_in_dim3A_2243 : vector<16xf32>
        %mul3A_2379 = arith.constant 16 : i32
        %mul3A_2380 = arith.muli %add3A_34, %mul3A_2379 : i32
        %add3A_2381 = arith.constant 15 : i32
        %add3A_2382 = arith.addi %mul3A_2380, %add3A_2381 : i32
        %swap3A_2383 = arith.index_cast %add3A_2382 : i32 to index
        %swap3A_2384 = arith.constant 112 : index
        %swap3A_2385 = tpu.vector_load %arg10[%swap3A_2383, %swap3A_2384] {strides = array<i32>} : memref<128x128xf32, #tpu.memory_space<vmem>>, vector<1x16xf32>,
        %swap3A_2386 = vector.shape_cast %swap3A_2385 : vector<1x16xf32> to vector<16xf32>
        %swap3A_2387 = vector.shape_cast %mul3A_2378 : vector<16xf32> to vector<1x16xf32>
        tpu.vector_store %arg10[%swap3A_2383, %swap3A_2384], %swap3A_2387 {strides = array<i32>} : memref<128x128xf32, #tpu.memory_space<vmem>>, vector<1x16xf32>,
      }
      %scan3A_29 = arith.constant 8 : i32
      "tpu.region"() ({
        %run_scoped3A = tpu.sem_alloc : memref<!tpu.dma_semaphore, #tpu.memory_space<semaphore_mem>>
        %dma_start3A = arith.constant 0 : i32
        %dma_start3A_30 = tpu.memref_slice %arg8[%add3A_24, %dma_start3A] : memref<79x128xi32, #tpu.memory_space<vmem>> -> memref<1x128xi32, #tpu.memory_space<vmem>>
        %dma_start3A_31 = tpu.memref_squeeze %dma_start3A_30 : memref<1x128xi32, #tpu.memory_space<vmem>> -> memref<128xi32, #tpu.memory_space<vmem>>
        %dma_start3A_32 = arith.constant 0 : i32
        %dma_start3A_33 = arith.constant 0 : i32
        %dma_start3A_34 = tpu.memref_slice %arg11[%dma_start3A_32, %dma_start3A_33] : memref<10240x128xf32, #tpu.memory_space<vmem_shared>> -> memref<10240x128xf32, #tpu.memory_space<vmem_shared>>
        tpu.enqueue_indirect_dma source(%arg10 : memref<128x128xf32, #tpu.memory_space<vmem>>) target(%dma_start3A_34 : memref<10240x128xf32, #tpu.memory_space<vmem_shared>>) offsets(%dma_start3A_31 : memref<128xi32, #tpu.memory_space<vmem>>) semaphore(%run_scoped3A : memref<!tpu.dma_semaphore, #tpu.memory_space<semaphore_mem>>) {add = true}
        %dma_wait3A = arith.constant 0 : i32
        %dma_wait3A_35 = tpu.memref_slice %arg8[%add3A_24, %dma_wait3A] : memref<79x128xi32, #tpu.memory_space<vmem>> -> memref<1x128xi32, #tpu.memory_space<vmem>>
        %dma_wait3A_36 = tpu.memref_squeeze %dma_wait3A_35 : memref<1x128xi32, #tpu.memory_space<vmem>> -> memref<128xi32, #tpu.memory_space<vmem>>
        %dma_wait3A_37 = arith.constant 0 : i32
        %dma_wait3A_38 = arith.constant 0 : i32
        %dma_wait3A_39 = tpu.memref_slice %arg11[%dma_wait3A_37, %dma_wait3A_38] : memref<10240x128xf32, #tpu.memory_space<vmem_shared>> -> memref<10240x128xf32, #tpu.memory_space<vmem_shared>>
        tpu.wait_indirect_dma semaphore(%run_scoped3A : memref<!tpu.dma_semaphore, #tpu.memory_space<semaphore_mem>>) src(%arg10 : memref<128x128xf32, #tpu.memory_space<vmem>>) dst(%dma_wait3A_39 : memref<10240x128xf32, #tpu.memory_space<vmem_shared>>)
        tpu.yield
      }) : () -> ()
    }
    %scan3A_14 = arith.constant 79 : i32
    %barrier3A_15 = arith.constant 0 : index
    tpu.barrier barrier_id(%barrier3A_15)
    %mul3A_16 = arith.constant 640 : i32
    %mul3A_17 = arith.muli %arg1, %mul3A_16 : i32
    %mul3A_18 = arith.constant 640 : i32
    %mul3A_19 = arith.muli %arg1, %mul3A_18 : i32
    "tpu.region"() ({
      %run_scoped3A = tpu.sem_alloc : memref<!tpu.dma_semaphore, #tpu.memory_space<semaphore_mem>>
      %dma_start3A = arith.constant 0 : i32
      %dma_start3A_20 = tpu.memref_slice %arg6[%arg0, %mul3A_19, %dma_start3A] : memref<2x10240x128xf32, #tpu.memory_space<hbm>> -> memref<1x640x128xf32, #tpu.memory_space<hbm>>
      %dma_start3A_21 = tpu.memref_squeeze %dma_start3A_20 : memref<1x640x128xf32, #tpu.memory_space<hbm>> -> memref<640x128xf32, #tpu.memory_space<hbm>>
      %dma_start3A_22 = arith.constant 0 : i32
      %dma_start3A_23 = tpu.memref_slice %arg11[%mul3A_17, %dma_start3A_22] : memref<10240x128xf32, #tpu.memory_space<vmem_shared>> -> memref<640x128xf32, #tpu.memory_space<vmem_shared>>
      tpu.enqueue_dma source(%dma_start3A_23 : memref<640x128xf32, #tpu.memory_space<vmem_shared>>) target(%dma_start3A_21 : memref<640x128xf32, #tpu.memory_space<hbm>>) target_semaphore(%run_scoped3A : memref<!tpu.dma_semaphore, #tpu.memory_space<semaphore_mem>>)
      %dma_wait3A = arith.constant 0 : i32
      %dma_wait3A_24 = tpu.memref_slice %arg6[%arg0, %mul3A_19, %dma_wait3A] : memref<2x10240x128xf32, #tpu.memory_space<hbm>> -> memref<1x640x128xf32, #tpu.memory_space<hbm>>
      %dma_wait3A_25 = tpu.memref_squeeze %dma_wait3A_24 : memref<1x640x128xf32, #tpu.memory_space<hbm>> -> memref<640x128xf32, #tpu.memory_space<hbm>>
      %dma_wait3A_26 = arith.constant 0 : i32
      %dma_wait3A_27 = tpu.memref_slice %arg11[%mul3A_17, %dma_wait3A_26] : memref<10240x128xf32, #tpu.memory_space<vmem_shared>> -> memref<640x128xf32, #tpu.memory_space<vmem_shared>>
      tpu.wait_dma2 semaphore(%run_scoped3A : memref<!tpu.dma_semaphore, #tpu.memory_space<semaphore_mem>>) src(%dma_wait3A_27 : memref<640x128xf32, #tpu.memory_space<vmem_shared>>) dst(%dma_wait3A_25 : memref<640x128xf32, #tpu.memory_space<hbm>>)
      tpu.yield
    }) : () -> ()
    return
  }
}

module attributes {stable_mosaic.version = 14 : i64} {
  func.func @body(%arg0: i32, %arg1: memref<2x2048x128xf32, #tpu.memory_space<vmem>>, %arg2: memref<128x128xf32, #tpu.memory_space<vmem>>, %arg3: memref<1x128xf32, #tpu.memory_space<vmem>>, %arg4: memref<2048x128xf32, #tpu.memory_space<vmem>>) attributes {dimension_semantics = [#tpu.dimension_semantics<arbitrary>], iteration_bounds = array<i64: 5>, scalar_prefetch = 0 : i64, scratch_operands = 0 : i64, tpu.core_type = #tpu.core_type<tc>, window_params = [{transform_indices = @transform_0, window_bounds = array<i64: 2, 2048, 128>}, {pipeline_mode = #tpu.pipeline_mode<synchronous>, transform_indices = @transform_1, window_bounds = array<i64: 128, 128>}, {pipeline_mode = #tpu.pipeline_mode<synchronous>, transform_indices = @transform_2, window_bounds = array<i64: 1, 128>}, {transform_indices = @transform_3, window_bounds = array<i64: 2048, 128>}]} {
    %get3A = arith.constant 0 : index
    %get3A_0 = arith.constant 0 : index
    %get3A_1 = arith.constant 0 : index
    %get3A_2 = vector.load %arg1[%get3A, %get3A_0, %get3A_1] : memref<2x2048x128xf32, #tpu.memory_space<vmem>>, vector<1x2048x128xf32>
    %get3A_3 = vector.shape_cast %get3A_2 : vector<1x2048x128xf32> to vector<2048x128xf32>
    %get3A_4 = arith.constant 1 : index
    %get3A_5 = arith.constant 0 : index
    %get3A_6 = arith.constant 0 : index
    %get3A_7 = vector.load %arg1[%get3A_4, %get3A_5, %get3A_6] : memref<2x2048x128xf32, #tpu.memory_space<vmem>>, vector<1x2048x128xf32>
    %get3A_8 = vector.shape_cast %get3A_7 : vector<1x2048x128xf32> to vector<2048x128xf32>
    %add3A = arith.addf %get3A_3, %get3A_8 : vector<2048x128xf32>
    %get3A_9 = arith.constant 0 : index
    %get3A_10 = arith.constant 0 : index
    %get3A_11 = vector.load %arg2[%get3A_9, %get3A_10] : memref<128x128xf32, #tpu.memory_space<vmem>>, vector<128x128xf32>
    %dot_general3A = arith.constant dense<0.000000e+00> : vector<2048x128xf32>
    %dot_general3A_12 = tpu.matmul %add3A, %get3A_11, %dot_general3A {dimension_numbers = #tpu.dot_dimension_numbers<[1], [0], [0], [1], [0, 0, 1, 1], [], []>, transpose_lhs_hint = false} : vector<2048x128xf32>, vector<128x128xf32>, vector<2048x128xf32> -> vector<2048x128xf32>
    %get3A_13 = arith.constant 0 : index
    %get3A_14 = arith.constant 0 : index
    %get3A_15 = vector.load %arg3[%get3A_13, %get3A_14] : memref<1x128xf32, #tpu.memory_space<vmem>>, vector<1x128xf32>
    %add3A_16 = vector.broadcast %get3A_15 : vector<1x128xf32> to vector<2048x128xf32>
    %add3A_17 = arith.addf %dot_general3A_12, %add3A_16 : vector<2048x128xf32>
    %swap3A = arith.constant 0 : index
    %swap3A_18 = arith.constant 0 : index
    %swap3A_19 = vector.load %arg4[%swap3A, %swap3A_18] : memref<2048x128xf32, #tpu.memory_space<vmem>>, vector<2048x128xf32>
    tpu.vector_store %arg4[%swap3A, %swap3A_18], %add3A_17 {strides = array<i32>} : memref<2048x128xf32, #tpu.memory_space<vmem>>, vector<2048x128xf32>,
    return
  }
  func.func @transform_0(%arg0: i32) -> (i32, i32, i32) {
    %c0_i32 = arith.constant 0 : i32
    %c0_i32_0 = arith.constant 0 : i32
    %c0_i32_1 = arith.constant 0 : i32
    return %c0_i32, %arg0, %c0_i32_0 : i32, i32, i32
  }
  func.func @transform_1(%arg0: i32) -> (i32, i32) {
    %c0_i32 = arith.constant 0 : i32
    %c0_i32_0 = arith.constant 0 : i32
    %c0_i32_1 = arith.constant 0 : i32
    return %c0_i32, %c0_i32_0 : i32, i32
  }
  func.func @transform_2(%arg0: i32) -> (i32, i32) {
    %c0_i32 = arith.constant 0 : i32
    %c0_i32_0 = arith.constant 0 : i32
    %c0_i32_1 = arith.constant 0 : i32
    return %c0_i32, %c0_i32_0 : i32, i32
  }
  func.func @transform_3(%arg0: i32) -> (i32, i32) {
    %c0_i32 = arith.constant 0 : i32
    %c0_i32_0 = arith.constant 0 : i32
    return %arg0, %c0_i32 : i32, i32
  }
}

</mosaic_0001>

<sc_bundles>
// kernel: kernel.4.cloned.1.call-start
scs
__scs_entry_jumppad:
0x0: {  	(pc) =	sbr.rel $0x88, $3  }
0x1: {  	(tag) =	ssettag $0x0;
	lr =	simm.s32 $0x1  }
0x2: {  	[smem:$0x3F9C] =	sst lr;
	_ =	strace $0xD0000000  }
0x3: {  	_ = 	snop  }
0x4: {  	_ = 	snop  }
0x5: {  	_ = 	snop  }
0x6: {  	_ = 	snop  }
0x7: {  	_ = 	snop  }
__scs_overlays_trampoline_lowered:
0x8: {  	[smem:$0x3FAB] =	sst s0  }
0x9: {  	[smem:$0x3FAC] =	sst s1  }
0xa: {  	[smem:$0x3FAD] =	sst s2  }
0xb: {  	[smem:$0x3FAE] =	sst s3  }
0xc: {  	[smem:$0x3FAF] =	sst s4  }
0xd: {  	[smem:$0x3FB0] =	sst s5  }
0xe: {  	[smem:$0x3FB1] =	sst s6  }
0xf: {  	[smem:$0x3FB2] =	sst s7  }
0x10: {  	[smem:$0x3FB3] =	sst s8  }
0x11: {  	[smem:$0x3FB4] =	sst s9;
	s0 =	simm.s32 @!p0 $0x0  }
0x12: {  	s1 =	sld [smem:$0x3F9A];
	s0 =	simm.s32 @p0 $0x1  }
0x13: {  	[smem:$0x3FB5] =	sst s0;
	s0 =	simm.s32 @!p1 $0x0  }
0x14: {  	s2 =	sld [smem:$0x3F99];
	s0 =	simm.s32 @p1 $0x1  }
0x15: {  	[smem:$0x3FB6] =	sst s0;
	s0 =	simm.s32 @!p2 $0x0  }
0x16: {  	s3 =	sld [smem:$0x3FDB];
	s0 =	simm.s32 @p2 $0x1  }
0x17: {  	s4 =	simm.s32 $0x1BF5;
	[smem:$0x3FB8] =	sst s0  }
0x18: {  	s0 =	sld [smem:$0x3F9B];
	_ =	swait.ge [sflag:s4], $0x0  }
0x19: {  	s7 =	sld [smem:$0x3F9C]  }
0x1a: {  	s8 =	sadd.s32 $0xFFFFE003, lr  }
0x1b: {  	s9 =	sadd.s32 $0xFFFFFEF7, lr;
	s5 =	simm.s32 $0xFFFFFFFF;
	p2 =	slt.u32 s8, $0xFFFFF086  }
0x1c: {  	p1 =	slt.u32 s9, $0xF7A;
	s5 =	simm.s32 @!p2 $0x0  }
0x1d: {  	s5 =	simm.s32 @p1 $0x1;
	p0 =	seq.s32 s7, s2  }
0x1e: {  	s7 =	smul.u32 @!p0 $0xF7A, s2;
	p2 =	seq.s32 @!p0 s5, $0x0  }
0x1f: {  	s9 =	smul.u32 $0xF7A, s1;
	s8 =	simm.s32 @!p0 $0x1BF5;
	p2 =	por !p2, p0  }
0x20: {  	[sflag:s8] =	ssyncset.s32 @!p0 $0xFFFFF086;
	s6 =	sadd.s32 @!p0 s3, s7;
	s7 =	simm.s32 @!p0 $0x108  }
0x21: {  	s3 =	sadd.s32 s3, s9;
	s6 =	sadd.s32 @!p0 $0x88, s6;
	s7 =	simm.s32 @p2 $0x1082  }
0x22: {  	[simem:s7], [sflag:s8] =	dma.local @!p0 [hbm:s6], $0xF7A  }
0x23: {  	s9 =	sor.u32 $0xD0000000, s2;
	s6 =	simm.s32 $0x108;
	_ =	swait.ge @!p0 [sflag:s8], $0x0  }
0x24: {  	s3 =	sadd.s32 $0x88, s3;
	s6 =	simm.s32 @!p1 $0x1082;
	[sflag:s4] =	ssyncset.s32 $0xFFFFF086  }
0x25: {  	[simem:s6], [sflag:s4] =	dma.local [hbm:s3], $0xF7A  }
0x26: {  	[smem:$0x3F9C] =	sst s1;
	(tag) =	ssettag s2;
	_ =	strace s9  }
0x27: {  	s1 =	sld [smem:$0x3FAC]  }
0x28: {  	s2 =	sld [smem:$0x3FAD]  }
0x29: {  	s4 =	sld [smem:$0x3FAF]  }
0x2a: {  	p0 =	seq.s32 s5, $0x0;
	s5 =	sld [smem:$0x3FB0]  }
0x2b: {  	s6 =	sld [smem:$0x3FB1]  }
0x2c: {  	s7 =	sld [smem:$0x3FB2]  }
0x2d: {  	s3 =	simm.s32 $0x108;
	s8 =	sld [smem:$0x3FB3]  }
0x2e: {  	s3 =	simm.s32 @!p0 $0x1082;
	s9 =	sld [smem:$0x3FB4]  }
0x2f: {  	lr =	sadd.s32 s0, s3;
	s0 =	sld [smem:$0x3FAB]  }
0x30: {  	s3 =	sld [smem:$0x3FAE]  }
0x31: {  	[smem:$0x3FB7] =	sst s10  }
0x32: {  	s10 =	sld [smem:$0x3FB5];
	_ =	sdelay $0x3  }
0x33: {  	p0 =	seq.s32 s10, $0x1;
	s10 =	sld [smem:$0x3FB7];
	_ =	sdelay $0x3  }
0x34: {  	[smem:$0x3FB7] =	sst s10  }
0x35: {  	s10 =	sld [smem:$0x3FB6];
	_ =	sdelay $0x3  }
0x36: {  	p1 =	seq.s32 s10, $0x1;
	s10 =	sld [smem:$0x3FB7];
	_ =	sdelay $0x3  }
0x37: {  	[smem:$0x3FB7] =	sst s10  }
0x38: {  	s10 =	sld [smem:$0x3FB8]  }
0x39: {  	_ = 	snop;
	(pc) =	sbr.ind lr, $3  }
0x3a: {  	_ = 	snop  }
0x3b: {  	_ = 	snop  }
0x3c: {  	p2 =	seq.s32 s10, $0x1;
	s10 =	sld [smem:$0x3FB7]  }
0x3d: {  	_ =	shalt  }
0x3e: {  	_ =	shalt  }
0x3f: {  	_ =	shalt  }
0x40: {  	_ =	shalt  }
0x41: {  	_ =	shalt  }
0x42: {  	_ =	shalt  }
0x43: {  	_ =	shalt  }
0x44: {  	_ =	shalt  }
0x45: {  	_ =	shalt  }
0x46: {  	_ =	shalt  }
0x47: {  	_ =	shalt  }
0x48: {  	_ =	shalt  }
0x49: {  	_ =	shalt  }
0x4a: {  	_ =	shalt  }
0x4b: {  	_ =	shalt  }
0x4c: {  	_ =	shalt  }
0x4d: {  	_ =	shalt  }
0x4e: {  	_ =	shalt  }
0x4f: {  	_ =	shalt  }
0x50: {  	_ =	shalt  }
0x51: {  	_ =	shalt  }
0x52: {  	_ =	shalt  }
0x53: {  	_ =	shalt  }
0x54: {  	_ =	shalt  }
0x55: {  	_ =	shalt  }
0x56: {  	_ =	shalt  }
0x57: {  	_ =	shalt  }
0x58: {  	_ =	shalt  }
0x59: {  	_ =	shalt  }
0x5a: {  	_ =	shalt  }
0x5b: {  	_ =	shalt  }
0x5c: {  	_ =	shalt  }
0x5d: {  	_ =	shalt  }
0x5e: {  	_ =	shalt  }
0x5f: {  	_ =	shalt  }
0x60: {  	_ =	shalt  }
0x61: {  	_ =	shalt  }
0x62: {  	_ =	shalt  }
0x63: {  	_ =	shalt  }
0x64: {  	_ =	shalt  }
0x65: {  	_ =	shalt  }
0x66: {  	_ =	shalt  }
0x67: {  	_ =	shalt  }
0x68: {  	_ =	shalt  }
0x69: {  	_ =	shalt  }
0x6a: {  	_ =	shalt  }
0x6b: {  	_ =	shalt  }
0x6c: {  	_ =	shalt  }
0x6d: {  	_ =	shalt  }
0x6e: {  	_ =	shalt  }
0x6f: {  	_ =	shalt  }
0x70: {  	_ =	shalt  }
0x71: {  	_ =	shalt  }
0x72: {  	_ =	shalt  }
0x73: {  	_ =	shalt  }
0x74: {  	_ =	shalt  }
0x75: {  	_ =	shalt  }
0x76: {  	_ =	shalt  }
0x77: {  	_ =	shalt  }
0x78: {  	_ =	shalt  }
0x79: {  	_ =	shalt  }
0x7a: {  	_ =	shalt  }
0x7b: {  	_ =	shalt  }
0x7c: {  	_ =	shalt  }
0x7d: {  	_ =	shalt  }
0x7e: {  	_ =	shalt  }
0x7f: {  	_ =	shalt  }
0x80: {  	_ =	shalt  }
0x81: {  	_ =	shalt  }
0x82: {  	_ =	shalt  }
0x83: {  	_ =	shalt  }
0x84: {  	_ =	shalt  }
0x85: {  	_ =	shalt  }
0x86: {  	_ =	shalt  }
0x87: {  	_ =	shalt  }
.Lfunc_end0:
.L_simem_size_0:
called_computation_lowered:
.L_overlay_start_0:
0x88: {  	s2 =	sld [smem:$0x3FD9]  }
0x89: {  	s3 =	sld [smem:$0x3FFE];
	_ =	sdelay $0x1  }
0x8a: {  	s1 =	srdreg.scid  }
0x8b: {  	s0 =	sand.u32 $0x1, s1  }
0x8c: {  	s17 =	sshll.u32 s0, $0xA;
	s2 =	sadd.s32 s3, s2  }
0x8d: {  	s2 =	sadd.s32 s2, s17  }
0x8e: {  	[smem:$0x3FC3] =	sst s2  }
0x8f: {  	_ = 	snop  }
0x90: {  	s2 =	sld [smem:$0x3FD0];
	(tm) =	ssettm $0x1  }
0x91: {  	s18 =	sld [smem:$0x3FFB];
	_ =	sdelay $0x3  }
0x92: {  	_ =	strace s18  }
0x93: {  	s3 =	sld [smem:$0x3FFC];
	_ =	sdelay $0x3  }
0x94: {  	_ =	strace s3  }
0x95: {  	s3 =	sld [smem:$0x3FFD];
	_ =	sdelay $0x3  }
0x96: {  	_ =	strace s3  }
0x97: {  	_ =	strace $0x8FFFFFFF  }
0x98: {  	s19 =	sld [smem:$0x3FDB];
	_ =	sdelay $0x1  }
0x99: {  	s4 =	simm.s32 $_scs_section_size  }
0x9a: {  	s5 =	simm.s32 $_size__tile_overlayer_lowered;
	s6 =	simm.s32 $_tile_overlayer_lowered  }
0x9b: {  	s22 =	simm.s32 $0x1BFF;
	s21 =	sshll.u32 s6, $0x1;
	s3 =	sadd.s32 s4, s19  }
0x9c: {  	s7 =	simm.s32 $0x0;
	s20 =	sshll.u32 s5, $0x1;
	s5 =	sadd.s32 s21, s3  }
0x9d: {  	[timem:s7], [sflag:s22] =	dma.local [hbm:s5], s20  }
0x9e: {  	_ =	swait.ge [sflag:s22], s20  }
0x9f: {  	s4 =	ssub.s32 $0x0, s20;
	[sflag:s22] =	ssyncset.done $0x0  }
0xa0: {  	[sflag:s22] =	ssyncadd.s32 s4;
	_ =	sdelay $0x1  }
0xa1: {  	s23 =	simm.s32 $0x1B8B  }
0xa2: {  	_ =	swait.ge [sflag:s23], $0x1  }
0xa3: {  	[sflag:s23] =	ssyncset.done $0x0  }
0xa4: {  	s25 =	simm.s32 $0x1B8E;
	s24 =	sld [smem:$0x3FFE];
	[sflag:s23] =	ssyncadd.s32 $0xFFFFFFFF  }
0xa5: {  	s26 =	simm.s32 $execute0_lowered;
	[smem:$0x3FD2] =	sst s25  }
0xa6: {  	s5 =	sshll.u32 s26, $0x1;
	_ =	strace $0x80000046;
	[dreg:$0x1] =	wrdreg $0xFFFFFFFF  }
0xa7: {  	s28 =	simm.s32 $_size_execute0_lowered;
	s3 =	sadd.s32 s3, s5;
	[dreg:$0x0] =	wrdreg $0x0  }
0xa8: {  	s5 =	sshll.u32 s28, $0x1;
	[dreg:$0x2] =	wrdreg s3  }
0xa9: {  	[dreg:$0x3] =	wrdreg s5  }
0xaa: {  	[dreg:$0x4] =	wrdreg $0xC0  }
0xab: {  	_ =	task [dreg:s7], $0x5FFFF  }
0xac: {  	[dreg:$0x1] =	wrdreg $0xFFFFFFFF  }
0xad: {  	[dreg:$0x0] =	wrdreg $0x60  }
0xae: {  	[dreg:$0x2] =	wrdreg s24  }
0xaf: {  	[dreg:$0x3] =	wrdreg s2  }
0xb0: {  	[dreg:$0x4] =	wrdreg $0xB8000  }
0xb1: {  	[dreg:$0x5] =	wrdreg $0x9  }
0xb2: {  	_ =	task.clear_ibuf [dreg:s7], $0x6FFFF;
	_ =	strace $0x90000046  }
0xb3: {  	s29 =	simm.s32 $0x9;
	_ =	strace $0x80000048  }
0xb4: {  	_ =	swait.ge [sflag:s29], $0x1  }
0xb5: {  	[sflag:s29] =	ssyncadd.s32 $0xFFFFFFFF  }
0xb6: {  	_ =	strace $0x90000048  }
0xb7: {  	_ =	sfence  }
0xb8: {  	s30 =	sld [smem:$0x0];
	_ =	sdelay $0x2  }
0xb9: {  	s31 =	sshll.u32 s1, $0xD;
	s1 =	sshrl.u32 s1, $0x2  }
0xba: {  	s3 =	sand.u32 $0x4000, s31;
	s1 =	sadd.s32 s1, s30  }
0xbb: {  	s0 =	sor.u32 s3, s0;
	s1 =	sshll.u32 s1, $0x11  }
0xbc: {  	s0 =	sor.u32 s1, s0  }
0xbd: {  	s0 =	sadd.s32 $0x8F2B, s0  }
0xbe: {  	[sflag:s0] =	ssyncadd.remote.s32 $0x1  }
0xbf: {  	_ =	sfence.sel $0xFFFF  }
0xc0: {  	[dreg:$0x0] =	wrdreg $0xFFFFFFFF;
	(pc) =	sbr.abs _section_cstart, $3  }
0xc1: {  	[dreg:$0x1] =	wrdreg $0xFFFFFFFF  }
0xc2: {  	_ =	task.clear_ibuf [dreg:s7], $0x2FFFF;
	_ =	strace $0x9FFFFFFF  }
0xc3: {  	(tm) =	ssettm $0x7FFFFFFF  }
tec
execute0_lowered:
.L_overlay_start_1:
0x0: {  	(tag) =	ssettag $0x1  }
0x1: {  	s5 =	rddreg [dreg:$0x0]  }
0x2: {  	s6 =	rddreg [dreg:$0x1]  }
0x3: {  	s1 =	rddreg [dreg:$0x2]  }
0x4: {  	s2 =	srdreg.scid;
	s0 =	rddreg [dreg:$0x3];
	s3 =	simm.s32 $0x0  }
0x5: {  	s15 =	simm.s32 $0x7800;
	s16 =	simm.s32 $0x1;
	s17 =	simm.s32 $0x2800  }
0x6: {  	s18 =	simm.s32 $0x5000;
	s7 =	sand.u32 $0x1, s2;
	s2 =	stileid.u32  }
0x7: {  	s19 =	simm.s32 $0x80;
	[smem:$0x7FF] =	sst s3;
	s8 =	smul.u32 $0x140000, s7  }
0x8: {  	s4 =	sshll.u32 s7, $0x4;
	s9 =	smul.u32 $0x14000, s2;
	_ =	strace $0x80000047  }
0x9: {  	s29 =	smul.u32 $0x50000, s2;
	s7 =	ssub.s32 $0x2, s7;
	s20 =	sshll.u32 s2, $0x6  }
0xa: {  	s4 =	sor.u32 s2, s4;
	s30 =	sshrl.u32 s7, $0x1;
	s20 =	sor.u32 $0x1C01, s20  }
0xb: {  	s10 =	smul.u32 $0x500, s4;
	s4 =	sadd.s32 $0x14C00, s5;
	s8 =	sadd.s32 s9, s8  }
0xc: {  	s31 =	sshrl.u32 s29, $0x2;
	s13 =	ssub.s32 s7, s30;
	s8 =	sshrl.u32 s8, $0x3  }
0xd: {  	s11 =	sadd.s32 s10, s5;
	s12 =	sadd.s32 s8, s5;
	s5 =	sadd.s32 s31, s1  }
0xe: {  	s6 =	sadd.s32 s6, s10;
	s10 =	smax.u32 s13, $0x1;
	s7 =	sadd.s32 $0xAC00, s11  }
0xf: {  	s8 =	sadd.s32 $0xC00, s11;
	s9 =	sadd.s32 $0x3CC00, s12;
	s11 =	sadd.s32 $0x4000, s5  }
0x10: {  	v0 =	vimm.f32 $0.0e+00;
	s12 =	sadd.s32 $0x8000, s5;
	s13 =	sadd.s32 $0xC000, s5;
	s14 =	sadd.s32 $0x10000, s5  }
.LBB2_1:
0x11: {  	s21 =	simm.s32 $0x0;
	s22 =	simm.s32 $0x200  }
.LBB2_2:
0x12: {  	p0 =	sne.s32 s22, $0xFE00;
	[tilespmem:s21+$0x7870] =	vst v0  }
0x13: {  	[tilespmem:s21+$0x7800] =	vst v0  }
0x14: {  	[tilespmem:s21+$0x7810] =	vst v0  }
.Ltmp0:
0x15: {  	[tilespmem:s21+$0x7820] =	vst v0;
	(pc) =	sbr.rel @p0 .LBB2_2-.Ltmp0, $4  }
0x16: {  	[tilespmem:s21+$0x7830] =	vst v0  }
0x17: {  	[tilespmem:s21+$0x7840] =	vst v0  }
0x18: {  	[tilespmem:s21+$0x7850] =	vst v0  }
0x19: {  	[tilespmem:s21+$0x7860] =	vst v0;
	s21 =	sshra.s32 s22, $0x2;
	s22 =	sadd.s32 $0x200, s22  }
0x1a: {  	[tilespmem:s21+$0x7870] =	vst v0  }
0x1b: {  	[tilespmem:s21+$0x7800] =	vst v0  }
0x1c: {  	[tilespmem:s21+$0x7810] =	vst v0  }
0x1d: {  	[tilespmem:s21+$0x7820] =	vst v0  }
0x1e: {  	[tilespmem:s21+$0x7830] =	vst v0  }
0x1f: {  	[tilespmem:s21+$0x7840] =	vst v0  }
0x20: {  	[tilespmem:s21+$0x7850] =	vst v0  }
0x21: {  	[tilespmem:s21+$0x7860] =	vst v0  }
0x22: {  	[spmem:s5] =	stream.linear.scatter [tilespmem:s15], [sflag:$0x1], $0x4000, $0x38;
	[tilespmem:$0x1F800] =	vst v63  }
0x23: {  	_ =	swait.ge [sflag:s16], $0x4000  }
0x24: {  	[sflag:s16] =	ssyncset.done $0x0  }
0x25: {  	[sflag:s16] =	ssyncadd.s32 $0xFFFFC000  }
0x26: {  	[spmem:s11] =	stream.linear.scatter [tilespmem:s15], [sflag:$0x1], $0x4000, $0x38;
	[tilespmem:$0x1F800] =	vst v63  }
0x27: {  	_ =	swait.ge [sflag:s16], $0x4000  }
0x28: {  	[sflag:s16] =	ssyncset.done $0x0  }
0x29: {  	[sflag:s16] =	ssyncadd.s32 $0xFFFFC000  }
0x2a: {  	[spmem:s12] =	stream.linear.scatter [tilespmem:s15], [sflag:$0x1], $0x4000, $0x38;
	[tilespmem:$0x1F800] =	vst v63  }
0x2b: {  	_ =	swait.ge [sflag:s16], $0x4000  }
0x2c: {  	[sflag:s16] =	ssyncset.done $0x0  }
0x2d: {  	[sflag:s16] =	ssyncadd.s32 $0xFFFFC000  }
0x2e: {  	[spmem:s13] =	stream.linear.scatter [tilespmem:s15], [sflag:$0x1], $0x4000, $0x38;
	[tilespmem:$0x1F800] =	vst v63  }
0x2f: {  	_ =	swait.ge [sflag:s16], $0x4000  }
0x30: {  	[sflag:s16] =	ssyncset.done $0x0  }
0x31: {  	[sflag:s16] =	ssyncadd.s32 $0xFFFFC000  }
0x32: {  	[spmem:s14] =	stream.linear.scatter [tilespmem:s15], [sflag:$0x1], $0x4000, $0x38;
	[tilespmem:$0x1F800] =	vst v63  }
0x33: {  	_ =	swait.ge [sflag:s16], $0x4000  }
0x34: {  	[sflag:s16] =	ssyncset.done $0x0  }
0x35: {  	s21 =	simm.s32 $0x0;
	[sflag:s16] =	ssyncadd.s32 $0xFFFFC000  }
0x36: {  	[tilespmem:s21], [sflag:$0x1] =	stream.linear.gather [hbm4b:s6+s21], $0x2780, $0x38;
	[tilespmem:$0x1F800] =	vst v63  }
0x37: {  	_ =	swait.ge [sflag:s16], $0x2780  }
0x38: {  	[sflag:s16] =	ssyncset.done $0x0  }
0x39: {  	[sflag:s16] =	ssyncadd.s32 $0xFFFFD880  }
0x3a: {  	[tilespmem:s17], [sflag:$0x1] =	stream.linear.gather [hbm4b:s7+s21], $0x2780, $0x38;
	[tilespmem:$0x1F800] =	vst v63  }
0x3b: {  	_ =	swait.ge [sflag:s16], $0x2780  }
0x3c: {  	[sflag:s16] =	ssyncset.done $0x0  }
0x3d: {  	[sflag:s16] =	ssyncadd.s32 $0xFFFFD880  }
0x3e: {  	[tilespmem:s18], [sflag:$0x1] =	stream.linear.gather [hbm4b:s8+s21], $0x2780, $0x38;
	[tilespmem:$0x1F800] =	vst v63  }
0x3f: {  	_ =	swait.ge [sflag:s16], $0x2780  }
0x40: {  	[sflag:s16] =	ssyncset.done $0x0  }
0x41: {  	[sflag:s16] =	ssyncadd.s32 $0xFFFFD880  }
0x42: {  	[bflag:$0x0] =	sbarrier.arrive $0xFFFF  }
.LBB2_4:
0x43: {  	s22 =	sshll.u32 s21, $0x7  }
0x44: {  	[tilespmem:s15], [sflag:$0x1] =	stream.indirect.gather [hbm4b:s4+s19], $0x80, s22, s19, $0xb8;
	[tilespmem:$0x1F800] =	vst v63  }
0x45: {  	s23 =	sadd.s32 $0x5000, s22  }
0x46: {  	_ =	swait.ge [sflag:s16], $0x4000;
	v1 =	vmov s23  }
0x47: {  	[sflag:s16] =	ssyncset.done $0x0  }
0x48: {  	s23 =	simm.s32 $0x0;
	[sflag:s16] =	ssyncadd.s32 $0xFFFFC000  }
.LBB2_5:
0x49: {  	s24 =	sshll.u32 s23, $0x4  }
0x4a: {  	s24 =	sand.u32 $0x3FFFFFF0, s24  }
0x4b: {  	s31 =	sshll.u32 s23, $0xB;
	v2 =	vld.idx.msk [tilespmem:v1+s24+$0x0 ss:$0x1], $0xffff  }
0x4c: {  	s24 =	sand.u32 $0x3FFFF800, s31  }
0x4d: {  	v3 =	vld [tilespmem:s24+$0x7800]  }
0x4e: {  	v4 =	vld [tilespmem:s24+$0x7810]  }
0x4f: {  	v5 =	vld [tilespmem:s24+$0x7820]  }
0x50: {  	v7 =	vld [tilespmem:s24+$0x7830];
	v6 =	vbroadcast v2, $0x0  }
0x51: {  	v8 =	vld [tilespmem:s24+$0x7840]  }
0x52: {  	v9 =	vld [tilespmem:s24+$0x7850];
	v3 =	vmul.f32 v6, v3  }
0x53: {  	v10 =	vld [tilespmem:s24+$0x7860];
	v4 =	vmul.f32 v4, v6  }
0x54: {  	v24 =	vld [tilespmem:s24+$0x7870];
	[tilespmem:s24+$0x7800] =	vst v3;
	v3 =	vmul.f32 v5, v6  }
0x55: {  	v26 =	vld [tilespmem:s24+$0x7880];
	v25 =	vmul.f32 v7, v6;
	[tilespmem:s24+$0x7810] =	vst v4  }
0x56: {  	v27 =	vld [tilespmem:s24+$0x7890];
	[tilespmem:s24+$0x7820] =	vst v3;
	v3 =	vmul.f32 v8, v6  }
0x57: {  	v29 =	vld [tilespmem:s24+$0x78A0];
	v28 =	vmul.f32 v9, v6;
	[tilespmem:s24+$0x7830] =	vst v25  }
0x58: {  	v11 =	vld [tilespmem:s24+$0x78B0];
	v30 =	vbroadcast v2, $0x1;
	[tilespmem:s24+$0x7840] =	vst v3;
	v3 =	vmul.f32 v10, v6  }
0x59: {  	v32 =	vld [tilespmem:s24+$0x78C0];
	v31 =	vmul.f32 v24, v6;
	[tilespmem:s24+$0x7850] =	vst v28  }
0x5a: {  	v33 =	vld [tilespmem:s24+$0x78D0];
	[tilespmem:s24+$0x7860] =	vst v3;
	v3 =	vmul.f32 v26, v30  }
0x5b: {  	v35 =	vld [tilespmem:s24+$0x78E0];
	v34 =	vmul.f32 v27, v30;
	[tilespmem:s24+$0x7870] =	vst v31  }
0x5c: {  	v36 =	vld [tilespmem:s24+$0x78F0];
	[tilespmem:s24+$0x7880] =	vst v3;
	v3 =	vmul.f32 v29, v30  }
0x5d: {  	v38 =	vld [tilespmem:s24+$0x7900];
	v37 =	vmul.f32 v11, v30;
	[tilespmem:s24+$0x7890] =	vst v34  }
0x5e: {  	v39 =	vld [tilespmem:s24+$0x7910];
	[tilespmem:s24+$0x78A0] =	vst v3;
	v3 =	vmul.f32 v32, v30  }
0x5f: {  	v41 =	vld [tilespmem:s24+$0x7920];
	v40 =	vmul.f32 v33, v30;
	[tilespmem:s24+$0x78B0] =	vst v37  }
0x60: {  	v43 =	vld [tilespmem:s24+$0x7930];
	v42 =	vbroadcast v2, $0x2;
	[tilespmem:s24+$0x78C0] =	vst v3;
	v3 =	vmul.f32 v35, v30  }
0x61: {  	v45 =	vld [tilespmem:s24+$0x7940];
	v44 =	vmul.f32 v36, v30;
	[tilespmem:s24+$0x78D0] =	vst v40  }
0x62: {  	v46 =	vld [tilespmem:s24+$0x7950];
	[tilespmem:s24+$0x78E0] =	vst v3;
	v3 =	vmul.f32 v38, v42  }
0x63: {  	v48 =	vld [tilespmem:s24+$0x7960];
	v47 =	vmul.f32 v39, v42;
	[tilespmem:s24+$0x78F0] =	vst v44  }
0x64: {  	v49 =	vld [tilespmem:s24+$0x7970];
	[tilespmem:s24+$0x7900] =	vst v3;
	v3 =	vmul.f32 v41, v42  }
0x65: {  	v51 =	vld [tilespmem:s24+$0x7980];
	v50 =	vmul.f32 v43, v42;
	[tilespmem:s24+$0x7910] =	vst v47  }
0x66: {  	v52 =	vld [tilespmem:s24+$0x7990];
	[tilespmem:s24+$0x7920] =	vst v3;
	v3 =	vmul.f32 v45, v42  }
0x67: {  	v54 =	vld [tilespmem:s24+$0x79A0];
	v53 =	vmul.f32 v46, v42;
	[tilespmem:s24+$0x7930] =	vst v50  }
0x68: {  	v56 =	vld [tilespmem:s24+$0x79B0];
	v55 =	vbroadcast v2, $0x3;
	[tilespmem:s24+$0x7940] =	vst v3;
	v3 =	vmul.f32 v48, v42  }
0x69: {  	v58 =	vld [tilespmem:s24+$0x79C0];
	v57 =	vmul.f32 v49, v42;
	[tilespmem:s24+$0x7950] =	vst v53  }
0x6a: {  	v59 =	vld [tilespmem:s24+$0x79D0];
	[tilespmem:s24+$0x7960] =	vst v3;
	v3 =	vmul.f32 v51, v55  }
0x6b: {  	v61 =	vld [tilespmem:s24+$0x79E0];
	v60 =	vmul.f32 v52, v55;
	[tilespmem:s24+$0x7970] =	vst v57  }
0x6c: {  	v62 =	vld [tilespmem:s24+$0x79F0];
	[tilespmem:s24+$0x7980] =	vst v3;
	v3 =	vmul.f32 v54, v55  }
0x6d: {  	v12 =	vld [tilespmem:s24+$0x7A00];
	v63 =	vmul.f32 v56, v55;
	[tilespmem:s24+$0x7990] =	vst v60  }
0x6e: {  	v13 =	vld [tilespmem:s24+$0x7A10];
	[tilespmem:s24+$0x79A0] =	vst v3;
	v3 =	vmul.f32 v58, v55  }
0x6f: {  	v15 =	vld [tilespmem:s24+$0x7A20];
	v14 =	vmul.f32 v59, v55;
	[tilespmem:s24+$0x79B0] =	vst v63  }
0x70: {  	v17 =	vld [tilespmem:s24+$0x7A30];
	v16 =	vbroadcast v2, $0x4;
	[tilespmem:s24+$0x79C0] =	vst v3;
	v3 =	vmul.f32 v61, v55  }
0x71: {  	v19 =	vld [tilespmem:s24+$0x7A40];
	v18 =	vmul.f32 v62, v55;
	[tilespmem:s24+$0x79D0] =	vst v14  }
0x72: {  	v20 =	vld [tilespmem:s24+$0x7A50];
	[tilespmem:s24+$0x79E0] =	vst v3;
	v3 =	vmul.f32 v12, v16  }
0x73: {  	v22 =	vld [tilespmem:s24+$0x7A60];
	v21 =	vmul.f32 v13, v16;
	[tilespmem:s24+$0x79F0] =	vst v18  }
0x74: {  	v23 =	vld [tilespmem:s24+$0x7A70];
	[tilespmem:s24+$0x7A00] =	vst v3;
	v3 =	vmul.f32 v15, v16  }
0x75: {  	v24 =	vmul.f32 v17, v16;
	[tilespmem:s24+$0x7A10] =	vst v21;
	v25 =	vld [tilespmem:s24+$0x7A80]  }
0x76: {  	v33 =	vld [tilespmem:s24+$0x7AD0];
	[tilespmem:s24+$0x7A20] =	vst v3;
	v3 =	vmul.f32 v19, v16  }
0x77: {  	v27 =	vmul.f32 v20, v16;
	[tilespmem:s24+$0x7A30] =	vst v24;
	v28 =	vld [tilespmem:s24+$0x7AA0]  }
0x78: {  	v36 =	vld [tilespmem:s24+$0x7AF0];
	v29 =	vbroadcast v2, $0x5;
	[tilespmem:s24+$0x7A40] =	vst v3;
	v3 =	vmul.f32 v22, v16  }
0x79: {  	[tilespmem:s24+$0x7A50] =	vst v27;
	v31 =	vmul.f32 v23, v16;
	v32 =	vld [tilespmem:s24+$0x7AC0]  }
0x7a: {  	v26 =	vld [tilespmem:s24+$0x7A90];
	[tilespmem:s24+$0x7A60] =	vst v3;
	v3 =	vmul.f32 v25, v29  }
0x7b: {  	[tilespmem:s24+$0x7A70] =	vst v31;
	v40 =	vmul.f32 v33, v29;
	v35 =	vld [tilespmem:s24+$0x7AE0]  }
0x7c: {  	v30 =	vld [tilespmem:s24+$0x7AB0];
	[tilespmem:s24+$0x7A80] =	vst v3;
	v3 =	vmul.f32 v28, v29  }
0x7d: {  	v44 =	vmul.f32 v36, v29;
	[tilespmem:s24+$0x7AD0] =	vst v40;
	v38 =	vld [tilespmem:s24+$0x7B00]  }
0x7e: {  	v39 =	vld [tilespmem:s24+$0x7B10];
	[tilespmem:s24+$0x7AA0] =	vst v3;
	v3 =	vmul.f32 v32, v29  }
0x7f: {  	v34 =	vmul.f32 v26, v29;
	[tilespmem:s24+$0x7AF0] =	vst v44;
	v41 =	vld [tilespmem:s24+$0x7B20]  }
0x80: {  	v43 =	vld [tilespmem:s24+$0x7B30];
	v42 =	vbroadcast v2, $0x6;
	[tilespmem:s24+$0x7AC0] =	vst v3;
	v3 =	vmul.f32 v35, v29  }
0x81: {  	[tilespmem:s24+$0x7A90] =	vst v34;
	v37 =	vmul.f32 v30, v29;
	v45 =	vld [tilespmem:s24+$0x7B40]  }
0x82: {  	v46 =	vld [tilespmem:s24+$0x7B50];
	[tilespmem:s24+$0x7AE0] =	vst v3;
	v3 =	vmul.f32 v38, v42  }
0x83: {  	[tilespmem:s24+$0x7AB0] =	vst v37;
	v48 =	vld [tilespmem:s24+$0x7B60];
	v47 =	vmul.f32 v39, v42  }
0x84: {  	v49 =	vld [tilespmem:s24+$0x7B70];
	[tilespmem:s24+$0x7B00] =	vst v3;
	v3 =	vmul.f32 v41, v42  }
0x85: {  	v50 =	vmul.f32 v43, v42;
	v51 =	vld [tilespmem:s24+$0x7B80];
	[tilespmem:s24+$0x7B10] =	vst v47  }
0x86: {  	v52 =	vld [tilespmem:s24+$0x7B90];
	[tilespmem:s24+$0x7B20] =	vst v3;
	v3 =	vmul.f32 v45, v42  }
0x87: {  	v53 =	vmul.f32 v46, v42;
	[tilespmem:s24+$0x7B30] =	vst v50;
	v54 =	vld [tilespmem:s24+$0x7BA0]  }
0x88: {  	v56 =	vld [tilespmem:s24+$0x7BB0];
	v55 =	vbroadcast v2, $0x7;
	[tilespmem:s24+$0x7B40] =	vst v3;
	v3 =	vmul.f32 v48, v42  }
0x89: {  	v57 =	vmul.f32 v49, v42;
	[tilespmem:s24+$0x7B50] =	vst v53;
	v58 =	vld [tilespmem:s24+$0x7BC0]  }
0x8a: {  	v59 =	vld [tilespmem:s24+$0x7BD0];
	[tilespmem:s24+$0x7B60] =	vst v3;
	v3 =	vmul.f32 v51, v55  }
0x8b: {  	[tilespmem:s24+$0x7B70] =	vst v57;
	v61 =	vld [tilespmem:s24+$0x7BE0];
	v60 =	vmul.f32 v52, v55  }
0x8c: {  	v62 =	vld [tilespmem:s24+$0x7BF0];
	[tilespmem:s24+$0x7B80] =	vst v3;
	v3 =	vmul.f32 v54, v55  }
0x8d: {  	v63 =	vmul.f32 v56, v55;
	v12 =	vld [tilespmem:s24+$0x7C00];
	[tilespmem:s24+$0x7B90] =	vst v60  }
0x8e: {  	v13 =	vld [tilespmem:s24+$0x7C10];
	[tilespmem:s24+$0x7BA0] =	vst v3;
	v3 =	vmul.f32 v58, v55  }
0x8f: {  	v14 =	vmul.f32 v59, v55;
	[tilespmem:s24+$0x7BB0] =	vst v63;
	v15 =	vld [tilespmem:s24+$0x7C20]  }
0x90: {  	v17 =	vld [tilespmem:s24+$0x7C30];
	v16 =	vbroadcast v2, $0x8;
	[tilespmem:s24+$0x7BC0] =	vst v3;
	v3 =	vmul.f32 v61, v55  }
0x91: {  	v18 =	vmul.f32 v62, v55;
	[tilespmem:s24+$0x7BD0] =	vst v14;
	v19 =	vld [tilespmem:s24+$0x7C40]  }
0x92: {  	v20 =	vld [tilespmem:s24+$0x7C50];
	[tilespmem:s24+$0x7BE0] =	vst v3;
	v3 =	vmul.f32 v12, v16  }
0x93: {  	[tilespmem:s24+$0x7BF0] =	vst v18;
	v22 =	vld [tilespmem:s24+$0x7C60];
	v21 =	vmul.f32 v13, v16  }
0x94: {  	v23 =	vld [tilespmem:s24+$0x7C70];
	[tilespmem:s24+$0x7C00] =	vst v3;
	v3 =	vmul.f32 v15, v16  }
0x95: {  	v24 =	vmul.f32 v17, v16;
	v25 =	vld [tilespmem:s24+$0x7C80];
	[tilespmem:s24+$0x7C10] =	vst v21  }
0x96: {  	v26 =	vld [tilespmem:s24+$0x7C90];
	[tilespmem:s24+$0x7C20] =	vst v3;
	v3 =	vmul.f32 v19, v16  }
0x97: {  	v27 =	vmul.f32 v20, v16;
	[tilespmem:s24+$0x7C30] =	vst v24;
	v28 =	vld [tilespmem:s24+$0x7CA0]  }
0x98: {  	v30 =	vld [tilespmem:s24+$0x7CB0];
	v29 =	vbroadcast v2, $0x9;
	[tilespmem:s24+$0x7C40] =	vst v3;
	v3 =	vmul.f32 v22, v16  }
0x99: {  	v31 =	vmul.f32 v23, v16;
	[tilespmem:s24+$0x7C50] =	vst v27;
	v32 =	vld [tilespmem:s24+$0x7CC0]  }
0x9a: {  	v33 =	vld [tilespmem:s24+$0x7CD0];
	[tilespmem:s24+$0x7C60] =	vst v3;
	v3 =	vmul.f32 v25, v29  }
0x9b: {  	[tilespmem:s24+$0x7C70] =	vst v31;
	v35 =	vld [tilespmem:s24+$0x7CE0];
	v34 =	vmul.f32 v26, v29  }
0x9c: {  	v36 =	vld [tilespmem:s24+$0x7CF0];
	[tilespmem:s24+$0x7C80] =	vst v3;
	v3 =	vmul.f32 v28, v29  }
0x9d: {  	v37 =	vmul.f32 v30, v29;
	v38 =	vld [tilespmem:s24+$0x7D00];
	[tilespmem:s24+$0x7C90] =	vst v34  }
0x9e: {  	v39 =	vld [tilespmem:s24+$0x7D10];
	[tilespmem:s24+$0x7CA0] =	vst v3;
	v3 =	vmul.f32 v32, v29  }
0x9f: {  	v40 =	vmul.f32 v33, v29;
	[tilespmem:s24+$0x7CB0] =	vst v37;
	v41 =	vld [tilespmem:s24+$0x7D20]  }
0xa0: {  	v43 =	vld [tilespmem:s24+$0x7D30];
	v42 =	vbroadcast v2, $0xA;
	[tilespmem:s24+$0x7CC0] =	vst v3;
	v3 =	vmul.f32 v35, v29  }
0xa1: {  	v44 =	vmul.f32 v36, v29;
	[tilespmem:s24+$0x7CD0] =	vst v40;
	v45 =	vld [tilespmem:s24+$0x7D40]  }
0xa2: {  	v46 =	vld [tilespmem:s24+$0x7D50];
	[tilespmem:s24+$0x7CE0] =	vst v3;
	v3 =	vmul.f32 v38, v42  }
0xa3: {  	[tilespmem:s24+$0x7CF0] =	vst v44;
	v48 =	vld [tilespmem:s24+$0x7D60];
	v47 =	vmul.f32 v39, v42  }
0xa4: {  	v49 =	vld [tilespmem:s24+$0x7D70];
	[tilespmem:s24+$0x7D00] =	vst v3;
	v3 =	vmul.f32 v41, v42  }
0xa5: {  	v50 =	vmul.f32 v43, v42;
	v51 =	vld [tilespmem:s24+$0x7D80];
	[tilespmem:s24+$0x7D10] =	vst v47  }
0xa6: {  	v52 =	vld [tilespmem:s24+$0x7D90];
	[tilespmem:s24+$0x7D20] =	vst v3;
	v3 =	vmul.f32 v45, v42  }
0xa7: {  	v53 =	vmul.f32 v46, v42;
	[tilespmem:s24+$0x7D30] =	vst v50;
	v54 =	vld [tilespmem:s24+$0x7DA0]  }
0xa8: {  	v56 =	vld [tilespmem:s24+$0x7DB0];
	v55 =	vbroadcast v2, $0xB;
	[tilespmem:s24+$0x7D40] =	vst v3;
	v3 =	vmul.f32 v48, v42  }
0xa9: {  	v57 =	vmul.f32 v49, v42;
	[tilespmem:s24+$0x7D50] =	vst v53;
	v58 =	vld [tilespmem:s24+$0x7DC0]  }
0xaa: {  	v59 =	vld [tilespmem:s24+$0x7DD0];
	[tilespmem:s24+$0x7D60] =	vst v3;
	v3 =	vmul.f32 v51, v55  }
0xab: {  	[tilespmem:s24+$0x7D70] =	vst v57;
	v61 =	vld [tilespmem:s24+$0x7DE0];
	v60 =	vmul.f32 v52, v55  }
0xac: {  	v62 =	vld [tilespmem:s24+$0x7DF0];
	[tilespmem:s24+$0x7D80] =	vst v3;
	v3 =	vmul.f32 v54, v55  }
0xad: {  	v63 =	vmul.f32 v56, v55;
	v12 =	vld [tilespmem:s24+$0x7E00];
	[tilespmem:s24+$0x7D90] =	vst v60  }
0xae: {  	v13 =	vld [tilespmem:s24+$0x7E10];
	[tilespmem:s24+$0x7DA0] =	vst v3;
	v3 =	vmul.f32 v58, v55  }
0xaf: {  	v14 =	vmul.f32 v59, v55;
	[tilespmem:s24+$0x7DB0] =	vst v63;
	v15 =	vld [tilespmem:s24+$0x7E20]  }
0xb0: {  	v17 =	vld [tilespmem:s24+$0x7E30];
	v16 =	vbroadcast v2, $0xC;
	[tilespmem:s24+$0x7DC0] =	vst v3;
	v3 =	vmul.f32 v61, v55  }
0xb1: {  	v18 =	vmul.f32 v62, v55;
	[tilespmem:s24+$0x7DD0] =	vst v14;
	v19 =	vld [tilespmem:s24+$0x7E40]  }
0xb2: {  	v20 =	vld [tilespmem:s24+$0x7E50];
	[tilespmem:s24+$0x7DE0] =	vst v3;
	v3 =	vmul.f32 v12, v16  }
0xb3: {  	[tilespmem:s24+$0x7DF0] =	vst v18;
	v22 =	vld [tilespmem:s24+$0x7E60];
	v21 =	vmul.f32 v13, v16  }
0xb4: {  	v23 =	vld [tilespmem:s24+$0x7E70];
	[tilespmem:s24+$0x7E00] =	vst v3;
	v3 =	vmul.f32 v15, v16  }
0xb5: {  	v24 =	vmul.f32 v17, v16;
	v25 =	vld [tilespmem:s24+$0x7E80];
	[tilespmem:s24+$0x7E10] =	vst v21  }
0xb6: {  	v26 =	vld [tilespmem:s24+$0x7E90];
	[tilespmem:s24+$0x7E20] =	vst v3;
	v3 =	vmul.f32 v19, v16  }
0xb7: {  	v27 =	vmul.f32 v20, v16;
	[tilespmem:s24+$0x7E30] =	vst v24;
	v28 =	vld [tilespmem:s24+$0x7EA0]  }
0xb8: {  	v30 =	vld [tilespmem:s24+$0x7EB0];
	v29 =	vbroadcast v2, $0xD;
	[tilespmem:s24+$0x7E40] =	vst v3;
	v3 =	vmul.f32 v22, v16  }
0xb9: {  	v31 =	vmul.f32 v23, v16;
	[tilespmem:s24+$0x7E50] =	vst v27;
	v32 =	vld [tilespmem:s24+$0x7EC0]  }
0xba: {  	v33 =	vld [tilespmem:s24+$0x7ED0];
	[tilespmem:s24+$0x7E60] =	vst v3;
	v3 =	vmul.f32 v25, v29  }
0xbb: {  	[tilespmem:s24+$0x7E70] =	vst v31;
	v35 =	vld [tilespmem:s24+$0x7EE0];
	v34 =	vmul.f32 v26, v29  }
0xbc: {  	v36 =	vld [tilespmem:s24+$0x7EF0];
	[tilespmem:s24+$0x7E80] =	vst v3;
	v3 =	vmul.f32 v28, v29  }
0xbd: {  	v37 =	vmul.f32 v30, v29;
	v38 =	vld [tilespmem:s24+$0x7F00];
	[tilespmem:s24+$0x7E90] =	vst v34  }
0xbe: {  	v39 =	vld [tilespmem:s24+$0x7F10];
	[tilespmem:s24+$0x7EA0] =	vst v3;
	v3 =	vmul.f32 v32, v29  }
0xbf: {  	v40 =	vmul.f32 v33, v29;
	[tilespmem:s24+$0x7EB0] =	vst v37;
	v41 =	vld [tilespmem:s24+$0x7F20]  }
0xc0: {  	v43 =	vld [tilespmem:s24+$0x7F30];
	v42 =	vbroadcast v2, $0xE;
	[tilespmem:s24+$0x7EC0] =	vst v3;
	v3 =	vmul.f32 v35, v29  }
0xc1: {  	v44 =	vmul.f32 v36, v29;
	[tilespmem:s24+$0x7ED0] =	vst v40;
	v45 =	vld [tilespmem:s24+$0x7F40]  }
0xc2: {  	v46 =	vld [tilespmem:s24+$0x7F50];
	[tilespmem:s24+$0x7EE0] =	vst v3;
	v3 =	vmul.f32 v38, v42  }
0xc3: {  	[tilespmem:s24+$0x7EF0] =	vst v44;
	v48 =	vld [tilespmem:s24+$0x7F60];
	v47 =	vmul.f32 v39, v42  }
0xc4: {  	v49 =	vld [tilespmem:s24+$0x7F70];
	[tilespmem:s24+$0x7F00] =	vst v3;
	v3 =	vmul.f32 v41, v42  }
0xc5: {  	v50 =	vmul.f32 v43, v42;
	v51 =	vld [tilespmem:s24+$0x7F80];
	[tilespmem:s24+$0x7F10] =	vst v47  }
0xc6: {  	v52 =	vld [tilespmem:s24+$0x7F90];
	[tilespmem:s24+$0x7F20] =	vst v3;
	v3 =	vmul.f32 v45, v42  }
0xc7: {  	v53 =	vmul.f32 v46, v42;
	[tilespmem:s24+$0x7F30] =	vst v50;
	v54 =	vld [tilespmem:s24+$0x7FA0]  }
0xc8: {  	v2 =	vbroadcast v2, $0xF;
	v58 =	vld [tilespmem:s24+$0x7FD0];
	[tilespmem:s24+$0x7F40] =	vst v3;
	v3 =	vmul.f32 v48, v42  }
0xc9: {  	v57 =	vld [tilespmem:s24+$0x7FC0];
	v56 =	vmul.f32 v49, v42;
	[tilespmem:s24+$0x7F50] =	vst v53  }
0xca: {  	v55 =	vld [tilespmem:s24+$0x7FB0];
	[tilespmem:s24+$0x7F60] =	vst v3;
	v3 =	vmul.f32 v51, v2  }
0xcb: {  	v60 =	vld [tilespmem:s24+$0x7FE0];
	v59 =	vmul.f32 v52, v2;
	[tilespmem:s24+$0x7F70] =	vst v56  }
0xcc: {  	v61 =	vld [tilespmem:s24+$0x7FF0];
	[tilespmem:s24+$0x7F80] =	vst v3;
	v3 =	vmul.f32 v54, v2  }
0xcd: {  	[tilespmem:s24+$0x7F90] =	vst v59;
	v63 =	vmul.f32 v58, v2  }
0xce: {  	p0 =	sne.s32 s23, $0x7;
	[tilespmem:s24+$0x7FA0] =	vst v3;
	v3 =	vmul.f32 v57, v2  }
.Ltmp1:
0xcf: {  	v62 =	vmul.f32 v55, v2;
	[tilespmem:s24+$0x7FD0] =	vst v63;
	(pc) =	sbr.rel @p0 .LBB2_5-.Ltmp1, $4  }
0xd0: {  	[tilespmem:s24+$0x7FC0] =	vst v3;
	v3 =	vmul.f32 v60, v2  }
0xd1: {  	[tilespmem:s24+$0x7FB0] =	vst v62;
	v2 =	vmul.f32 v61, v2  }
0xd2: {  	[tilespmem:s24+$0x7FE0] =	vst v3  }
0xd3: {  	s23 =	sadd.s32 $0x1, s23;
	[tilespmem:s24+$0x7FF0] =	vst v2  }
0xd4: {  	s21 =	sadd.s32 $0x1, s21  }
0xd5: {  	p0 =	sne.s32 s21, $0x4F  }
.Ltmp2:
0xd6: {  	s22 =	sadd.s32 $0x2800, s22;
	(pc) =	sbr.rel @p0 .LBB2_4-.Ltmp2, $4  }
0xd7: {  	[spmem:s1] =	stream.indirect.scatter.add.f32 [tilespmem:s15], [sflag:$0x1], $0x80, s22, s19, $0xb8;
	[tilespmem:$0x1F800] =	vst v63  }
0xd8: {  	_ =	swait.ge [sflag:s16], $0x4000  }
0xd9: {  	[sflag:s16] =	ssyncset.done $0x0  }
0xda: {  	[sflag:s16] =	ssyncadd.s32 $0xFFFFC000  }
0xdb: {  	s3 =	sadd.s32 $0x1, s3  }
0xdc: {  	p0 =	sne.s32 s3, s10  }
.Ltmp3:
0xdd: {  	[bflag:$0x0] =	sbarrier.arrive $0xFFFF;
	s21 =	sshrl.u32 s5, $0x3;
	(pc) =	sbr.rel @p0 .LBB2_1-.Ltmp3, $4  }
0xde: {  	[hbm:s9], [sflag:s20] =	dma.local [spmem:s21], $0x2800  }
0xdf: {  	_ =	swait.ge [sflag:s16], $0x2800  }
0xe0: {  	[sflag:s16] =	ssyncset.done $0x0  }
0xe1: {  	[sflag:s16] =	ssyncadd.s32 $0xFFFFD800  }
0xe2: {  	_ =	sfence.sel $0x180000  }
0xe3: {  	[bflag:$0x0] =	sbarrier.arrive $0xFFFF  }
0xe4: {  	p0 =	sne.s32 s2, $0x0;
	_ =	strace $0x90000047  }
0xe5: {  	s0 =	sadd.s32 @!p0 $0x100000, s0;
	[bflag:$0x2] =	sbarrier.arrive $0xFFFF  }
0xe6: {  	[sflag:s0] =	ssyncadd.tile.s32 @!p0 $0x1;
	_ =	shalt  }
.Lfunc_end2:
_tile_overlayer_lowered:
.L_overlay_start_2:
0xe7: {  	(tag) =	ssettag $0x2  }
0xe8: {  	s0 =	rddreg [dreg:$0x0];
	s2 =	stileid.u32  }
0xe9: {  	s1 =	rddreg [dreg:$0x1];
	p0 =	sne.s32 s2, $0x0  }
0xea: {  	s3 =	rddreg [dreg:$0x2];
	[bflag:$0x3] =	sbarrier.arrive $0xFFFF;
	s2 =	simm.s32 @!p0 $0x1C01  }
0xeb: {  	[timem:s3], [sflag:s2] =	dma.local @!p0 [hbm:s0], s1  }
0xec: {  	s0 =	simm.s32 @!p0 $0x1  }
0xed: {  	_ =	swait.ge @!p0 [sflag:s0], s1  }
0xee: {  	s1 =	ssub.s32 @!p0 $0x0, s1;
	[sflag:s0] =	ssyncset.done @!p0 $0x0  }
0xef: {  	[sflag:s0] =	ssyncadd.s32 @!p0 s1  }
0xf0: {  	[bflag:$0x3] =	sbarrier.arrive $0xFFFF  }
0xf1: {  	_ =	shalt  }

</sc_bundles>
